<compile_context>
chip_gen: v7x
topology: tpu7x:2x2x1
jax: 0.10.2.dev20260603
libtpu: 0.0.44.dev20260713+nightly
codegen_flags: <defaults>
</compile_context>

<pallas_src>
import functools

import jax
import jax.numpy as jnp
from jax import lax
from jax.experimental import pallas as pl
from jax.experimental.pallas import tpu as pltpu
from jax.experimental.pallas import tpu_sc as plsc

L = 16
NQ = 4


def _make_sc_kernel(BN, Nn, Bn, D, CH):
    info = plsc.get_sparse_core_info()
    NC, NS = info.num_cores, info.num_subcores
    NW = NC * NS
    NG = NW // NQ
    CQ = D // NQ
    PG = Nn // NG
    n_chunks = PG // CH
    n_steps = n_chunks * Bn
    V = CQ // L
    LB = Bn.bit_length() - 1
    assert (1 << LB) == Bn
    mesh = plsc.VectorSubcoreMesh(core_axis_name="c", subcore_axis_name="s")

    @functools.partial(
        pl.kernel,
        mesh=mesh,
        out_type=jax.ShapeDtypeStruct((BN, D), jnp.float32),
        scratch_types=[
            pltpu.VMEM((Bn, PG), jnp.int32),
            pltpu.VMEM((256, CQ), jnp.float32),
            pltpu.VMEM((2, CH, CQ), jnp.float32),
            pltpu.VMEM((2, CH, CQ), jnp.float32),
            pltpu.SemaphoreType.DMA,
            pltpu.SemaphoreType.DMA,
        ],
    )
    def k(table_hbm, tok_hbm, pos_hbm, out_hbm, idx_v, tab_v, pbuf, obuf, psem, osem):
        wid = lax.axis_index("s") * NC + lax.axis_index("c")
        q = wid & (NQ - 1)
        g = lax.shift_right_logical(wid, 2)
        qbase = q * CQ
        gbase = g * PG

        pltpu.sync_copy(table_hbm.at[:, pl.ds(qbase, CQ)], tab_v)

        for b in range(Bn):
            pltpu.sync_copy(tok_hbm.at[pl.ds(b * Nn + gbase, PG)], idx_v.at[b])

        def pos_desc(c):
            src = pos_hbm.at[pl.ds(gbase + c * CH, CH), pl.ds(qbase, CQ)]
            return pltpu.make_async_copy(src, pbuf.at[c & 1], psem)

        def out_desc(s):
            c = lax.shift_right_logical(s, LB)
            b = s & (Bn - 1)
            dst = out_hbm.at[pl.ds(b * Nn + gbase + c * CH, CH),
                             pl.ds(qbase, CQ)]
            return pltpu.make_async_copy(obuf.at[s & 1], dst, osem)

        pos_desc(0).start()

        def step(s, _):
            par = s & 1
            c = lax.shift_right_logical(s, LB)
            b = s & (Bn - 1)
            cb = c * CH

            @pl.when(b == 0)
            def _():
                pos_desc(c).wait()

                @pl.when(c + 1 < n_chunks)
                def _():
                    pos_desc(c + 1).start()

            pc = c & 1

            toks = []
            for g16 in range(CH // L):
                tokv = idx_v[b, pl.ds(cb + g16 * L, L)]
                toks += [tokv[r] for r in range(L)]

            @plsc.parallel_loop(0, V, unroll=4)
            def col_body(v):
                vb = lax.shift_left(v, 4)
                sl = pl.ds(pl.multiple_of(vb, L), L)
                for r in range(CH):
                    obuf[par, r, sl] = tab_v[toks[r], sl] + pbuf[pc, r, sl]

            out_desc(s).start()

            @pl.when(s + 1 < n_steps)
            def _():
                @pl.when(s >= 1)
                def _():
                    out_desc(s - 1).wait()

            return 0

        lax.fori_loop(0, n_steps, step, 0)
        out_desc(n_steps - 2).wait()
        out_desc(n_steps - 1).wait()

    return k


def kernel(byte_tokens, byte_embeddings, pos_embedding):
    Bn, Nn = byte_tokens.shape
    D = byte_embeddings.shape[1]
    tok_flat = byte_tokens.reshape(-1).astype(jnp.int32)
    pos_flat = pos_embedding[0, :Nn]
    k = _make_sc_kernel(Bn * Nn, Nn, Bn, D, CH=32)
    out = k(byte_embeddings, tok_flat, pos_flat)
    return out.reshape(Bn, Nn, D)

# --- scband reference (transcript-rebuilt; emitter-appended) ---
"""Pipeline reference for scband-byte-latent-patches-20418274525666 (READ-ONLY COPY).

The authoritative reference and input builder live on the scoring server;
editing this copy changes nothing except your own understanding.
"""

import jax, jax.numpy as jnp
import numpy as np

DIM = 1024
MAX_SEQ = 8192
B = 4
N = 8192

def setup_inputs(seed: int = 0) -> dict:
    key = jax.random.key(seed)
    k1, k2, k3 = jax.random.split(key, 3)
    byte_tokens = jax.random.randint(k1, (B, N), 0, 256, dtype=jnp.int64) if jax.config.jax_enable_x64 else jax.random.randint(k1, (B, N), 0, 256, dtype=jnp.int32)
    byte_embeddings = jax.random.normal(k2, (256, DIM), dtype=jnp.float32)
    pos_embedding = jax.random.normal(k3, (1, MAX_SEQ, DIM), dtype=jnp.float32)
    return {"byte_tokens": byte_tokens, "byte_embeddings": byte_embeddings, "pos_embedding": pos_embedding}

def reference(byte_tokens, byte_embeddings, pos_embedding):
    Bn, Nn = byte_tokens.shape
    x = jnp.take(byte_embeddings, byte_tokens, axis=0)
    x = x + pos_embedding[:, :Nn]
    return x

if __name__ == "__main__":
    import jax
    _d = setup_inputs()
    print(jax.jit(kernel)(*tuple(_d.values())))

</pallas_src>

<mosaic_0001>
#map = affine_map<(d0, d1) -> (0, 0)>
#map1 = affine_map<(d0, d1) -> (0)>
module attributes {stable_mosaic.version = 14 : i64} {
  func.func @k(%arg0: i32, %arg1: i32, %arg2: memref<256x1024xf32, #tpu.memory_space<hbm>>, %arg3: memref<32768xi32, #tpu.memory_space<hbm>>, %arg4: memref<8192x1024xf32, #tpu.memory_space<hbm>>, %arg5: memref<32768x1024xf32, #tpu.memory_space<hbm>>, %arg6: memref<4x1024xi32, #tpu.memory_space<vmem>>, %arg7: memref<256x256xf32, #tpu.memory_space<vmem>>, %arg8: memref<2x32x256xf32, #tpu.memory_space<vmem>>, %arg9: memref<2x32x256xf32, #tpu.memory_space<vmem>>, %arg10: memref<!tpu.dma_semaphore, #tpu.memory_space<semaphore_mem>>, %arg11: memref<!tpu.dma_semaphore, #tpu.memory_space<semaphore_mem>>) attributes {dimension_semantics = [#tpu.dimension_semantics<core_parallel>, #tpu.dimension_semantics<subcore_parallel>], iteration_bounds = array<i64: 2, 16>, scalar_prefetch = 0 : i64, scratch_operands = 6 : i64, tpu.core_type = #tpu.core_type<sc_vector_subcore>, window_params = [{transform_indices = #map}, {transform_indices = #map1}, {transform_indices = #map}, {transform_indices = #map}]} {
    %mul3A = arith.constant 2 : i32
    %mul3A_0 = arith.muli %arg1, %mul3A : i32
    %add3A = arith.addi %mul3A_0, %arg0 : i32
    %and3A = arith.constant 3 : i32
    %and3A_1 = arith.andi %add3A, %and3A : i32
    %shift_right_logical3A = arith.constant 2 : i32
    %shift_right_logical3A_2 = arith.shrui %add3A, %shift_right_logical3A : i32
    %mul3A_3 = arith.constant 256 : i32
    %mul3A_4 = arith.muli %and3A_1, %mul3A_3 : i32
    %mul3A_5 = arith.constant 1024 : i32
    %mul3A_6 = arith.muli %shift_right_logical3A_2, %mul3A_5 : i32
    "tpu.region"() ({
      %run_scoped3A_73 = tpu.sem_alloc : memref<!tpu.dma_semaphore, #tpu.memory_space<semaphore_mem>>
      %dma_start3A_74 = arith.constant 0 : i32
      %dma_start3A_75 = tpu.memref_slice %arg2[%dma_start3A_74, %mul3A_4] : memref<256x1024xf32, #tpu.memory_space<hbm>> -> memref<256x256xf32, #tpu.memory_space<hbm>>
      %dma_start3A_76 = arith.constant 0 : i32
      %dma_start3A_77 = tpu.memref_slice %arg2[%dma_start3A_76, %mul3A_4] : memref<256x1024xf32, #tpu.memory_space<hbm>> -> memref<256x256xf32, #tpu.memory_space<hbm>>
      tpu.enqueue_dma source(%dma_start3A_77 : memref<256x256xf32, #tpu.memory_space<hbm>>) target(%arg7 : memref<256x256xf32, #tpu.memory_space<vmem>>) target_semaphore(%run_scoped3A_73 : memref<!tpu.dma_semaphore, #tpu.memory_space<semaphore_mem>>)
      %dma_wait3A_78 = arith.constant 0 : i32
      %dma_wait3A_79 = tpu.memref_slice %arg2[%dma_wait3A_78, %mul3A_4] : memref<256x1024xf32, #tpu.memory_space<hbm>> -> memref<256x256xf32, #tpu.memory_space<hbm>>
      %dma_wait3A_80 = arith.constant 0 : i32
      %dma_wait3A_81 = tpu.memref_slice %arg2[%dma_wait3A_80, %mul3A_4] : memref<256x1024xf32, #tpu.memory_space<hbm>> -> memref<256x256xf32, #tpu.memory_space<hbm>>
      tpu.wait_dma2 semaphore(%run_scoped3A_73 : memref<!tpu.dma_semaphore, #tpu.memory_space<semaphore_mem>>) src(%dma_wait3A_81 : memref<256x256xf32, #tpu.memory_space<hbm>>) dst(%arg7 : memref<256x256xf32, #tpu.memory_space<vmem>>)
      tpu.yield
    }) : () -> ()
    %add3A_7 = arith.constant 0 : i32
    %add3A_8 = arith.addi %add3A_7, %mul3A_6 : i32
    %run_scoped3A = arith.constant 0 : i32
    "tpu.region"() ({
      %run_scoped3A_73 = tpu.sem_alloc : memref<!tpu.dma_semaphore, #tpu.memory_space<semaphore_mem>>
      %dma_start3A_74 = arith.constant 0 : i32
      %dma_start3A_75 = tpu.memref_slice %arg6[%run_scoped3A, %dma_start3A_74] : memref<4x1024xi32, #tpu.memory_space<vmem>> -> memref<1x1024xi32, #tpu.memory_space<vmem>>
      %dma_start3A_76 = tpu.memref_squeeze %dma_start3A_75 : memref<1x1024xi32, #tpu.memory_space<vmem>> -> memref<1024xi32, #tpu.memory_space<vmem>>
      %dma_start3A_77 = tpu.memref_slice %arg3[%add3A_8] : memref<32768xi32, #tpu.memory_space<hbm>> -> memref<1024xi32, #tpu.memory_space<hbm>>
      %dma_start3A_78 = arith.constant 0 : i32
      %dma_start3A_79 = tpu.memref_slice %arg6[%run_scoped3A, %dma_start3A_78] : memref<4x1024xi32, #tpu.memory_space<vmem>> -> memref<1x1024xi32, #tpu.memory_space<vmem>>
      %dma_start3A_80 = tpu.memref_squeeze %dma_start3A_79 : memref<1x1024xi32, #tpu.memory_space<vmem>> -> memref<1024xi32, #tpu.memory_space<vmem>>
      %dma_start3A_81 = tpu.memref_slice %arg3[%add3A_8] : memref<32768xi32, #tpu.memory_space<hbm>> -> memref<1024xi32, #tpu.memory_space<hbm>>
      tpu.enqueue_dma source(%dma_start3A_81 : memref<1024xi32, #tpu.memory_space<hbm>>) target(%dma_start3A_80 : memref<1024xi32, #tpu.memory_space<vmem>>) target_semaphore(%run_scoped3A_73 : memref<!tpu.dma_semaphore, #tpu.memory_space<semaphore_mem>>)
      %dma_wait3A_82 = arith.constant 0 : i32
      %dma_wait3A_83 = tpu.memref_slice %arg6[%run_scoped3A, %dma_wait3A_82] : memref<4x1024xi32, #tpu.memory_space<vmem>> -> memref<1x1024xi32, #tpu.memory_space<vmem>>
      %dma_wait3A_84 = tpu.memref_squeeze %dma_wait3A_83 : memref<1x1024xi32, #tpu.memory_space<vmem>> -> memref<1024xi32, #tpu.memory_space<vmem>>
      %dma_wait3A_85 = tpu.memref_slice %arg3[%add3A_8] : memref<32768xi32, #tpu.memory_space<hbm>> -> memref<1024xi32, #tpu.memory_space<hbm>>
      %dma_wait3A_86 = arith.constant 0 : i32
      %dma_wait3A_87 = tpu.memref_slice %arg6[%run_scoped3A, %dma_wait3A_86] : memref<4x1024xi32, #tpu.memory_space<vmem>> -> memref<1x1024xi32, #tpu.memory_space<vmem>>
      %dma_wait3A_88 = tpu.memref_squeeze %dma_wait3A_87 : memref<1x1024xi32, #tpu.memory_space<vmem>> -> memref<1024xi32, #tpu.memory_space<vmem>>
      %dma_wait3A_89 = tpu.memref_slice %arg3[%add3A_8] : memref<32768xi32, #tpu.memory_space<hbm>> -> memref<1024xi32, #tpu.memory_space<hbm>>
      tpu.wait_dma2 semaphore(%run_scoped3A_73 : memref<!tpu.dma_semaphore, #tpu.memory_space<semaphore_mem>>) src(%dma_wait3A_89 : memref<1024xi32, #tpu.memory_space<hbm>>) dst(%dma_wait3A_88 : memref<1024xi32, #tpu.memory_space<vmem>>)
      tpu.yield
    }) : () -> ()
    %add3A_9 = arith.constant 8192 : i32
    %add3A_10 = arith.addi %add3A_9, %mul3A_6 : i32
    %run_scoped3A_11 = arith.constant 1 : i32
    "tpu.region"() ({
      %run_scoped3A_73 = tpu.sem_alloc : memref<!tpu.dma_semaphore, #tpu.memory_space<semaphore_mem>>
      %dma_start3A_74 = arith.constant 0 : i32
      %dma_start3A_75 = tpu.memref_slice %arg6[%run_scoped3A_11, %dma_start3A_74] : memref<4x1024xi32, #tpu.memory_space<vmem>> -> memref<1x1024xi32, #tpu.memory_space<vmem>>
      %dma_start3A_76 = tpu.memref_squeeze %dma_start3A_75 : memref<1x1024xi32, #tpu.memory_space<vmem>> -> memref<1024xi32, #tpu.memory_space<vmem>>
      %dma_start3A_77 = tpu.memref_slice %arg3[%add3A_10] : memref<32768xi32, #tpu.memory_space<hbm>> -> memref<1024xi32, #tpu.memory_space<hbm>>
      %dma_start3A_78 = arith.constant 0 : i32
      %dma_start3A_79 = tpu.memref_slice %arg6[%run_scoped3A_11, %dma_start3A_78] : memref<4x1024xi32, #tpu.memory_space<vmem>> -> memref<1x1024xi32, #tpu.memory_space<vmem>>
      %dma_start3A_80 = tpu.memref_squeeze %dma_start3A_79 : memref<1x1024xi32, #tpu.memory_space<vmem>> -> memref<1024xi32, #tpu.memory_space<vmem>>
      %dma_start3A_81 = tpu.memref_slice %arg3[%add3A_10] : memref<32768xi32, #tpu.memory_space<hbm>> -> memref<1024xi32, #tpu.memory_space<hbm>>
      tpu.enqueue_dma source(%dma_start3A_81 : memref<1024xi32, #tpu.memory_space<hbm>>) target(%dma_start3A_80 : memref<1024xi32, #tpu.memory_space<vmem>>) target_semaphore(%run_scoped3A_73 : memref<!tpu.dma_semaphore, #tpu.memory_space<semaphore_mem>>)
      %dma_wait3A_82 = arith.constant 0 : i32
      %dma_wait3A_83 = tpu.memref_slice %arg6[%run_scoped3A_11, %dma_wait3A_82] : memref<4x1024xi32, #tpu.memory_space<vmem>> -> memref<1x1024xi32, #tpu.memory_space<vmem>>
      %dma_wait3A_84 = tpu.memref_squeeze %dma_wait3A_83 : memref<1x1024xi32, #tpu.memory_space<vmem>> -> memref<1024xi32, #tpu.memory_space<vmem>>
      %dma_wait3A_85 = tpu.memref_slice %arg3[%add3A_10] : memref<32768xi32, #tpu.memory_space<hbm>> -> memref<1024xi32, #tpu.memory_space<hbm>>
      %dma_wait3A_86 = arith.constant 0 : i32
      %dma_wait3A_87 = tpu.memref_slice %arg6[%run_scoped3A_11, %dma_wait3A_86] : memref<4x1024xi32, #tpu.memory_space<vmem>> -> memref<1x1024xi32, #tpu.memory_space<vmem>>
      %dma_wait3A_88 = tpu.memref_squeeze %dma_wait3A_87 : memref<1x1024xi32, #tpu.memory_space<vmem>> -> memref<1024xi32, #tpu.memory_space<vmem>>
      %dma_wait3A_89 = tpu.memref_slice %arg3[%add3A_10] : memref<32768xi32, #tpu.memory_space<hbm>> -> memref<1024xi32, #tpu.memory_space<hbm>>
      tpu.wait_dma2 semaphore(%run_scoped3A_73 : memref<!tpu.dma_semaphore, #tpu.memory_space<semaphore_mem>>) src(%dma_wait3A_89 : memref<1024xi32, #tpu.memory_space<hbm>>) dst(%dma_wait3A_88 : memref<1024xi32, #tpu.memory_space<vmem>>)
      tpu.yield
    }) : () -> ()
    %add3A_12 = arith.constant 16384 : i32
    %add3A_13 = arith.addi %add3A_12, %mul3A_6 : i32
    %run_scoped3A_14 = arith.constant 2 : i32
    "tpu.region"() ({
      %run_scoped3A_73 = tpu.sem_alloc : memref<!tpu.dma_semaphore, #tpu.memory_space<semaphore_mem>>
      %dma_start3A_74 = arith.constant 0 : i32
      %dma_start3A_75 = tpu.memref_slice %arg6[%run_scoped3A_14, %dma_start3A_74] : memref<4x1024xi32, #tpu.memory_space<vmem>> -> memref<1x1024xi32, #tpu.memory_space<vmem>>
      %dma_start3A_76 = tpu.memref_squeeze %dma_start3A_75 : memref<1x1024xi32, #tpu.memory_space<vmem>> -> memref<1024xi32, #tpu.memory_space<vmem>>
      %dma_start3A_77 = tpu.memref_slice %arg3[%add3A_13] : memref<32768xi32, #tpu.memory_space<hbm>> -> memref<1024xi32, #tpu.memory_space<hbm>>
      %dma_start3A_78 = arith.constant 0 : i32
      %dma_start3A_79 = tpu.memref_slice %arg6[%run_scoped3A_14, %dma_start3A_78] : memref<4x1024xi32, #tpu.memory_space<vmem>> -> memref<1x1024xi32, #tpu.memory_space<vmem>>
      %dma_start3A_80 = tpu.memref_squeeze %dma_start3A_79 : memref<1x1024xi32, #tpu.memory_space<vmem>> -> memref<1024xi32, #tpu.memory_space<vmem>>
      %dma_start3A_81 = tpu.memref_slice %arg3[%add3A_13] : memref<32768xi32, #tpu.memory_space<hbm>> -> memref<1024xi32, #tpu.memory_space<hbm>>
      tpu.enqueue_dma source(%dma_start3A_81 : memref<1024xi32, #tpu.memory_space<hbm>>) target(%dma_start3A_80 : memref<1024xi32, #tpu.memory_space<vmem>>) target_semaphore(%run_scoped3A_73 : memref<!tpu.dma_semaphore, #tpu.memory_space<semaphore_mem>>)
      %dma_wait3A_82 = arith.constant 0 : i32
      %dma_wait3A_83 = tpu.memref_slice %arg6[%run_scoped3A_14, %dma_wait3A_82] : memref<4x1024xi32, #tpu.memory_space<vmem>> -> memref<1x1024xi32, #tpu.memory_space<vmem>>
      %dma_wait3A_84 = tpu.memref_squeeze %dma_wait3A_83 : memref<1x1024xi32, #tpu.memory_space<vmem>> -> memref<1024xi32, #tpu.memory_space<vmem>>
      %dma_wait3A_85 = tpu.memref_slice %arg3[%add3A_13] : memref<32768xi32, #tpu.memory_space<hbm>> -> memref<1024xi32, #tpu.memory_space<hbm>>
      %dma_wait3A_86 = arith.constant 0 : i32
      %dma_wait3A_87 = tpu.memref_slice %arg6[%run_scoped3A_14, %dma_wait3A_86] : memref<4x1024xi32, #tpu.memory_space<vmem>> -> memref<1x1024xi32, #tpu.memory_space<vmem>>
      %dma_wait3A_88 = tpu.memref_squeeze %dma_wait3A_87 : memref<1x1024xi32, #tpu.memory_space<vmem>> -> memref<1024xi32, #tpu.memory_space<vmem>>
      %dma_wait3A_89 = tpu.memref_slice %arg3[%add3A_13] : memref<32768xi32, #tpu.memory_space<hbm>> -> memref<1024xi32, #tpu.memory_space<hbm>>
      tpu.wait_dma2 semaphore(%run_scoped3A_73 : memref<!tpu.dma_semaphore, #tpu.memory_space<semaphore_mem>>) src(%dma_wait3A_89 : memref<1024xi32, #tpu.memory_space<hbm>>) dst(%dma_wait3A_88 : memref<1024xi32, #tpu.memory_space<vmem>>)
      tpu.yield
    }) : () -> ()
    %add3A_15 = arith.constant 24576 : i32
    %add3A_16 = arith.addi %add3A_15, %mul3A_6 : i32
    %run_scoped3A_17 = arith.constant 3 : i32
    "tpu.region"() ({
      %run_scoped3A_73 = tpu.sem_alloc : memref<!tpu.dma_semaphore, #tpu.memory_space<semaphore_mem>>
      %dma_start3A_74 = arith.constant 0 : i32
      %dma_start3A_75 = tpu.memref_slice %arg6[%run_scoped3A_17, %dma_start3A_74] : memref<4x1024xi32, #tpu.memory_space<vmem>> -> memref<1x1024xi32, #tpu.memory_space<vmem>>
      %dma_start3A_76 = tpu.memref_squeeze %dma_start3A_75 : memref<1x1024xi32, #tpu.memory_space<vmem>> -> memref<1024xi32, #tpu.memory_space<vmem>>
      %dma_start3A_77 = tpu.memref_slice %arg3[%add3A_16] : memref<32768xi32, #tpu.memory_space<hbm>> -> memref<1024xi32, #tpu.memory_space<hbm>>
      %dma_start3A_78 = arith.constant 0 : i32
      %dma_start3A_79 = tpu.memref_slice %arg6[%run_scoped3A_17, %dma_start3A_78] : memref<4x1024xi32, #tpu.memory_space<vmem>> -> memref<1x1024xi32, #tpu.memory_space<vmem>>
      %dma_start3A_80 = tpu.memref_squeeze %dma_start3A_79 : memref<1x1024xi32, #tpu.memory_space<vmem>> -> memref<1024xi32, #tpu.memory_space<vmem>>
      %dma_start3A_81 = tpu.memref_slice %arg3[%add3A_16] : memref<32768xi32, #tpu.memory_space<hbm>> -> memref<1024xi32, #tpu.memory_space<hbm>>
      tpu.enqueue_dma source(%dma_start3A_81 : memref<1024xi32, #tpu.memory_space<hbm>>) target(%dma_start3A_80 : memref<1024xi32, #tpu.memory_space<vmem>>) target_semaphore(%run_scoped3A_73 : memref<!tpu.dma_semaphore, #tpu.memory_space<semaphore_mem>>)
      %dma_wait3A_82 = arith.constant 0 : i32
      %dma_wait3A_83 = tpu.memref_slice %arg6[%run_scoped3A_17, %dma_wait3A_82] : memref<4x1024xi32, #tpu.memory_space<vmem>> -> memref<1x1024xi32, #tpu.memory_space<vmem>>
      %dma_wait3A_84 = tpu.memref_squeeze %dma_wait3A_83 : memref<1x1024xi32, #tpu.memory_space<vmem>> -> memref<1024xi32, #tpu.memory_space<vmem>>
      %dma_wait3A_85 = tpu.memref_slice %arg3[%add3A_16] : memref<32768xi32, #tpu.memory_space<hbm>> -> memref<1024xi32, #tpu.memory_space<hbm>>
      %dma_wait3A_86 = arith.constant 0 : i32
      %dma_wait3A_87 = tpu.memref_slice %arg6[%run_scoped3A_17, %dma_wait3A_86] : memref<4x1024xi32, #tpu.memory_space<vmem>> -> memref<1x1024xi32, #tpu.memory_space<vmem>>
      %dma_wait3A_88 = tpu.memref_squeeze %dma_wait3A_87 : memref<1x1024xi32, #tpu.memory_space<vmem>> -> memref<1024xi32, #tpu.memory_space<vmem>>
      %dma_wait3A_89 = tpu.memref_slice %arg3[%add3A_16] : memref<32768xi32, #tpu.memory_space<hbm>> -> memref<1024xi32, #tpu.memory_space<hbm>>
      tpu.wait_dma2 semaphore(%run_scoped3A_73 : memref<!tpu.dma_semaphore, #tpu.memory_space<semaphore_mem>>) src(%dma_wait3A_89 : memref<1024xi32, #tpu.memory_space<hbm>>) dst(%dma_wait3A_88 : memref<1024xi32, #tpu.memory_space<vmem>>)
      tpu.yield
    }) : () -> ()
    %add3A_18 = arith.constant 0 : i32
    %add3A_19 = arith.addi %mul3A_6, %add3A_18 : i32
    %dma_start3A = arith.constant 0 : i32
    %dma_start3A_20 = arith.constant 0 : i32
    %dma_start3A_21 = arith.constant 0 : i32
    %dma_start3A_22 = tpu.memref_slice %arg8[%dma_start3A, %dma_start3A_20, %dma_start3A_21] : memref<2x32x256xf32, #tpu.memory_space<vmem>> -> memref<1x32x256xf32, #tpu.memory_space<vmem>>
    %dma_start3A_23 = tpu.memref_squeeze %dma_start3A_22 : memref<1x32x256xf32, #tpu.memory_space<vmem>> -> memref<32x256xf32, #tpu.memory_space<vmem>>
    %dma_start3A_24 = tpu.memref_slice %arg4[%add3A_19, %mul3A_4] : memref<8192x1024xf32, #tpu.memory_space<hbm>> -> memref<32x256xf32, #tpu.memory_space<hbm>>
    %dma_start3A_25 = arith.constant 0 : i32
    %dma_start3A_26 = arith.constant 0 : i32
    %dma_start3A_27 = tpu.memref_slice %arg8[%dma_start3A, %dma_start3A_25, %dma_start3A_26] : memref<2x32x256xf32, #tpu.memory_space<vmem>> -> memref<1x32x256xf32, #tpu.memory_space<vmem>>
    %dma_start3A_28 = tpu.memref_squeeze %dma_start3A_27 : memref<1x32x256xf32, #tpu.memory_space<vmem>> -> memref<32x256xf32, #tpu.memory_space<vmem>>
    %dma_start3A_29 = tpu.memref_slice %arg4[%add3A_19, %mul3A_4] : memref<8192x1024xf32, #tpu.memory_space<hbm>> -> memref<32x256xf32, #tpu.memory_space<hbm>>
    tpu.enqueue_dma source(%dma_start3A_29 : memref<32x256xf32, #tpu.memory_space<hbm>>) target(%dma_start3A_28 : memref<32x256xf32, #tpu.memory_space<vmem>>) target_semaphore(%arg10 : memref<!tpu.dma_semaphore, #tpu.memory_space<semaphore_mem>>)
    %scan3A = arith.constant 0 : i32
    %scan3A_30 = arith.constant 0 : i32
    %scan3A_31 = arith.constant 128 : i32
    %scan3A_32 = arith.addi %scan3A_30, %scan3A_31 : i32
    %scan3A_33 = arith.constant 1 : i32
    %scan3A_34 = scf.for %scan3A_73 = %scan3A_30 to %scan3A_32 step %scan3A_33 iter_args(%scan3A_74 = %scan3A) -> (i32)  : i32 {
      %and3A_75 = arith.constant 1 : i32
      %and3A_76 = arith.andi %scan3A_73, %and3A_75 : i32
      %shift_right_logical3A_77 = arith.constant 2 : i32
      %shift_right_logical3A_78 = arith.shrui %scan3A_73, %shift_right_logical3A_77 : i32
      %and3A_79 = arith.constant 3 : i32
      %and3A_80 = arith.andi %scan3A_73, %and3A_79 : i32
      %mul3A_81 = arith.constant 32 : i32
      %mul3A_82 = arith.muli %shift_right_logical3A_78, %mul3A_81 : i32
      %eq3A = arith.constant 0 : i32
      %eq3A_83 = arith.cmpi eq, %and3A_80, %eq3A : i32
      %convert_element_type3A = arith.extui %eq3A_83 : i1 to i32
      %cond3A = arith.constant 0 : i32
      %cond3A_84 = arith.cmpi ne, %convert_element_type3A, %cond3A : i32
      scf.if %cond3A_84 {
        %mul3A_191 = arith.constant 32 : i32
        %mul3A_192 = arith.muli %shift_right_logical3A_78, %mul3A_191 : i32
        %add3A_193 = arith.addi %mul3A_6, %mul3A_192 : i32
        %and3A_194 = arith.constant 1 : i32
        %and3A_195 = arith.andi %shift_right_logical3A_78, %and3A_194 : i32
        %dma_wait3A_196 = arith.constant 0 : i32
        %dma_wait3A_197 = arith.constant 0 : i32
        %dma_wait3A_198 = tpu.memref_slice %arg8[%and3A_195, %dma_wait3A_196, %dma_wait3A_197] : memref<2x32x256xf32, #tpu.memory_space<vmem>> -> memref<1x32x256xf32, #tpu.memory_space<vmem>>
        %dma_wait3A_199 = tpu.memref_squeeze %dma_wait3A_198 : memref<1x32x256xf32, #tpu.memory_space<vmem>> -> memref<32x256xf32, #tpu.memory_space<vmem>>
        %dma_wait3A_200 = tpu.memref_slice %arg4[%add3A_193, %mul3A_4] : memref<8192x1024xf32, #tpu.memory_space<hbm>> -> memref<32x256xf32, #tpu.memory_space<hbm>>
        %dma_wait3A_201 = arith.constant 0 : i32
        %dma_wait3A_202 = arith.constant 0 : i32
        %dma_wait3A_203 = tpu.memref_slice %arg8[%and3A_195, %dma_wait3A_201, %dma_wait3A_202] : memref<2x32x256xf32, #tpu.memory_space<vmem>> -> memref<1x32x256xf32, #tpu.memory_space<vmem>>
        %dma_wait3A_204 = tpu.memref_squeeze %dma_wait3A_203 : memref<1x32x256xf32, #tpu.memory_space<vmem>> -> memref<32x256xf32, #tpu.memory_space<vmem>>
        %dma_wait3A_205 = tpu.memref_slice %arg4[%add3A_193, %mul3A_4] : memref<8192x1024xf32, #tpu.memory_space<hbm>> -> memref<32x256xf32, #tpu.memory_space<hbm>>
        tpu.wait_dma2 semaphore(%arg10 : memref<!tpu.dma_semaphore, #tpu.memory_space<semaphore_mem>>) src(%dma_wait3A_205 : memref<32x256xf32, #tpu.memory_space<hbm>>) dst(%dma_wait3A_204 : memref<32x256xf32, #tpu.memory_space<vmem>>)
        %add3A_206 = arith.constant 1 : i32
        %add3A_207 = arith.addi %shift_right_logical3A_78, %add3A_206 : i32
        %lt3A_208 = arith.constant 32 : i32
        %lt3A_209 = arith.cmpi slt, %add3A_207, %lt3A_208 : i32
        %convert_element_type3A_210 = arith.extui %lt3A_209 : i1 to i32
        %cond3A_211 = arith.constant 0 : i32
        %cond3A_212 = arith.cmpi ne, %convert_element_type3A_210, %cond3A_211 : i32
        scf.if %cond3A_212 {
          %add3A_213 = arith.constant 1 : i32
          %add3A_214 = arith.addi %shift_right_logical3A_78, %add3A_213 : i32
          %mul3A_215 = arith.constant 32 : i32
          %mul3A_216 = arith.muli %add3A_214, %mul3A_215 : i32
          %add3A_217 = arith.addi %mul3A_6, %mul3A_216 : i32
          %and3A_218 = arith.constant 1 : i32
          %and3A_219 = arith.andi %add3A_214, %and3A_218 : i32
          %dma_start3A_220 = arith.constant 0 : i32
          %dma_start3A_221 = arith.constant 0 : i32
          %dma_start3A_222 = tpu.memref_slice %arg8[%and3A_219, %dma_start3A_220, %dma_start3A_221] : memref<2x32x256xf32, #tpu.memory_space<vmem>> -> memref<1x32x256xf32, #tpu.memory_space<vmem>>
          %dma_start3A_223 = tpu.memref_squeeze %dma_start3A_222 : memref<1x32x256xf32, #tpu.memory_space<vmem>> -> memref<32x256xf32, #tpu.memory_space<vmem>>
          %dma_start3A_224 = tpu.memref_slice %arg4[%add3A_217, %mul3A_4] : memref<8192x1024xf32, #tpu.memory_space<hbm>> -> memref<32x256xf32, #tpu.memory_space<hbm>>
          %dma_start3A_225 = arith.constant 0 : i32
          %dma_start3A_226 = arith.constant 0 : i32
          %dma_start3A_227 = tpu.memref_slice %arg8[%and3A_219, %dma_start3A_225, %dma_start3A_226] : memref<2x32x256xf32, #tpu.memory_space<vmem>> -> memref<1x32x256xf32, #tpu.memory_space<vmem>>
          %dma_start3A_228 = tpu.memref_squeeze %dma_start3A_227 : memref<1x32x256xf32, #tpu.memory_space<vmem>> -> memref<32x256xf32, #tpu.memory_space<vmem>>
          %dma_start3A_229 = tpu.memref_slice %arg4[%add3A_217, %mul3A_4] : memref<8192x1024xf32, #tpu.memory_space<hbm>> -> memref<32x256xf32, #tpu.memory_space<hbm>>
          tpu.enqueue_dma source(%dma_start3A_229 : memref<32x256xf32, #tpu.memory_space<hbm>>) target(%dma_start3A_228 : memref<32x256xf32, #tpu.memory_space<vmem>>) target_semaphore(%arg10 : memref<!tpu.dma_semaphore, #tpu.memory_space<semaphore_mem>>)
        } else {
        }
      } else {
      }
      %and3A_85 = arith.constant 1 : i32
      %and3A_86 = arith.andi %shift_right_logical3A_78, %and3A_85 : i32
      %add3A_87 = arith.constant 0 : i32
      %add3A_88 = arith.addi %mul3A_82, %add3A_87 : i32
      %get3A = arith.index_cast %and3A_80 : i32 to index
      %get3A_89 = arith.index_cast %add3A_88 : i32 to index
      %get3A_90 = tpu.vector_load %arg6[%get3A, %get3A_89] {strides = array<i32>} : memref<4x1024xi32, #tpu.memory_space<vmem>>, vector<1x16xi32>,
      %get3A_91 = vector.shape_cast %get3A_90 : vector<1x16xi32> to vector<16xi32>
      %slice3A = vector.extract_strided_slice %get3A_91 {offsets = [0], sizes = [1], strides = [1]} : vector<16xi32> to vector<1xi32>
      %squeeze3A = vector.extract %slice3A[0] : i32 from vector<1xi32>
      %slice3A_92 = vector.extract_strided_slice %get3A_91 {offsets = [1], sizes = [1], strides = [1]} : vector<16xi32> to vector<1xi32>
      %squeeze3A_93 = vector.extract %slice3A_92[0] : i32 from vector<1xi32>
      %slice3A_94 = vector.extract_strided_slice %get3A_91 {offsets = [2], sizes = [1], strides = [1]} : vector<16xi32> to vector<1xi32>
      %squeeze3A_95 = vector.extract %slice3A_94[0] : i32 from vector<1xi32>
      %slice3A_96 = vector.extract_strided_slice %get3A_91 {offsets = [3], sizes = [1], strides = [1]} : vector<16xi32> to vector<1xi32>
      %squeeze3A_97 = vector.extract %slice3A_96[0] : i32 from vector<1xi32>
      %slice3A_98 = vector.extract_strided_slice %get3A_91 {offsets = [4], sizes = [1], strides = [1]} : vector<16xi32> to vector<1xi32>
      %squeeze3A_99 = vector.extract %slice3A_98[0] : i32 from vector<1xi32>
      %slice3A_100 = vector.extract_strided_slice %get3A_91 {offsets = [5], sizes = [1], strides = [1]} : vector<16xi32> to vector<1xi32>
      %squeeze3A_101 = vector.extract %slice3A_100[0] : i32 from vector<1xi32>
      %slice3A_102 = vector.extract_strided_slice %get3A_91 {offsets = [6], sizes = [1], strides = [1]} : vector<16xi32> to vector<1xi32>
      %squeeze3A_103 = vector.extract %slice3A_102[0] : i32 from vector<1xi32>
      %slice3A_104 = vector.extract_strided_slice %get3A_91 {offsets = [7], sizes = [1], strides = [1]} : vector<16xi32> to vector<1xi32>
      %squeeze3A_105 = vector.extract %slice3A_104[0] : i32 from vector<1xi32>
      %slice3A_106 = vector.extract_strided_slice %get3A_91 {offsets = [8], sizes = [1], strides = [1]} : vector<16xi32> to vector<1xi32>
      %squeeze3A_107 = vector.extract %slice3A_106[0] : i32 from vector<1xi32>
      %slice3A_108 = vector.extract_strided_slice %get3A_91 {offsets = [9], sizes = [1], strides = [1]} : vector<16xi32> to vector<1xi32>
      %squeeze3A_109 = vector.extract %slice3A_108[0] : i32 from vector<1xi32>
      %slice3A_110 = vector.extract_strided_slice %get3A_91 {offsets = [10], sizes = [1], strides = [1]} : vector<16xi32> to vector<1xi32>
      %squeeze3A_111 = vector.extract %slice3A_110[0] : i32 from vector<1xi32>
      %slice3A_112 = vector.extract_strided_slice %get3A_91 {offsets = [11], sizes = [1], strides = [1]} : vector<16xi32> to vector<1xi32>
      %squeeze3A_113 = vector.extract %slice3A_112[0] : i32 from vector<1xi32>
      %slice3A_114 = vector.extract_strided_slice %get3A_91 {offsets = [12], sizes = [1], strides = [1]} : vector<16xi32> to vector<1xi32>
      %squeeze3A_115 = vector.extract %slice3A_114[0] : i32 from vector<1xi32>
      %slice3A_116 = vector.extract_strided_slice %get3A_91 {offsets = [13], sizes = [1], strides = [1]} : vector<16xi32> to vector<1xi32>
      %squeeze3A_117 = vector.extract %slice3A_116[0] : i32 from vector<1xi32>
      %slice3A_118 = vector.extract_strided_slice %get3A_91 {offsets = [14], sizes = [1], strides = [1]} : vector<16xi32> to vector<1xi32>
      %squeeze3A_119 = vector.extract %slice3A_118[0] : i32 from vector<1xi32>
      %slice3A_120 = vector.extract_strided_slice %get3A_91 {offsets = [15], sizes = [1], strides = [1]} : vector<16xi32> to vector<1xi32>
      %squeeze3A_121 = vector.extract %slice3A_120[0] : i32 from vector<1xi32>
      %add3A_122 = arith.constant 16 : i32
      %add3A_123 = arith.addi %mul3A_82, %add3A_122 : i32
      %get3A_124 = arith.index_cast %and3A_80 : i32 to index
      %get3A_125 = arith.index_cast %add3A_123 : i32 to index
      %get3A_126 = tpu.vector_load %arg6[%get3A_124, %get3A_125] {strides = array<i32>} : memref<4x1024xi32, #tpu.memory_space<vmem>>, vector<1x16xi32>,
      %get3A_127 = vector.shape_cast %get3A_126 : vector<1x16xi32> to vector<16xi32>
      %slice3A_128 = vector.extract_strided_slice %get3A_127 {offsets = [0], sizes = [1], strides = [1]} : vector<16xi32> to vector<1xi32>
      %squeeze3A_129 = vector.extract %slice3A_128[0] : i32 from vector<1xi32>
      %slice3A_130 = vector.extract_strided_slice %get3A_127 {offsets = [1], sizes = [1], strides = [1]} : vector<16xi32> to vector<1xi32>
      %squeeze3A_131 = vector.extract %slice3A_130[0] : i32 from vector<1xi32>
      %slice3A_132 = vector.extract_strided_slice %get3A_127 {offsets = [2], sizes = [1], strides = [1]} : vector<16xi32> to vector<1xi32>
      %squeeze3A_133 = vector.extract %slice3A_132[0] : i32 from vector<1xi32>
      %slice3A_134 = vector.extract_strided_slice %get3A_127 {offsets = [3], sizes = [1], strides = [1]} : vector<16xi32> to vector<1xi32>
      %squeeze3A_135 = vector.extract %slice3A_134[0] : i32 from vector<1xi32>
      %slice3A_136 = vector.extract_strided_slice %get3A_127 {offsets = [4], sizes = [1], strides = [1]} : vector<16xi32> to vector<1xi32>
      %squeeze3A_137 = vector.extract %slice3A_136[0] : i32 from vector<1xi32>
      %slice3A_138 = vector.extract_strided_slice %get3A_127 {offsets = [5], sizes = [1], strides = [1]} : vector<16xi32> to vector<1xi32>
      %squeeze3A_139 = vector.extract %slice3A_138[0] : i32 from vector<1xi32>
      %slice3A_140 = vector.extract_strided_slice %get3A_127 {offsets = [6], sizes = [1], strides = [1]} : vector<16xi32> to vector<1xi32>
      %squeeze3A_141 = vector.extract %slice3A_140[0] : i32 from vector<1xi32>
      %slice3A_142 = vector.extract_strided_slice %get3A_127 {offsets = [7], sizes = [1], strides = [1]} : vector<16xi32> to vector<1xi32>
      %squeeze3A_143 = vector.extract %slice3A_142[0] : i32 from vector<1xi32>
      %slice3A_144 = vector.extract_strided_slice %get3A_127 {offsets = [8], sizes = [1], strides = [1]} : vector<16xi32> to vector<1xi32>
      %squeeze3A_145 = vector.extract %slice3A_144[0] : i32 from vector<1xi32>
      %slice3A_146 = vector.extract_strided_slice %get3A_127 {offsets = [9], sizes = [1], strides = [1]} : vector<16xi32> to vector<1xi32>
      %squeeze3A_147 = vector.extract %slice3A_146[0] : i32 from vector<1xi32>
      %slice3A_148 = vector.extract_strided_slice %get3A_127 {offsets = [10], sizes = [1], strides = [1]} : vector<16xi32> to vector<1xi32>
      %squeeze3A_149 = vector.extract %slice3A_148[0] : i32 from vector<1xi32>
      %slice3A_150 = vector.extract_strided_slice %get3A_127 {offsets = [11], sizes = [1], strides = [1]} : vector<16xi32> to vector<1xi32>
      %squeeze3A_151 = vector.extract %slice3A_150[0] : i32 from vector<1xi32>
      %slice3A_152 = vector.extract_strided_slice %get3A_127 {offsets = [12], sizes = [1], strides = [1]} : vector<16xi32> to vector<1xi32>
      %squeeze3A_153 = vector.extract %slice3A_152[0] : i32 from vector<1xi32>
      %slice3A_154 = vector.extract_strided_slice %get3A_127 {offsets = [13], sizes = [1], strides = [1]} : vector<16xi32> to vector<1xi32>
      %squeeze3A_155 = vector.extract %slice3A_154[0] : i32 from vector<1xi32>
      %slice3A_156 = vector.extract_strided_slice %get3A_127 {offsets = [14], sizes = [1], strides = [1]} : vector<16xi32> to vector<1xi32>
      %squeeze3A_157 = vector.extract %slice3A_156[0] : i32 from vector<1xi32>
      %slice3A_158 = vector.extract_strided_slice %get3A_127 {offsets = [15], sizes = [1], strides = [1]} : vector<16xi32> to vector<1xi32>
      %squeeze3A_159 = vector.extract %slice3A_158[0] : i32 from vector<1xi32>
      %parallel_loop3A = arith.constant 0 : i32
      %parallel_loop3A_160 = arith.constant 16 : i32
      %parallel_loop3A_161 = arith.constant 1 : i32
      scf.for %parallel_loop3A_191 = %parallel_loop3A to %parallel_loop3A_160 step %parallel_loop3A_161  : i32 {
        %parallel_loop3A_192 = arith.constant 4 : i32
        %parallel_loop3A_193 = arith.shli %parallel_loop3A_191, %parallel_loop3A_192 : i32
        %parallel_loop3A_194 = tpu.assume_multiple %parallel_loop3A_193, 16 : i32
        %parallel_loop3A_195 = arith.index_cast %squeeze3A : i32 to index
        %parallel_loop3A_196 = arith.index_cast %parallel_loop3A_194 : i32 to index
        %parallel_loop3A_197 = tpu.vector_load %arg7[%parallel_loop3A_195, %parallel_loop3A_196] {strides = array<i32>} : memref<256x256xf32, #tpu.memory_space<vmem>>, vector<1x16xf32>,
        %parallel_loop3A_198 = vector.shape_cast %parallel_loop3A_197 : vector<1x16xf32> to vector<16xf32>
        %parallel_loop3A_199 = arith.constant 0 : i32
        %parallel_loop3A_200 = arith.index_cast %and3A_86 : i32 to index
        %parallel_loop3A_201 = arith.index_cast %parallel_loop3A_199 : i32 to index
        %parallel_loop3A_202 = arith.index_cast %parallel_loop3A_194 : i32 to index
        %parallel_loop3A_203 = tpu.vector_load %arg8[%parallel_loop3A_200, %parallel_loop3A_201, %parallel_loop3A_202] {strides = array<i32>} : memref<2x32x256xf32, #tpu.memory_space<vmem>>, vector<1x1x16xf32>,
        %parallel_loop3A_204 = vector.shape_cast %parallel_loop3A_203 : vector<1x1x16xf32> to vector<16xf32>
        %parallel_loop3A_205 = arith.addf %parallel_loop3A_198, %parallel_loop3A_204 : vector<16xf32>
        %parallel_loop3A_206 = arith.constant 0 : i32
        %parallel_loop3A_207 = arith.index_cast %and3A_76 : i32 to index
        %parallel_loop3A_208 = arith.index_cast %parallel_loop3A_206 : i32 to index
        %parallel_loop3A_209 = arith.index_cast %parallel_loop3A_194 : i32 to index
        %parallel_loop3A_210 = tpu.vector_load %arg9[%parallel_loop3A_207, %parallel_loop3A_208, %parallel_loop3A_209] {strides = array<i32>} : memref<2x32x256xf32, #tpu.memory_space<vmem>>, vector<1x1x16xf32>,
        %parallel_loop3A_211 = vector.shape_cast %parallel_loop3A_210 : vector<1x1x16xf32> to vector<16xf32>
        %parallel_loop3A_212 = vector.shape_cast %parallel_loop3A_205 : vector<16xf32> to vector<1x1x16xf32>
        tpu.vector_store %arg9[%parallel_loop3A_207, %parallel_loop3A_208, %parallel_loop3A_209], %parallel_loop3A_212 {strides = array<i32>} : memref<2x32x256xf32, #tpu.memory_space<vmem>>, vector<1x1x16xf32>,
        %parallel_loop3A_213 = arith.index_cast %squeeze3A_93 : i32 to index
        %parallel_loop3A_214 = arith.index_cast %parallel_loop3A_194 : i32 to index
        %parallel_loop3A_215 = tpu.vector_load %arg7[%parallel_loop3A_213, %parallel_loop3A_214] {strides = array<i32>} : memref<256x256xf32, #tpu.memory_space<vmem>>, vector<1x16xf32>,
        %parallel_loop3A_216 = vector.shape_cast %parallel_loop3A_215 : vector<1x16xf32> to vector<16xf32>
        %parallel_loop3A_217 = arith.constant 1 : i32
        %parallel_loop3A_218 = arith.index_cast %and3A_86 : i32 to index
        %parallel_loop3A_219 = arith.index_cast %parallel_loop3A_217 : i32 to index
        %parallel_loop3A_220 = arith.index_cast %parallel_loop3A_194 : i32 to index
        %parallel_loop3A_221 = tpu.vector_load %arg8[%parallel_loop3A_218, %parallel_loop3A_219, %parallel_loop3A_220] {strides = array<i32>} : memref<2x32x256xf32, #tpu.memory_space<vmem>>, vector<1x1x16xf32>,
        %parallel_loop3A_222 = vector.shape_cast %parallel_loop3A_221 : vector<1x1x16xf32> to vector<16xf32>
        %parallel_loop3A_223 = arith.addf %parallel_loop3A_216, %parallel_loop3A_222 : vector<16xf32>
        %parallel_loop3A_224 = arith.constant 1 : i32
        %parallel_loop3A_225 = arith.index_cast %and3A_76 : i32 to index
        %parallel_loop3A_226 = arith.index_cast %parallel_loop3A_224 : i32 to index
        %parallel_loop3A_227 = arith.index_cast %parallel_loop3A_194 : i32 to index
        %parallel_loop3A_228 = tpu.vector_load %arg9[%parallel_loop3A_225, %parallel_loop3A_226, %parallel_loop3A_227] {strides = array<i32>} : memref<2x32x256xf32, #tpu.memory_space<vmem>>, vector<1x1x16xf32>,
        %parallel_loop3A_229 = vector.shape_cast %parallel_loop3A_228 : vector<1x1x16xf32> to vector<16xf32>
        %parallel_loop3A_230 = vector.shape_cast %parallel_loop3A_223 : vector<16xf32> to vector<1x1x16xf32>
        tpu.vector_store %arg9[%parallel_loop3A_225, %parallel_loop3A_226, %parallel_loop3A_227], %parallel_loop3A_230 {strides = array<i32>} : memref<2x32x256xf32, #tpu.memory_space<vmem>>, vector<1x1x16xf32>,
        %parallel_loop3A_231 = arith.index_cast %squeeze3A_95 : i32 to index
        %parallel_loop3A_232 = arith.index_cast %parallel_loop3A_194 : i32 to index
        %parallel_loop3A_233 = tpu.vector_load %arg7[%parallel_loop3A_231, %parallel_loop3A_232] {strides = array<i32>} : memref<256x256xf32, #tpu.memory_space<vmem>>, vector<1x16xf32>,
        %parallel_loop3A_234 = vector.shape_cast %parallel_loop3A_233 : vector<1x16xf32> to vector<16xf32>
        %parallel_loop3A_235 = arith.constant 2 : i32
        %parallel_loop3A_236 = arith.index_cast %and3A_86 : i32 to index
        %parallel_loop3A_237 = arith.index_cast %parallel_loop3A_235 : i32 to index
        %parallel_loop3A_238 = arith.index_cast %parallel_loop3A_194 : i32 to index
        %parallel_loop3A_239 = tpu.vector_load %arg8[%parallel_loop3A_236, %parallel_loop3A_237, %parallel_loop3A_238] {strides = array<i32>} : memref<2x32x256xf32, #tpu.memory_space<vmem>>, vector<1x1x16xf32>,
        %parallel_loop3A_240 = vector.shape_cast %parallel_loop3A_239 : vector<1x1x16xf32> to vector<16xf32>
        %parallel_loop3A_241 = arith.addf %parallel_loop3A_234, %parallel_loop3A_240 : vector<16xf32>
        %parallel_loop3A_242 = arith.constant 2 : i32
        %parallel_loop3A_243 = arith.index_cast %and3A_76 : i32 to index
        %parallel_loop3A_244 = arith.index_cast %parallel_loop3A_242 : i32 to index
        %parallel_loop3A_245 = arith.index_cast %parallel_loop3A_194 : i32 to index
        %parallel_loop3A_246 = tpu.vector_load %arg9[%parallel_loop3A_243, %parallel_loop3A_244, %parallel_loop3A_245] {strides = array<i32>} : memref<2x32x256xf32, #tpu.memory_space<vmem>>, vector<1x1x16xf32>,
        %parallel_loop3A_247 = vector.shape_cast %parallel_loop3A_246 : vector<1x1x16xf32> to vector<16xf32>
        %parallel_loop3A_248 = vector.shape_cast %parallel_loop3A_241 : vector<16xf32> to vector<1x1x16xf32>
        tpu.vector_store %arg9[%parallel_loop3A_243, %parallel_loop3A_244, %parallel_loop3A_245], %parallel_loop3A_248 {strides = array<i32>} : memref<2x32x256xf32, #tpu.memory_space<vmem>>, vector<1x1x16xf32>,
        %parallel_loop3A_249 = arith.index_cast %squeeze3A_97 : i32 to index
        %parallel_loop3A_250 = arith.index_cast %parallel_loop3A_194 : i32 to index
        %parallel_loop3A_251 = tpu.vector_load %arg7[%parallel_loop3A_249, %parallel_loop3A_250] {strides = array<i32>} : memref<256x256xf32, #tpu.memory_space<vmem>>, vector<1x16xf32>,
        %parallel_loop3A_252 = vector.shape_cast %parallel_loop3A_251 : vector<1x16xf32> to vector<16xf32>
        %parallel_loop3A_253 = arith.constant 3 : i32
        %parallel_loop3A_254 = arith.index_cast %and3A_86 : i32 to index
        %parallel_loop3A_255 = arith.index_cast %parallel_loop3A_253 : i32 to index
        %parallel_loop3A_256 = arith.index_cast %parallel_loop3A_194 : i32 to index
        %parallel_loop3A_257 = tpu.vector_load %arg8[%parallel_loop3A_254, %parallel_loop3A_255, %parallel_loop3A_256] {strides = array<i32>} : memref<2x32x256xf32, #tpu.memory_space<vmem>>, vector<1x1x16xf32>,
        %parallel_loop3A_258 = vector.shape_cast %parallel_loop3A_257 : vector<1x1x16xf32> to vector<16xf32>
        %parallel_loop3A_259 = arith.addf %parallel_loop3A_252, %parallel_loop3A_258 : vector<16xf32>
        %parallel_loop3A_260 = arith.constant 3 : i32
        %parallel_loop3A_261 = arith.index_cast %and3A_76 : i32 to index
        %parallel_loop3A_262 = arith.index_cast %parallel_loop3A_260 : i32 to index
        %parallel_loop3A_263 = arith.index_cast %parallel_loop3A_194 : i32 to index
        %parallel_loop3A_264 = tpu.vector_load %arg9[%parallel_loop3A_261, %parallel_loop3A_262, %parallel_loop3A_263] {strides = array<i32>} : memref<2x32x256xf32, #tpu.memory_space<vmem>>, vector<1x1x16xf32>,
        %parallel_loop3A_265 = vector.shape_cast %parallel_loop3A_264 : vector<1x1x16xf32> to vector<16xf32>
        %parallel_loop3A_266 = vector.shape_cast %parallel_loop3A_259 : vector<16xf32> to vector<1x1x16xf32>
        tpu.vector_store %arg9[%parallel_loop3A_261, %parallel_loop3A_262, %parallel_loop3A_263], %parallel_loop3A_266 {strides = array<i32>} : memref<2x32x256xf32, #tpu.memory_space<vmem>>, vector<1x1x16xf32>,
        %parallel_loop3A_267 = arith.index_cast %squeeze3A_99 : i32 to index
        %parallel_loop3A_268 = arith.index_cast %parallel_loop3A_194 : i32 to index
        %parallel_loop3A_269 = tpu.vector_load %arg7[%parallel_loop3A_267, %parallel_loop3A_268] {strides = array<i32>} : memref<256x256xf32, #tpu.memory_space<vmem>>, vector<1x16xf32>,
        %parallel_loop3A_270 = vector.shape_cast %parallel_loop3A_269 : vector<1x16xf32> to vector<16xf32>
        %parallel_loop3A_271 = arith.constant 4 : i32
        %parallel_loop3A_272 = arith.index_cast %and3A_86 : i32 to index
        %parallel_loop3A_273 = arith.index_cast %parallel_loop3A_271 : i32 to index
        %parallel_loop3A_274 = arith.index_cast %parallel_loop3A_194 : i32 to index
        %parallel_loop3A_275 = tpu.vector_load %arg8[%parallel_loop3A_272, %parallel_loop3A_273, %parallel_loop3A_274] {strides = array<i32>} : memref<2x32x256xf32, #tpu.memory_space<vmem>>, vector<1x1x16xf32>,
        %parallel_loop3A_276 = vector.shape_cast %parallel_loop3A_275 : vector<1x1x16xf32> to vector<16xf32>
        %parallel_loop3A_277 = arith.addf %parallel_loop3A_270, %parallel_loop3A_276 : vector<16xf32>
        %parallel_loop3A_278 = arith.constant 4 : i32
        %parallel_loop3A_279 = arith.index_cast %and3A_76 : i32 to index
        %parallel_loop3A_280 = arith.index_cast %parallel_loop3A_278 : i32 to index
        %parallel_loop3A_281 = arith.index_cast %parallel_loop3A_194 : i32 to index
        %parallel_loop3A_282 = tpu.vector_load %arg9[%parallel_loop3A_279, %parallel_loop3A_280, %parallel_loop3A_281] {strides = array<i32>} : memref<2x32x256xf32, #tpu.memory_space<vmem>>, vector<1x1x16xf32>,
        %parallel_loop3A_283 = vector.shape_cast %parallel_loop3A_282 : vector<1x1x16xf32> to vector<16xf32>
        %parallel_loop3A_284 = vector.shape_cast %parallel_loop3A_277 : vector<16xf32> to vector<1x1x16xf32>
        tpu.vector_store %arg9[%parallel_loop3A_279, %parallel_loop3A_280, %parallel_loop3A_281], %parallel_loop3A_284 {strides = array<i32>} : memref<2x32x256xf32, #tpu.memory_space<vmem>>, vector<1x1x16xf32>,
        %parallel_loop3A_285 = arith.index_cast %squeeze3A_101 : i32 to index
        %parallel_loop3A_286 = arith.index_cast %parallel_loop3A_194 : i32 to index
        %parallel_loop3A_287 = tpu.vector_load %arg7[%parallel_loop3A_285, %parallel_loop3A_286] {strides = array<i32>} : memref<256x256xf32, #tpu.memory_space<vmem>>, vector<1x16xf32>,
        %parallel_loop3A_288 = vector.shape_cast %parallel_loop3A_287 : vector<1x16xf32> to vector<16xf32>
        %parallel_loop3A_289 = arith.constant 5 : i32
        %parallel_loop3A_290 = arith.index_cast %and3A_86 : i32 to index
        %parallel_loop3A_291 = arith.index_cast %parallel_loop3A_289 : i32 to index
        %parallel_loop3A_292 = arith.index_cast %parallel_loop3A_194 : i32 to index
        %parallel_loop3A_293 = tpu.vector_load %arg8[%parallel_loop3A_290, %parallel_loop3A_291, %parallel_loop3A_292] {strides = array<i32>} : memref<2x32x256xf32, #tpu.memory_space<vmem>>, vector<1x1x16xf32>,
        %parallel_loop3A_294 = vector.shape_cast %parallel_loop3A_293 : vector<1x1x16xf32> to vector<16xf32>
        %parallel_loop3A_295 = arith.addf %parallel_loop3A_288, %parallel_loop3A_294 : vector<16xf32>
        %parallel_loop3A_296 = arith.constant 5 : i32
        %parallel_loop3A_297 = arith.index_cast %and3A_76 : i32 to index
        %parallel_loop3A_298 = arith.index_cast %parallel_loop3A_296 : i32 to index
        %parallel_loop3A_299 = arith.index_cast %parallel_loop3A_194 : i32 to index
        %parallel_loop3A_300 = tpu.vector_load %arg9[%parallel_loop3A_297, %parallel_loop3A_298, %parallel_loop3A_299] {strides = array<i32>} : memref<2x32x256xf32, #tpu.memory_space<vmem>>, vector<1x1x16xf32>,
        %parallel_loop3A_301 = vector.shape_cast %parallel_loop3A_300 : vector<1x1x16xf32> to vector<16xf32>
        %parallel_loop3A_302 = vector.shape_cast %parallel_loop3A_295 : vector<16xf32> to vector<1x1x16xf32>
        tpu.vector_store %arg9[%parallel_loop3A_297, %parallel_loop3A_298, %parallel_loop3A_299], %parallel_loop3A_302 {strides = array<i32>} : memref<2x32x256xf32, #tpu.memory_space<vmem>>, vector<1x1x16xf32>,
        %parallel_loop3A_303 = arith.index_cast %squeeze3A_103 : i32 to index
        %parallel_loop3A_304 = arith.index_cast %parallel_loop3A_194 : i32 to index
        %parallel_loop3A_305 = tpu.vector_load %arg7[%parallel_loop3A_303, %parallel_loop3A_304] {strides = array<i32>} : memref<256x256xf32, #tpu.memory_space<vmem>>, vector<1x16xf32>,
        %parallel_loop3A_306 = vector.shape_cast %parallel_loop3A_305 : vector<1x16xf32> to vector<16xf32>
        %parallel_loop3A_307 = arith.constant 6 : i32
        %parallel_loop3A_308 = arith.index_cast %and3A_86 : i32 to index
        %parallel_loop3A_309 = arith.index_cast %parallel_loop3A_307 : i32 to index
        %parallel_loop3A_310 = arith.index_cast %parallel_loop3A_194 : i32 to index
        %parallel_loop3A_311 = tpu.vector_load %arg8[%parallel_loop3A_308, %parallel_loop3A_309, %parallel_loop3A_310] {strides = array<i32>} : memref<2x32x256xf32, #tpu.memory_space<vmem>>, vector<1x1x16xf32>,
        %parallel_loop3A_312 = vector.shape_cast %parallel_loop3A_311 : vector<1x1x16xf32> to vector<16xf32>
        %parallel_loop3A_313 = arith.addf %parallel_loop3A_306, %parallel_loop3A_312 : vector<16xf32>
        %parallel_loop3A_314 = arith.constant 6 : i32
        %parallel_loop3A_315 = arith.index_cast %and3A_76 : i32 to index
        %parallel_loop3A_316 = arith.index_cast %parallel_loop3A_314 : i32 to index
        %parallel_loop3A_317 = arith.index_cast %parallel_loop3A_194 : i32 to index
        %parallel_loop3A_318 = tpu.vector_load %arg9[%parallel_loop3A_315, %parallel_loop3A_316, %parallel_loop3A_317] {strides = array<i32>} : memref<2x32x256xf32, #tpu.memory_space<vmem>>, vector<1x1x16xf32>,
        %parallel_loop3A_319 = vector.shape_cast %parallel_loop3A_318 : vector<1x1x16xf32> to vector<16xf32>
        %parallel_loop3A_320 = vector.shape_cast %parallel_loop3A_313 : vector<16xf32> to vector<1x1x16xf32>
        tpu.vector_store %arg9[%parallel_loop3A_315, %parallel_loop3A_316, %parallel_loop3A_317], %parallel_loop3A_320 {strides = array<i32>} : memref<2x32x256xf32, #tpu.memory_space<vmem>>, vector<1x1x16xf32>,
        %parallel_loop3A_321 = arith.index_cast %squeeze3A_105 : i32 to index
        %parallel_loop3A_322 = arith.index_cast %parallel_loop3A_194 : i32 to index
        %parallel_loop3A_323 = tpu.vector_load %arg7[%parallel_loop3A_321, %parallel_loop3A_322] {strides = array<i32>} : memref<256x256xf32, #tpu.memory_space<vmem>>, vector<1x16xf32>,
        %parallel_loop3A_324 = vector.shape_cast %parallel_loop3A_323 : vector<1x16xf32> to vector<16xf32>
        %parallel_loop3A_325 = arith.constant 7 : i32
        %parallel_loop3A_326 = arith.index_cast %and3A_86 : i32 to index
        %parallel_loop3A_327 = arith.index_cast %parallel_loop3A_325 : i32 to index
        %parallel_loop3A_328 = arith.index_cast %parallel_loop3A_194 : i32 to index
        %parallel_loop3A_329 = tpu.vector_load %arg8[%parallel_loop3A_326, %parallel_loop3A_327, %parallel_loop3A_328] {strides = array<i32>} : memref<2x32x256xf32, #tpu.memory_space<vmem>>, vector<1x1x16xf32>,
        %parallel_loop3A_330 = vector.shape_cast %parallel_loop3A_329 : vector<1x1x16xf32> to vector<16xf32>
        %parallel_loop3A_331 = arith.addf %parallel_loop3A_324, %parallel_loop3A_330 : vector<16xf32>
        %parallel_loop3A_332 = arith.constant 7 : i32
        %parallel_loop3A_333 = arith.index_cast %and3A_76 : i32 to index
        %parallel_loop3A_334 = arith.index_cast %parallel_loop3A_332 : i32 to index
        %parallel_loop3A_335 = arith.index_cast %parallel_loop3A_194 : i32 to index
        %parallel_loop3A_336 = tpu.vector_load %arg9[%parallel_loop3A_333, %parallel_loop3A_334, %parallel_loop3A_335] {strides = array<i32>} : memref<2x32x256xf32, #tpu.memory_space<vmem>>, vector<1x1x16xf32>,
        %parallel_loop3A_337 = vector.shape_cast %parallel_loop3A_336 : vector<1x1x16xf32> to vector<16xf32>
        %parallel_loop3A_338 = vector.shape_cast %parallel_loop3A_331 : vector<16xf32> to vector<1x1x16xf32>
        tpu.vector_store %arg9[%parallel_loop3A_333, %parallel_loop3A_334, %parallel_loop3A_335], %parallel_loop3A_338 {strides = array<i32>} : memref<2x32x256xf32, #tpu.memory_space<vmem>>, vector<1x1x16xf32>,
        %parallel_loop3A_339 = arith.index_cast %squeeze3A_107 : i32 to index
        %parallel_loop3A_340 = arith.index_cast %parallel_loop3A_194 : i32 to index
        %parallel_loop3A_341 = tpu.vector_load %arg7[%parallel_loop3A_339, %parallel_loop3A_340] {strides = array<i32>} : memref<256x256xf32, #tpu.memory_space<vmem>>, vector<1x16xf32>,
        %parallel_loop3A_342 = vector.shape_cast %parallel_loop3A_341 : vector<1x16xf32> to vector<16xf32>
        %parallel_loop3A_343 = arith.constant 8 : i32
        %parallel_loop3A_344 = arith.index_cast %and3A_86 : i32 to index
        %parallel_loop3A_345 = arith.index_cast %parallel_loop3A_343 : i32 to index
        %parallel_loop3A_346 = arith.index_cast %parallel_loop3A_194 : i32 to index
        %parallel_loop3A_347 = tpu.vector_load %arg8[%parallel_loop3A_344, %parallel_loop3A_345, %parallel_loop3A_346] {strides = array<i32>} : memref<2x32x256xf32, #tpu.memory_space<vmem>>, vector<1x1x16xf32>,
        %parallel_loop3A_348 = vector.shape_cast %parallel_loop3A_347 : vector<1x1x16xf32> to vector<16xf32>
        %parallel_loop3A_349 = arith.addf %parallel_loop3A_342, %parallel_loop3A_348 : vector<16xf32>
        %parallel_loop3A_350 = arith.constant 8 : i32
        %parallel_loop3A_351 = arith.index_cast %and3A_76 : i32 to index
        %parallel_loop3A_352 = arith.index_cast %parallel_loop3A_350 : i32 to index
        %parallel_loop3A_353 = arith.index_cast %parallel_loop3A_194 : i32 to index
        %parallel_loop3A_354 = tpu.vector_load %arg9[%parallel_loop3A_351, %parallel_loop3A_352, %parallel_loop3A_353] {strides = array<i32>} : memref<2x32x256xf32, #tpu.memory_space<vmem>>, vector<1x1x16xf32>,
        %parallel_loop3A_355 = vector.shape_cast %parallel_loop3A_354 : vector<1x1x16xf32> to vector<16xf32>
        %parallel_loop3A_356 = vector.shape_cast %parallel_loop3A_349 : vector<16xf32> to vector<1x1x16xf32>
        tpu.vector_store %arg9[%parallel_loop3A_351, %parallel_loop3A_352, %parallel_loop3A_353], %parallel_loop3A_356 {strides = array<i32>} : memref<2x32x256xf32, #tpu.memory_space<vmem>>, vector<1x1x16xf32>,
        %parallel_loop3A_357 = arith.index_cast %squeeze3A_109 : i32 to index
        %parallel_loop3A_358 = arith.index_cast %parallel_loop3A_194 : i32 to index
        %parallel_loop3A_359 = tpu.vector_load %arg7[%parallel_loop3A_357, %parallel_loop3A_358] {strides = array<i32>} : memref<256x256xf32, #tpu.memory_space<vmem>>, vector<1x16xf32>,
        %parallel_loop3A_360 = vector.shape_cast %parallel_loop3A_359 : vector<1x16xf32> to vector<16xf32>
        %parallel_loop3A_361 = arith.constant 9 : i32
        %parallel_loop3A_362 = arith.index_cast %and3A_86 : i32 to index
        %parallel_loop3A_363 = arith.index_cast %parallel_loop3A_361 : i32 to index
        %parallel_loop3A_364 = arith.index_cast %parallel_loop3A_194 : i32 to index
        %parallel_loop3A_365 = tpu.vector_load %arg8[%parallel_loop3A_362, %parallel_loop3A_363, %parallel_loop3A_364] {strides = array<i32>} : memref<2x32x256xf32, #tpu.memory_space<vmem>>, vector<1x1x16xf32>,
        %parallel_loop3A_366 = vector.shape_cast %parallel_loop3A_365 : vector<1x1x16xf32> to vector<16xf32>
        %parallel_loop3A_367 = arith.addf %parallel_loop3A_360, %parallel_loop3A_366 : vector<16xf32>
        %parallel_loop3A_368 = arith.constant 9 : i32
        %parallel_loop3A_369 = arith.index_cast %and3A_76 : i32 to index
        %parallel_loop3A_370 = arith.index_cast %parallel_loop3A_368 : i32 to index
        %parallel_loop3A_371 = arith.index_cast %parallel_loop3A_194 : i32 to index
        %parallel_loop3A_372 = tpu.vector_load %arg9[%parallel_loop3A_369, %parallel_loop3A_370, %parallel_loop3A_371] {strides = array<i32>} : memref<2x32x256xf32, #tpu.memory_space<vmem>>, vector<1x1x16xf32>,
        %parallel_loop3A_373 = vector.shape_cast %parallel_loop3A_372 : vector<1x1x16xf32> to vector<16xf32>
        %parallel_loop3A_374 = vector.shape_cast %parallel_loop3A_367 : vector<16xf32> to vector<1x1x16xf32>
        tpu.vector_store %arg9[%parallel_loop3A_369, %parallel_loop3A_370, %parallel_loop3A_371], %parallel_loop3A_374 {strides = array<i32>} : memref<2x32x256xf32, #tpu.memory_space<vmem>>, vector<1x1x16xf32>,
        %parallel_loop3A_375 = arith.index_cast %squeeze3A_111 : i32 to index
        %parallel_loop3A_376 = arith.index_cast %parallel_loop3A_194 : i32 to index
        %parallel_loop3A_377 = tpu.vector_load %arg7[%parallel_loop3A_375, %parallel_loop3A_376] {strides = array<i32>} : memref<256x256xf32, #tpu.memory_space<vmem>>, vector<1x16xf32>,
        %parallel_loop3A_378 = vector.shape_cast %parallel_loop3A_377 : vector<1x16xf32> to vector<16xf32>
        %parallel_loop3A_379 = arith.constant 10 : i32
        %parallel_loop3A_380 = arith.index_cast %and3A_86 : i32 to index
        %parallel_loop3A_381 = arith.index_cast %parallel_loop3A_379 : i32 to index
        %parallel_loop3A_382 = arith.index_cast %parallel_loop3A_194 : i32 to index
        %parallel_loop3A_383 = tpu.vector_load %arg8[%parallel_loop3A_380, %parallel_loop3A_381, %parallel_loop3A_382] {strides = array<i32>} : memref<2x32x256xf32, #tpu.memory_space<vmem>>, vector<1x1x16xf32>,
        %parallel_loop3A_384 = vector.shape_cast %parallel_loop3A_383 : vector<1x1x16xf32> to vector<16xf32>
        %parallel_loop3A_385 = arith.addf %parallel_loop3A_378, %parallel_loop3A_384 : vector<16xf32>
        %parallel_loop3A_386 = arith.constant 10 : i32
        %parallel_loop3A_387 = arith.index_cast %and3A_76 : i32 to index
        %parallel_loop3A_388 = arith.index_cast %parallel_loop3A_386 : i32 to index
        %parallel_loop3A_389 = arith.index_cast %parallel_loop3A_194 : i32 to index
        %parallel_loop3A_390 = tpu.vector_load %arg9[%parallel_loop3A_387, %parallel_loop3A_388, %parallel_loop3A_389] {strides = array<i32>} : memref<2x32x256xf32, #tpu.memory_space<vmem>>, vector<1x1x16xf32>,
        %parallel_loop3A_391 = vector.shape_cast %parallel_loop3A_390 : vector<1x1x16xf32> to vector<16xf32>
        %parallel_loop3A_392 = vector.shape_cast %parallel_loop3A_385 : vector<16xf32> to vector<1x1x16xf32>
        tpu.vector_store %arg9[%parallel_loop3A_387, %parallel_loop3A_388, %parallel_loop3A_389], %parallel_loop3A_392 {strides = array<i32>} : memref<2x32x256xf32, #tpu.memory_space<vmem>>, vector<1x1x16xf32>,
        %parallel_loop3A_393 = arith.index_cast %squeeze3A_113 : i32 to index
        %parallel_loop3A_394 = arith.index_cast %parallel_loop3A_194 : i32 to index
        %parallel_loop3A_395 = tpu.vector_load %arg7[%parallel_loop3A_393, %parallel_loop3A_394] {strides = array<i32>} : memref<256x256xf32, #tpu.memory_space<vmem>>, vector<1x16xf32>,
        %parallel_loop3A_396 = vector.shape_cast %parallel_loop3A_395 : vector<1x16xf32> to vector<16xf32>
        %parallel_loop3A_397 = arith.constant 11 : i32
        %parallel_loop3A_398 = arith.index_cast %and3A_86 : i32 to index
        %parallel_loop3A_399 = arith.index_cast %parallel_loop3A_397 : i32 to index
        %parallel_loop3A_400 = arith.index_cast %parallel_loop3A_194 : i32 to index
        %parallel_loop3A_401 = tpu.vector_load %arg8[%parallel_loop3A_398, %parallel_loop3A_399, %parallel_loop3A_400] {strides = array<i32>} : memref<2x32x256xf32, #tpu.memory_space<vmem>>, vector<1x1x16xf32>,
        %parallel_loop3A_402 = vector.shape_cast %parallel_loop3A_401 : vector<1x1x16xf32> to vector<16xf32>
        %parallel_loop3A_403 = arith.addf %parallel_loop3A_396, %parallel_loop3A_402 : vector<16xf32>
        %parallel_loop3A_404 = arith.constant 11 : i32
        %parallel_loop3A_405 = arith.index_cast %and3A_76 : i32 to index
        %parallel_loop3A_406 = arith.index_cast %parallel_loop3A_404 : i32 to index
        %parallel_loop3A_407 = arith.index_cast %parallel_loop3A_194 : i32 to index
        %parallel_loop3A_408 = tpu.vector_load %arg9[%parallel_loop3A_405, %parallel_loop3A_406, %parallel_loop3A_407] {strides = array<i32>} : memref<2x32x256xf32, #tpu.memory_space<vmem>>, vector<1x1x16xf32>,
        %parallel_loop3A_409 = vector.shape_cast %parallel_loop3A_408 : vector<1x1x16xf32> to vector<16xf32>
        %parallel_loop3A_410 = vector.shape_cast %parallel_loop3A_403 : vector<16xf32> to vector<1x1x16xf32>
        tpu.vector_store %arg9[%parallel_loop3A_405, %parallel_loop3A_406, %parallel_loop3A_407], %parallel_loop3A_410 {strides = array<i32>} : memref<2x32x256xf32, #tpu.memory_space<vmem>>, vector<1x1x16xf32>,
        %parallel_loop3A_411 = arith.index_cast %squeeze3A_115 : i32 to index
        %parallel_loop3A_412 = arith.index_cast %parallel_loop3A_194 : i32 to index
        %parallel_loop3A_413 = tpu.vector_load %arg7[%parallel_loop3A_411, %parallel_loop3A_412] {strides = array<i32>} : memref<256x256xf32, #tpu.memory_space<vmem>>, vector<1x16xf32>,
        %parallel_loop3A_414 = vector.shape_cast %parallel_loop3A_413 : vector<1x16xf32> to vector<16xf32>
        %parallel_loop3A_415 = arith.constant 12 : i32
        %parallel_loop3A_416 = arith.index_cast %and3A_86 : i32 to index
        %parallel_loop3A_417 = arith.index_cast %parallel_loop3A_415 : i32 to index
        %parallel_loop3A_418 = arith.index_cast %parallel_loop3A_194 : i32 to index
        %parallel_loop3A_419 = tpu.vector_load %arg8[%parallel_loop3A_416, %parallel_loop3A_417, %parallel_loop3A_418] {strides = array<i32>} : memref<2x32x256xf32, #tpu.memory_space<vmem>>, vector<1x1x16xf32>,
        %parallel_loop3A_420 = vector.shape_cast %parallel_loop3A_419 : vector<1x1x16xf32> to vector<16xf32>
        %parallel_loop3A_421 = arith.addf %parallel_loop3A_414, %parallel_loop3A_420 : vector<16xf32>
        %parallel_loop3A_422 = arith.constant 12 : i32
        %parallel_loop3A_423 = arith.index_cast %and3A_76 : i32 to index
        %parallel_loop3A_424 = arith.index_cast %parallel_loop3A_422 : i32 to index
        %parallel_loop3A_425 = arith.index_cast %parallel_loop3A_194 : i32 to index
        %parallel_loop3A_426 = tpu.vector_load %arg9[%parallel_loop3A_423, %parallel_loop3A_424, %parallel_loop3A_425] {strides = array<i32>} : memref<2x32x256xf32, #tpu.memory_space<vmem>>, vector<1x1x16xf32>,
        %parallel_loop3A_427 = vector.shape_cast %parallel_loop3A_426 : vector<1x1x16xf32> to vector<16xf32>
        %parallel_loop3A_428 = vector.shape_cast %parallel_loop3A_421 : vector<16xf32> to vector<1x1x16xf32>
        tpu.vector_store %arg9[%parallel_loop3A_423, %parallel_loop3A_424, %parallel_loop3A_425], %parallel_loop3A_428 {strides = array<i32>} : memref<2x32x256xf32, #tpu.memory_space<vmem>>, vector<1x1x16xf32>,
        %parallel_loop3A_429 = arith.index_cast %squeeze3A_117 : i32 to index
        %parallel_loop3A_430 = arith.index_cast %parallel_loop3A_194 : i32 to index
        %parallel_loop3A_431 = tpu.vector_load %arg7[%parallel_loop3A_429, %parallel_loop3A_430] {strides = array<i32>} : memref<256x256xf32, #tpu.memory_space<vmem>>, vector<1x16xf32>,
        %parallel_loop3A_432 = vector.shape_cast %parallel_loop3A_431 : vector<1x16xf32> to vector<16xf32>
        %parallel_loop3A_433 = arith.constant 13 : i32
        %parallel_loop3A_434 = arith.index_cast %and3A_86 : i32 to index
        %parallel_loop3A_435 = arith.index_cast %parallel_loop3A_433 : i32 to index
        %parallel_loop3A_436 = arith.index_cast %parallel_loop3A_194 : i32 to index
        %parallel_loop3A_437 = tpu.vector_load %arg8[%parallel_loop3A_434, %parallel_loop3A_435, %parallel_loop3A_436] {strides = array<i32>} : memref<2x32x256xf32, #tpu.memory_space<vmem>>, vector<1x1x16xf32>,
        %parallel_loop3A_438 = vector.shape_cast %parallel_loop3A_437 : vector<1x1x16xf32> to vector<16xf32>
        %parallel_loop3A_439 = arith.addf %parallel_loop3A_432, %parallel_loop3A_438 : vector<16xf32>
        %parallel_loop3A_440 = arith.constant 13 : i32
        %parallel_loop3A_441 = arith.index_cast %and3A_76 : i32 to index
        %parallel_loop3A_442 = arith.index_cast %parallel_loop3A_440 : i32 to index
        %parallel_loop3A_443 = arith.index_cast %parallel_loop3A_194 : i32 to index
        %parallel_loop3A_444 = tpu.vector_load %arg9[%parallel_loop3A_441, %parallel_loop3A_442, %parallel_loop3A_443] {strides = array<i32>} : memref<2x32x256xf32, #tpu.memory_space<vmem>>, vector<1x1x16xf32>,
        %parallel_loop3A_445 = vector.shape_cast %parallel_loop3A_444 : vector<1x1x16xf32> to vector<16xf32>
        %parallel_loop3A_446 = vector.shape_cast %parallel_loop3A_439 : vector<16xf32> to vector<1x1x16xf32>
        tpu.vector_store %arg9[%parallel_loop3A_441, %parallel_loop3A_442, %parallel_loop3A_443], %parallel_loop3A_446 {strides = array<i32>} : memref<2x32x256xf32, #tpu.memory_space<vmem>>, vector<1x1x16xf32>,
        %parallel_loop3A_447 = arith.index_cast %squeeze3A_119 : i32 to index
        %parallel_loop3A_448 = arith.index_cast %parallel_loop3A_194 : i32 to index
        %parallel_loop3A_449 = tpu.vector_load %arg7[%parallel_loop3A_447, %parallel_loop3A_448] {strides = array<i32>} : memref<256x256xf32, #tpu.memory_space<vmem>>, vector<1x16xf32>,
        %parallel_loop3A_450 = vector.shape_cast %parallel_loop3A_449 : vector<1x16xf32> to vector<16xf32>
        %parallel_loop3A_451 = arith.constant 14 : i32
        %parallel_loop3A_452 = arith.index_cast %and3A_86 : i32 to index
        %parallel_loop3A_453 = arith.index_cast %parallel_loop3A_451 : i32 to index
        %parallel_loop3A_454 = arith.index_cast %parallel_loop3A_194 : i32 to index
        %parallel_loop3A_455 = tpu.vector_load %arg8[%parallel_loop3A_452, %parallel_loop3A_453, %parallel_loop3A_454] {strides = array<i32>} : memref<2x32x256xf32, #tpu.memory_space<vmem>>, vector<1x1x16xf32>,
        %parallel_loop3A_456 = vector.shape_cast %parallel_loop3A_455 : vector<1x1x16xf32> to vector<16xf32>
        %parallel_loop3A_457 = arith.addf %parallel_loop3A_450, %parallel_loop3A_456 : vector<16xf32>
        %parallel_loop3A_458 = arith.constant 14 : i32
        %parallel_loop3A_459 = arith.index_cast %and3A_76 : i32 to index
        %parallel_loop3A_460 = arith.index_cast %parallel_loop3A_458 : i32 to index
        %parallel_loop3A_461 = arith.index_cast %parallel_loop3A_194 : i32 to index
        %parallel_loop3A_462 = tpu.vector_load %arg9[%parallel_loop3A_459, %parallel_loop3A_460, %parallel_loop3A_461] {strides = array<i32>} : memref<2x32x256xf32, #tpu.memory_space<vmem>>, vector<1x1x16xf32>,
        %parallel_loop3A_463 = vector.shape_cast %parallel_loop3A_462 : vector<1x1x16xf32> to vector<16xf32>
        %parallel_loop3A_464 = vector.shape_cast %parallel_loop3A_457 : vector<16xf32> to vector<1x1x16xf32>
        tpu.vector_store %arg9[%parallel_loop3A_459, %parallel_loop3A_460, %parallel_loop3A_461], %parallel_loop3A_464 {strides = array<i32>} : memref<2x32x256xf32, #tpu.memory_space<vmem>>, vector<1x1x16xf32>,
        %parallel_loop3A_465 = arith.index_cast %squeeze3A_121 : i32 to index
        %parallel_loop3A_466 = arith.index_cast %parallel_loop3A_194 : i32 to index
        %parallel_loop3A_467 = tpu.vector_load %arg7[%parallel_loop3A_465, %parallel_loop3A_466] {strides = array<i32>} : memref<256x256xf32, #tpu.memory_space<vmem>>, vector<1x16xf32>,
        %parallel_loop3A_468 = vector.shape_cast %parallel_loop3A_467 : vector<1x16xf32> to vector<16xf32>
        %parallel_loop3A_469 = arith.constant 15 : i32
        %parallel_loop3A_470 = arith.index_cast %and3A_86 : i32 to index
        %parallel_loop3A_471 = arith.index_cast %parallel_loop3A_469 : i32 to index
        %parallel_loop3A_472 = arith.index_cast %parallel_loop3A_194 : i32 to index
        %parallel_loop3A_473 = tpu.vector_load %arg8[%parallel_loop3A_470, %parallel_loop3A_471, %parallel_loop3A_472] {strides = array<i32>} : memref<2x32x256xf32, #tpu.memory_space<vmem>>, vector<1x1x16xf32>,
        %parallel_loop3A_474 = vector.shape_cast %parallel_loop3A_473 : vector<1x1x16xf32> to vector<16xf32>
        %parallel_loop3A_475 = arith.addf %parallel_loop3A_468, %parallel_loop3A_474 : vector<16xf32>
        %parallel_loop3A_476 = arith.constant 15 : i32
        %parallel_loop3A_477 = arith.index_cast %and3A_76 : i32 to index
        %parallel_loop3A_478 = arith.index_cast %parallel_loop3A_476 : i32 to index
        %parallel_loop3A_479 = arith.index_cast %parallel_loop3A_194 : i32 to index
        %parallel_loop3A_480 = tpu.vector_load %arg9[%parallel_loop3A_477, %parallel_loop3A_478, %parallel_loop3A_479] {strides = array<i32>} : memref<2x32x256xf32, #tpu.memory_space<vmem>>, vector<1x1x16xf32>,
        %parallel_loop3A_481 = vector.shape_cast %parallel_loop3A_480 : vector<1x1x16xf32> to vector<16xf32>
        %parallel_loop3A_482 = vector.shape_cast %parallel_loop3A_475 : vector<16xf32> to vector<1x1x16xf32>
        tpu.vector_store %arg9[%parallel_loop3A_477, %parallel_loop3A_478, %parallel_loop3A_479], %parallel_loop3A_482 {strides = array<i32>} : memref<2x32x256xf32, #tpu.memory_space<vmem>>, vector<1x1x16xf32>,
        %parallel_loop3A_483 = arith.index_cast %squeeze3A_129 : i32 to index
        %parallel_loop3A_484 = arith.index_cast %parallel_loop3A_194 : i32 to index
        %parallel_loop3A_485 = tpu.vector_load %arg7[%parallel_loop3A_483, %parallel_loop3A_484] {strides = array<i32>} : memref<256x256xf32, #tpu.memory_space<vmem>>, vector<1x16xf32>,
        %parallel_loop3A_486 = vector.shape_cast %parallel_loop3A_485 : vector<1x16xf32> to vector<16xf32>
        %parallel_loop3A_487 = arith.constant 16 : i32
        %parallel_loop3A_488 = arith.index_cast %and3A_86 : i32 to index
        %parallel_loop3A_489 = arith.index_cast %parallel_loop3A_487 : i32 to index
        %parallel_loop3A_490 = arith.index_cast %parallel_loop3A_194 : i32 to index
        %parallel_loop3A_491 = tpu.vector_load %arg8[%parallel_loop3A_488, %parallel_loop3A_489, %parallel_loop3A_490] {strides = array<i32>} : memref<2x32x256xf32, #tpu.memory_space<vmem>>, vector<1x1x16xf32>,
        %parallel_loop3A_492 = vector.shape_cast %parallel_loop3A_491 : vector<1x1x16xf32> to vector<16xf32>
        %parallel_loop3A_493 = arith.addf %parallel_loop3A_486, %parallel_loop3A_492 : vector<16xf32>
        %parallel_loop3A_494 = arith.constant 16 : i32
        %parallel_loop3A_495 = arith.index_cast %and3A_76 : i32 to index
        %parallel_loop3A_496 = arith.index_cast %parallel_loop3A_494 : i32 to index
        %parallel_loop3A_497 = arith.index_cast %parallel_loop3A_194 : i32 to index
        %parallel_loop3A_498 = tpu.vector_load %arg9[%parallel_loop3A_495, %parallel_loop3A_496, %parallel_loop3A_497] {strides = array<i32>} : memref<2x32x256xf32, #tpu.memory_space<vmem>>, vector<1x1x16xf32>,
        %parallel_loop3A_499 = vector.shape_cast %parallel_loop3A_498 : vector<1x1x16xf32> to vector<16xf32>
        %parallel_loop3A_500 = vector.shape_cast %parallel_loop3A_493 : vector<16xf32> to vector<1x1x16xf32>
        tpu.vector_store %arg9[%parallel_loop3A_495, %parallel_loop3A_496, %parallel_loop3A_497], %parallel_loop3A_500 {strides = array<i32>} : memref<2x32x256xf32, #tpu.memory_space<vmem>>, vector<1x1x16xf32>,
        %parallel_loop3A_501 = arith.index_cast %squeeze3A_131 : i32 to index
        %parallel_loop3A_502 = arith.index_cast %parallel_loop3A_194 : i32 to index
        %parallel_loop3A_503 = tpu.vector_load %arg7[%parallel_loop3A_501, %parallel_loop3A_502] {strides = array<i32>} : memref<256x256xf32, #tpu.memory_space<vmem>>, vector<1x16xf32>,
        %parallel_loop3A_504 = vector.shape_cast %parallel_loop3A_503 : vector<1x16xf32> to vector<16xf32>
        %parallel_loop3A_505 = arith.constant 17 : i32
        %parallel_loop3A_506 = arith.index_cast %and3A_86 : i32 to index
        %parallel_loop3A_507 = arith.index_cast %parallel_loop3A_505 : i32 to index
        %parallel_loop3A_508 = arith.index_cast %parallel_loop3A_194 : i32 to index
        %parallel_loop3A_509 = tpu.vector_load %arg8[%parallel_loop3A_506, %parallel_loop3A_507, %parallel_loop3A_508] {strides = array<i32>} : memref<2x32x256xf32, #tpu.memory_space<vmem>>, vector<1x1x16xf32>,
        %parallel_loop3A_510 = vector.shape_cast %parallel_loop3A_509 : vector<1x1x16xf32> to vector<16xf32>
        %parallel_loop3A_511 = arith.addf %parallel_loop3A_504, %parallel_loop3A_510 : vector<16xf32>
        %parallel_loop3A_512 = arith.constant 17 : i32
        %parallel_loop3A_513 = arith.index_cast %and3A_76 : i32 to index
        %parallel_loop3A_514 = arith.index_cast %parallel_loop3A_512 : i32 to index
        %parallel_loop3A_515 = arith.index_cast %parallel_loop3A_194 : i32 to index
        %parallel_loop3A_516 = tpu.vector_load %arg9[%parallel_loop3A_513, %parallel_loop3A_514, %parallel_loop3A_515] {strides = array<i32>} : memref<2x32x256xf32, #tpu.memory_space<vmem>>, vector<1x1x16xf32>,
        %parallel_loop3A_517 = vector.shape_cast %parallel_loop3A_516 : vector<1x1x16xf32> to vector<16xf32>
        %parallel_loop3A_518 = vector.shape_cast %parallel_loop3A_511 : vector<16xf32> to vector<1x1x16xf32>
        tpu.vector_store %arg9[%parallel_loop3A_513, %parallel_loop3A_514, %parallel_loop3A_515], %parallel_loop3A_518 {strides = array<i32>} : memref<2x32x256xf32, #tpu.memory_space<vmem>>, vector<1x1x16xf32>,
        %parallel_loop3A_519 = arith.index_cast %squeeze3A_133 : i32 to index
        %parallel_loop3A_520 = arith.index_cast %parallel_loop3A_194 : i32 to index
        %parallel_loop3A_521 = tpu.vector_load %arg7[%parallel_loop3A_519, %parallel_loop3A_520] {strides = array<i32>} : memref<256x256xf32, #tpu.memory_space<vmem>>, vector<1x16xf32>,
        %parallel_loop3A_522 = vector.shape_cast %parallel_loop3A_521 : vector<1x16xf32> to vector<16xf32>
        %parallel_loop3A_523 = arith.constant 18 : i32
        %parallel_loop3A_524 = arith.index_cast %and3A_86 : i32 to index
        %parallel_loop3A_525 = arith.index_cast %parallel_loop3A_523 : i32 to index
        %parallel_loop3A_526 = arith.index_cast %parallel_loop3A_194 : i32 to index
        %parallel_loop3A_527 = tpu.vector_load %arg8[%parallel_loop3A_524, %parallel_loop3A_525, %parallel_loop3A_526] {strides = array<i32>} : memref<2x32x256xf32, #tpu.memory_space<vmem>>, vector<1x1x16xf32>,
        %parallel_loop3A_528 = vector.shape_cast %parallel_loop3A_527 : vector<1x1x16xf32> to vector<16xf32>
        %parallel_loop3A_529 = arith.addf %parallel_loop3A_522, %parallel_loop3A_528 : vector<16xf32>
        %parallel_loop3A_530 = arith.constant 18 : i32
        %parallel_loop3A_531 = arith.index_cast %and3A_76 : i32 to index
        %parallel_loop3A_532 = arith.index_cast %parallel_loop3A_530 : i32 to index
        %parallel_loop3A_533 = arith.index_cast %parallel_loop3A_194 : i32 to index
        %parallel_loop3A_534 = tpu.vector_load %arg9[%parallel_loop3A_531, %parallel_loop3A_532, %parallel_loop3A_533] {strides = array<i32>} : memref<2x32x256xf32, #tpu.memory_space<vmem>>, vector<1x1x16xf32>,
        %parallel_loop3A_535 = vector.shape_cast %parallel_loop3A_534 : vector<1x1x16xf32> to vector<16xf32>
        %parallel_loop3A_536 = vector.shape_cast %parallel_loop3A_529 : vector<16xf32> to vector<1x1x16xf32>
        tpu.vector_store %arg9[%parallel_loop3A_531, %parallel_loop3A_532, %parallel_loop3A_533], %parallel_loop3A_536 {strides = array<i32>} : memref<2x32x256xf32, #tpu.memory_space<vmem>>, vector<1x1x16xf32>,
        %parallel_loop3A_537 = arith.index_cast %squeeze3A_135 : i32 to index
        %parallel_loop3A_538 = arith.index_cast %parallel_loop3A_194 : i32 to index
        %parallel_loop3A_539 = tpu.vector_load %arg7[%parallel_loop3A_537, %parallel_loop3A_538] {strides = array<i32>} : memref<256x256xf32, #tpu.memory_space<vmem>>, vector<1x16xf32>,
        %parallel_loop3A_540 = vector.shape_cast %parallel_loop3A_539 : vector<1x16xf32> to vector<16xf32>
        %parallel_loop3A_541 = arith.constant 19 : i32
        %parallel_loop3A_542 = arith.index_cast %and3A_86 : i32 to index
        %parallel_loop3A_543 = arith.index_cast %parallel_loop3A_541 : i32 to index
        %parallel_loop3A_544 = arith.index_cast %parallel_loop3A_194 : i32 to index
        %parallel_loop3A_545 = tpu.vector_load %arg8[%parallel_loop3A_542, %parallel_loop3A_543, %parallel_loop3A_544] {strides = array<i32>} : memref<2x32x256xf32, #tpu.memory_space<vmem>>, vector<1x1x16xf32>,
        %parallel_loop3A_546 = vector.shape_cast %parallel_loop3A_545 : vector<1x1x16xf32> to vector<16xf32>
        %parallel_loop3A_547 = arith.addf %parallel_loop3A_540, %parallel_loop3A_546 : vector<16xf32>
        %parallel_loop3A_548 = arith.constant 19 : i32
        %parallel_loop3A_549 = arith.index_cast %and3A_76 : i32 to index
        %parallel_loop3A_550 = arith.index_cast %parallel_loop3A_548 : i32 to index
        %parallel_loop3A_551 = arith.index_cast %parallel_loop3A_194 : i32 to index
        %parallel_loop3A_552 = tpu.vector_load %arg9[%parallel_loop3A_549, %parallel_loop3A_550, %parallel_loop3A_551] {strides = array<i32>} : memref<2x32x256xf32, #tpu.memory_space<vmem>>, vector<1x1x16xf32>,
        %parallel_loop3A_553 = vector.shape_cast %parallel_loop3A_552 : vector<1x1x16xf32> to vector<16xf32>
        %parallel_loop3A_554 = vector.shape_cast %parallel_loop3A_547 : vector<16xf32> to vector<1x1x16xf32>
        tpu.vector_store %arg9[%parallel_loop3A_549, %parallel_loop3A_550, %parallel_loop3A_551], %parallel_loop3A_554 {strides = array<i32>} : memref<2x32x256xf32, #tpu.memory_space<vmem>>, vector<1x1x16xf32>,
        %parallel_loop3A_555 = arith.index_cast %squeeze3A_137 : i32 to index
        %parallel_loop3A_556 = arith.index_cast %parallel_loop3A_194 : i32 to index
        %parallel_loop3A_557 = tpu.vector_load %arg7[%parallel_loop3A_555, %parallel_loop3A_556] {strides = array<i32>} : memref<256x256xf32, #tpu.memory_space<vmem>>, vector<1x16xf32>,
        %parallel_loop3A_558 = vector.shape_cast %parallel_loop3A_557 : vector<1x16xf32> to vector<16xf32>
        %parallel_loop3A_559 = arith.constant 20 : i32
        %parallel_loop3A_560 = arith.index_cast %and3A_86 : i32 to index
        %parallel_loop3A_561 = arith.index_cast %parallel_loop3A_559 : i32 to index
        %parallel_loop3A_562 = arith.index_cast %parallel_loop3A_194 : i32 to index
        %parallel_loop3A_563 = tpu.vector_load %arg8[%parallel_loop3A_560, %parallel_loop3A_561, %parallel_loop3A_562] {strides = array<i32>} : memref<2x32x256xf32, #tpu.memory_space<vmem>>, vector<1x1x16xf32>,
        %parallel_loop3A_564 = vector.shape_cast %parallel_loop3A_563 : vector<1x1x16xf32> to vector<16xf32>
        %parallel_loop3A_565 = arith.addf %parallel_loop3A_558, %parallel_loop3A_564 : vector<16xf32>
        %parallel_loop3A_566 = arith.constant 20 : i32
        %parallel_loop3A_567 = arith.index_cast %and3A_76 : i32 to index
        %parallel_loop3A_568 = arith.index_cast %parallel_loop3A_566 : i32 to index
        %parallel_loop3A_569 = arith.index_cast %parallel_loop3A_194 : i32 to index
        %parallel_loop3A_570 = tpu.vector_load %arg9[%parallel_loop3A_567, %parallel_loop3A_568, %parallel_loop3A_569] {strides = array<i32>} : memref<2x32x256xf32, #tpu.memory_space<vmem>>, vector<1x1x16xf32>,
        %parallel_loop3A_571 = vector.shape_cast %parallel_loop3A_570 : vector<1x1x16xf32> to vector<16xf32>
        %parallel_loop3A_572 = vector.shape_cast %parallel_loop3A_565 : vector<16xf32> to vector<1x1x16xf32>
        tpu.vector_store %arg9[%parallel_loop3A_567, %parallel_loop3A_568, %parallel_loop3A_569], %parallel_loop3A_572 {strides = array<i32>} : memref<2x32x256xf32, #tpu.memory_space<vmem>>, vector<1x1x16xf32>,
        %parallel_loop3A_573 = arith.index_cast %squeeze3A_139 : i32 to index
        %parallel_loop3A_574 = arith.index_cast %parallel_loop3A_194 : i32 to index
        %parallel_loop3A_575 = tpu.vector_load %arg7[%parallel_loop3A_573, %parallel_loop3A_574] {strides = array<i32>} : memref<256x256xf32, #tpu.memory_space<vmem>>, vector<1x16xf32>,
        %parallel_loop3A_576 = vector.shape_cast %parallel_loop3A_575 : vector<1x16xf32> to vector<16xf32>
        %parallel_loop3A_577 = arith.constant 21 : i32
        %parallel_loop3A_578 = arith.index_cast %and3A_86 : i32 to index
        %parallel_loop3A_579 = arith.index_cast %parallel_loop3A_577 : i32 to index
        %parallel_loop3A_580 = arith.index_cast %parallel_loop3A_194 : i32 to index
        %parallel_loop3A_581 = tpu.vector_load %arg8[%parallel_loop3A_578, %parallel_loop3A_579, %parallel_loop3A_580] {strides = array<i32>} : memref<2x32x256xf32, #tpu.memory_space<vmem>>, vector<1x1x16xf32>,
        %parallel_loop3A_582 = vector.shape_cast %parallel_loop3A_581 : vector<1x1x16xf32> to vector<16xf32>
        %parallel_loop3A_583 = arith.addf %parallel_loop3A_576, %parallel_loop3A_582 : vector<16xf32>
        %parallel_loop3A_584 = arith.constant 21 : i32
        %parallel_loop3A_585 = arith.index_cast %and3A_76 : i32 to index
        %parallel_loop3A_586 = arith.index_cast %parallel_loop3A_584 : i32 to index
        %parallel_loop3A_587 = arith.index_cast %parallel_loop3A_194 : i32 to index
        %parallel_loop3A_588 = tpu.vector_load %arg9[%parallel_loop3A_585, %parallel_loop3A_586, %parallel_loop3A_587] {strides = array<i32>} : memref<2x32x256xf32, #tpu.memory_space<vmem>>, vector<1x1x16xf32>,
        %parallel_loop3A_589 = vector.shape_cast %parallel_loop3A_588 : vector<1x1x16xf32> to vector<16xf32>
        %parallel_loop3A_590 = vector.shape_cast %parallel_loop3A_583 : vector<16xf32> to vector<1x1x16xf32>
        tpu.vector_store %arg9[%parallel_loop3A_585, %parallel_loop3A_586, %parallel_loop3A_587], %parallel_loop3A_590 {strides = array<i32>} : memref<2x32x256xf32, #tpu.memory_space<vmem>>, vector<1x1x16xf32>,
        %parallel_loop3A_591 = arith.index_cast %squeeze3A_141 : i32 to index
        %parallel_loop3A_592 = arith.index_cast %parallel_loop3A_194 : i32 to index
        %parallel_loop3A_593 = tpu.vector_load %arg7[%parallel_loop3A_591, %parallel_loop3A_592] {strides = array<i32>} : memref<256x256xf32, #tpu.memory_space<vmem>>, vector<1x16xf32>,
        %parallel_loop3A_594 = vector.shape_cast %parallel_loop3A_593 : vector<1x16xf32> to vector<16xf32>
        %parallel_loop3A_595 = arith.constant 22 : i32
        %parallel_loop3A_596 = arith.index_cast %and3A_86 : i32 to index
        %parallel_loop3A_597 = arith.index_cast %parallel_loop3A_595 : i32 to index
        %parallel_loop3A_598 = arith.index_cast %parallel_loop3A_194 : i32 to index
        %parallel_loop3A_599 = tpu.vector_load %arg8[%parallel_loop3A_596, %parallel_loop3A_597, %parallel_loop3A_598] {strides = array<i32>} : memref<2x32x256xf32, #tpu.memory_space<vmem>>, vector<1x1x16xf32>,
        %parallel_loop3A_600 = vector.shape_cast %parallel_loop3A_599 : vector<1x1x16xf32> to vector<16xf32>
        %parallel_loop3A_601 = arith.addf %parallel_loop3A_594, %parallel_loop3A_600 : vector<16xf32>
        %parallel_loop3A_602 = arith.constant 22 : i32
        %parallel_loop3A_603 = arith.index_cast %and3A_76 : i32 to index
        %parallel_loop3A_604 = arith.index_cast %parallel_loop3A_602 : i32 to index
        %parallel_loop3A_605 = arith.index_cast %parallel_loop3A_194 : i32 to index
        %parallel_loop3A_606 = tpu.vector_load %arg9[%parallel_loop3A_603, %parallel_loop3A_604, %parallel_loop3A_605] {strides = array<i32>} : memref<2x32x256xf32, #tpu.memory_space<vmem>>, vector<1x1x16xf32>,
        %parallel_loop3A_607 = vector.shape_cast %parallel_loop3A_606 : vector<1x1x16xf32> to vector<16xf32>
        %parallel_loop3A_608 = vector.shape_cast %parallel_loop3A_601 : vector<16xf32> to vector<1x1x16xf32>
        tpu.vector_store %arg9[%parallel_loop3A_603, %parallel_loop3A_604, %parallel_loop3A_605], %parallel_loop3A_608 {strides = array<i32>} : memref<2x32x256xf32, #tpu.memory_space<vmem>>, vector<1x1x16xf32>,
        %parallel_loop3A_609 = arith.index_cast %squeeze3A_143 : i32 to index
        %parallel_loop3A_610 = arith.index_cast %parallel_loop3A_194 : i32 to index
        %parallel_loop3A_611 = tpu.vector_load %arg7[%parallel_loop3A_609, %parallel_loop3A_610] {strides = array<i32>} : memref<256x256xf32, #tpu.memory_space<vmem>>, vector<1x16xf32>,
        %parallel_loop3A_612 = vector.shape_cast %parallel_loop3A_611 : vector<1x16xf32> to vector<16xf32>
        %parallel_loop3A_613 = arith.constant 23 : i32
        %parallel_loop3A_614 = arith.index_cast %and3A_86 : i32 to index
        %parallel_loop3A_615 = arith.index_cast %parallel_loop3A_613 : i32 to index
        %parallel_loop3A_616 = arith.index_cast %parallel_loop3A_194 : i32 to index
        %parallel_loop3A_617 = tpu.vector_load %arg8[%parallel_loop3A_614, %parallel_loop3A_615, %parallel_loop3A_616] {strides = array<i32>} : memref<2x32x256xf32, #tpu.memory_space<vmem>>, vector<1x1x16xf32>,
        %parallel_loop3A_618 = vector.shape_cast %parallel_loop3A_617 : vector<1x1x16xf32> to vector<16xf32>
        %parallel_loop3A_619 = arith.addf %parallel_loop3A_612, %parallel_loop3A_618 : vector<16xf32>
        %parallel_loop3A_620 = arith.constant 23 : i32
        %parallel_loop3A_621 = arith.index_cast %and3A_76 : i32 to index
        %parallel_loop3A_622 = arith.index_cast %parallel_loop3A_620 : i32 to index
        %parallel_loop3A_623 = arith.index_cast %parallel_loop3A_194 : i32 to index
        %parallel_loop3A_624 = tpu.vector_load %arg9[%parallel_loop3A_621, %parallel_loop3A_622, %parallel_loop3A_623] {strides = array<i32>} : memref<2x32x256xf32, #tpu.memory_space<vmem>>, vector<1x1x16xf32>,
        %parallel_loop3A_625 = vector.shape_cast %parallel_loop3A_624 : vector<1x1x16xf32> to vector<16xf32>
        %parallel_loop3A_626 = vector.shape_cast %parallel_loop3A_619 : vector<16xf32> to vector<1x1x16xf32>
        tpu.vector_store %arg9[%parallel_loop3A_621, %parallel_loop3A_622, %parallel_loop3A_623], %parallel_loop3A_626 {strides = array<i32>} : memref<2x32x256xf32, #tpu.memory_space<vmem>>, vector<1x1x16xf32>,
        %parallel_loop3A_627 = arith.index_cast %squeeze3A_145 : i32 to index
        %parallel_loop3A_628 = arith.index_cast %parallel_loop3A_194 : i32 to index
        %parallel_loop3A_629 = tpu.vector_load %arg7[%parallel_loop3A_627, %parallel_loop3A_628] {strides = array<i32>} : memref<256x256xf32, #tpu.memory_space<vmem>>, vector<1x16xf32>,
        %parallel_loop3A_630 = vector.shape_cast %parallel_loop3A_629 : vector<1x16xf32> to vector<16xf32>
        %parallel_loop3A_631 = arith.constant 24 : i32
        %parallel_loop3A_632 = arith.index_cast %and3A_86 : i32 to index
        %parallel_loop3A_633 = arith.index_cast %parallel_loop3A_631 : i32 to index
        %parallel_loop3A_634 = arith.index_cast %parallel_loop3A_194 : i32 to index
        %parallel_loop3A_635 = tpu.vector_load %arg8[%parallel_loop3A_632, %parallel_loop3A_633, %parallel_loop3A_634] {strides = array<i32>} : memref<2x32x256xf32, #tpu.memory_space<vmem>>, vector<1x1x16xf32>,
        %parallel_loop3A_636 = vector.shape_cast %parallel_loop3A_635 : vector<1x1x16xf32> to vector<16xf32>
        %parallel_loop3A_637 = arith.addf %parallel_loop3A_630, %parallel_loop3A_636 : vector<16xf32>
        %parallel_loop3A_638 = arith.constant 24 : i32
        %parallel_loop3A_639 = arith.index_cast %and3A_76 : i32 to index
        %parallel_loop3A_640 = arith.index_cast %parallel_loop3A_638 : i32 to index
        %parallel_loop3A_641 = arith.index_cast %parallel_loop3A_194 : i32 to index
        %parallel_loop3A_642 = tpu.vector_load %arg9[%parallel_loop3A_639, %parallel_loop3A_640, %parallel_loop3A_641] {strides = array<i32>} : memref<2x32x256xf32, #tpu.memory_space<vmem>>, vector<1x1x16xf32>,
        %parallel_loop3A_643 = vector.shape_cast %parallel_loop3A_642 : vector<1x1x16xf32> to vector<16xf32>
        %parallel_loop3A_644 = vector.shape_cast %parallel_loop3A_637 : vector<16xf32> to vector<1x1x16xf32>
        tpu.vector_store %arg9[%parallel_loop3A_639, %parallel_loop3A_640, %parallel_loop3A_641], %parallel_loop3A_644 {strides = array<i32>} : memref<2x32x256xf32, #tpu.memory_space<vmem>>, vector<1x1x16xf32>,
        %parallel_loop3A_645 = arith.index_cast %squeeze3A_147 : i32 to index
        %parallel_loop3A_646 = arith.index_cast %parallel_loop3A_194 : i32 to index
        %parallel_loop3A_647 = tpu.vector_load %arg7[%parallel_loop3A_645, %parallel_loop3A_646] {strides = array<i32>} : memref<256x256xf32, #tpu.memory_space<vmem>>, vector<1x16xf32>,
        %parallel_loop3A_648 = vector.shape_cast %parallel_loop3A_647 : vector<1x16xf32> to vector<16xf32>
        %parallel_loop3A_649 = arith.constant 25 : i32
        %parallel_loop3A_650 = arith.index_cast %and3A_86 : i32 to index
        %parallel_loop3A_651 = arith.index_cast %parallel_loop3A_649 : i32 to index
        %parallel_loop3A_652 = arith.index_cast %parallel_loop3A_194 : i32 to index
        %parallel_loop3A_653 = tpu.vector_load %arg8[%parallel_loop3A_650, %parallel_loop3A_651, %parallel_loop3A_652] {strides = array<i32>} : memref<2x32x256xf32, #tpu.memory_space<vmem>>, vector<1x1x16xf32>,
        %parallel_loop3A_654 = vector.shape_cast %parallel_loop3A_653 : vector<1x1x16xf32> to vector<16xf32>
        %parallel_loop3A_655 = arith.addf %parallel_loop3A_648, %parallel_loop3A_654 : vector<16xf32>
        %parallel_loop3A_656 = arith.constant 25 : i32
        %parallel_loop3A_657 = arith.index_cast %and3A_76 : i32 to index
        %parallel_loop3A_658 = arith.index_cast %parallel_loop3A_656 : i32 to index
        %parallel_loop3A_659 = arith.index_cast %parallel_loop3A_194 : i32 to index
        %parallel_loop3A_660 = tpu.vector_load %arg9[%parallel_loop3A_657, %parallel_loop3A_658, %parallel_loop3A_659] {strides = array<i32>} : memref<2x32x256xf32, #tpu.memory_space<vmem>>, vector<1x1x16xf32>,
        %parallel_loop3A_661 = vector.shape_cast %parallel_loop3A_660 : vector<1x1x16xf32> to vector<16xf32>
        %parallel_loop3A_662 = vector.shape_cast %parallel_loop3A_655 : vector<16xf32> to vector<1x1x16xf32>
        tpu.vector_store %arg9[%parallel_loop3A_657, %parallel_loop3A_658, %parallel_loop3A_659], %parallel_loop3A_662 {strides = array<i32>} : memref<2x32x256xf32, #tpu.memory_space<vmem>>, vector<1x1x16xf32>,
        %parallel_loop3A_663 = arith.index_cast %squeeze3A_149 : i32 to index
        %parallel_loop3A_664 = arith.index_cast %parallel_loop3A_194 : i32 to index
        %parallel_loop3A_665 = tpu.vector_load %arg7[%parallel_loop3A_663, %parallel_loop3A_664] {strides = array<i32>} : memref<256x256xf32, #tpu.memory_space<vmem>>, vector<1x16xf32>,
        %parallel_loop3A_666 = vector.shape_cast %parallel_loop3A_665 : vector<1x16xf32> to vector<16xf32>
        %parallel_loop3A_667 = arith.constant 26 : i32
        %parallel_loop3A_668 = arith.index_cast %and3A_86 : i32 to index
        %parallel_loop3A_669 = arith.index_cast %parallel_loop3A_667 : i32 to index
        %parallel_loop3A_670 = arith.index_cast %parallel_loop3A_194 : i32 to index
        %parallel_loop3A_671 = tpu.vector_load %arg8[%parallel_loop3A_668, %parallel_loop3A_669, %parallel_loop3A_670] {strides = array<i32>} : memref<2x32x256xf32, #tpu.memory_space<vmem>>, vector<1x1x16xf32>,
        %parallel_loop3A_672 = vector.shape_cast %parallel_loop3A_671 : vector<1x1x16xf32> to vector<16xf32>
        %parallel_loop3A_673 = arith.addf %parallel_loop3A_666, %parallel_loop3A_672 : vector<16xf32>
        %parallel_loop3A_674 = arith.constant 26 : i32
        %parallel_loop3A_675 = arith.index_cast %and3A_76 : i32 to index
        %parallel_loop3A_676 = arith.index_cast %parallel_loop3A_674 : i32 to index
        %parallel_loop3A_677 = arith.index_cast %parallel_loop3A_194 : i32 to index
        %parallel_loop3A_678 = tpu.vector_load %arg9[%parallel_loop3A_675, %parallel_loop3A_676, %parallel_loop3A_677] {strides = array<i32>} : memref<2x32x256xf32, #tpu.memory_space<vmem>>, vector<1x1x16xf32>,
        %parallel_loop3A_679 = vector.shape_cast %parallel_loop3A_678 : vector<1x1x16xf32> to vector<16xf32>
        %parallel_loop3A_680 = vector.shape_cast %parallel_loop3A_673 : vector<16xf32> to vector<1x1x16xf32>
        tpu.vector_store %arg9[%parallel_loop3A_675, %parallel_loop3A_676, %parallel_loop3A_677], %parallel_loop3A_680 {strides = array<i32>} : memref<2x32x256xf32, #tpu.memory_space<vmem>>, vector<1x1x16xf32>,
        %parallel_loop3A_681 = arith.index_cast %squeeze3A_151 : i32 to index
        %parallel_loop3A_682 = arith.index_cast %parallel_loop3A_194 : i32 to index
        %parallel_loop3A_683 = tpu.vector_load %arg7[%parallel_loop3A_681, %parallel_loop3A_682] {strides = array<i32>} : memref<256x256xf32, #tpu.memory_space<vmem>>, vector<1x16xf32>,
        %parallel_loop3A_684 = vector.shape_cast %parallel_loop3A_683 : vector<1x16xf32> to vector<16xf32>
        %parallel_loop3A_685 = arith.constant 27 : i32
        %parallel_loop3A_686 = arith.index_cast %and3A_86 : i32 to index
        %parallel_loop3A_687 = arith.index_cast %parallel_loop3A_685 : i32 to index
        %parallel_loop3A_688 = arith.index_cast %parallel_loop3A_194 : i32 to index
        %parallel_loop3A_689 = tpu.vector_load %arg8[%parallel_loop3A_686, %parallel_loop3A_687, %parallel_loop3A_688] {strides = array<i32>} : memref<2x32x256xf32, #tpu.memory_space<vmem>>, vector<1x1x16xf32>,
        %parallel_loop3A_690 = vector.shape_cast %parallel_loop3A_689 : vector<1x1x16xf32> to vector<16xf32>
        %parallel_loop3A_691 = arith.addf %parallel_loop3A_684, %parallel_loop3A_690 : vector<16xf32>
        %parallel_loop3A_692 = arith.constant 27 : i32
        %parallel_loop3A_693 = arith.index_cast %and3A_76 : i32 to index
        %parallel_loop3A_694 = arith.index_cast %parallel_loop3A_692 : i32 to index
        %parallel_loop3A_695 = arith.index_cast %parallel_loop3A_194 : i32 to index
        %parallel_loop3A_696 = tpu.vector_load %arg9[%parallel_loop3A_693, %parallel_loop3A_694, %parallel_loop3A_695] {strides = array<i32>} : memref<2x32x256xf32, #tpu.memory_space<vmem>>, vector<1x1x16xf32>,
        %parallel_loop3A_697 = vector.shape_cast %parallel_loop3A_696 : vector<1x1x16xf32> to vector<16xf32>
        %parallel_loop3A_698 = vector.shape_cast %parallel_loop3A_691 : vector<16xf32> to vector<1x1x16xf32>
        tpu.vector_store %arg9[%parallel_loop3A_693, %parallel_loop3A_694, %parallel_loop3A_695], %parallel_loop3A_698 {strides = array<i32>} : memref<2x32x256xf32, #tpu.memory_space<vmem>>, vector<1x1x16xf32>,
        %parallel_loop3A_699 = arith.index_cast %squeeze3A_153 : i32 to index
        %parallel_loop3A_700 = arith.index_cast %parallel_loop3A_194 : i32 to index
        %parallel_loop3A_701 = tpu.vector_load %arg7[%parallel_loop3A_699, %parallel_loop3A_700] {strides = array<i32>} : memref<256x256xf32, #tpu.memory_space<vmem>>, vector<1x16xf32>,
        %parallel_loop3A_702 = vector.shape_cast %parallel_loop3A_701 : vector<1x16xf32> to vector<16xf32>
        %parallel_loop3A_703 = arith.constant 28 : i32
        %parallel_loop3A_704 = arith.index_cast %and3A_86 : i32 to index
        %parallel_loop3A_705 = arith.index_cast %parallel_loop3A_703 : i32 to index
        %parallel_loop3A_706 = arith.index_cast %parallel_loop3A_194 : i32 to index
        %parallel_loop3A_707 = tpu.vector_load %arg8[%parallel_loop3A_704, %parallel_loop3A_705, %parallel_loop3A_706] {strides = array<i32>} : memref<2x32x256xf32, #tpu.memory_space<vmem>>, vector<1x1x16xf32>,
        %parallel_loop3A_708 = vector.shape_cast %parallel_loop3A_707 : vector<1x1x16xf32> to vector<16xf32>
        %parallel_loop3A_709 = arith.addf %parallel_loop3A_702, %parallel_loop3A_708 : vector<16xf32>
        %parallel_loop3A_710 = arith.constant 28 : i32
        %parallel_loop3A_711 = arith.index_cast %and3A_76 : i32 to index
        %parallel_loop3A_712 = arith.index_cast %parallel_loop3A_710 : i32 to index
        %parallel_loop3A_713 = arith.index_cast %parallel_loop3A_194 : i32 to index
        %parallel_loop3A_714 = tpu.vector_load %arg9[%parallel_loop3A_711, %parallel_loop3A_712, %parallel_loop3A_713] {strides = array<i32>} : memref<2x32x256xf32, #tpu.memory_space<vmem>>, vector<1x1x16xf32>,
        %parallel_loop3A_715 = vector.shape_cast %parallel_loop3A_714 : vector<1x1x16xf32> to vector<16xf32>
        %parallel_loop3A_716 = vector.shape_cast %parallel_loop3A_709 : vector<16xf32> to vector<1x1x16xf32>
        tpu.vector_store %arg9[%parallel_loop3A_711, %parallel_loop3A_712, %parallel_loop3A_713], %parallel_loop3A_716 {strides = array<i32>} : memref<2x32x256xf32, #tpu.memory_space<vmem>>, vector<1x1x16xf32>,
        %parallel_loop3A_717 = arith.index_cast %squeeze3A_155 : i32 to index
        %parallel_loop3A_718 = arith.index_cast %parallel_loop3A_194 : i32 to index
        %parallel_loop3A_719 = tpu.vector_load %arg7[%parallel_loop3A_717, %parallel_loop3A_718] {strides = array<i32>} : memref<256x256xf32, #tpu.memory_space<vmem>>, vector<1x16xf32>,
        %parallel_loop3A_720 = vector.shape_cast %parallel_loop3A_719 : vector<1x16xf32> to vector<16xf32>
        %parallel_loop3A_721 = arith.constant 29 : i32
        %parallel_loop3A_722 = arith.index_cast %and3A_86 : i32 to index
        %parallel_loop3A_723 = arith.index_cast %parallel_loop3A_721 : i32 to index
        %parallel_loop3A_724 = arith.index_cast %parallel_loop3A_194 : i32 to index
        %parallel_loop3A_725 = tpu.vector_load %arg8[%parallel_loop3A_722, %parallel_loop3A_723, %parallel_loop3A_724] {strides = array<i32>} : memref<2x32x256xf32, #tpu.memory_space<vmem>>, vector<1x1x16xf32>,
        %parallel_loop3A_726 = vector.shape_cast %parallel_loop3A_725 : vector<1x1x16xf32> to vector<16xf32>
        %parallel_loop3A_727 = arith.addf %parallel_loop3A_720, %parallel_loop3A_726 : vector<16xf32>
        %parallel_loop3A_728 = arith.constant 29 : i32
        %parallel_loop3A_729 = arith.index_cast %and3A_76 : i32 to index
        %parallel_loop3A_730 = arith.index_cast %parallel_loop3A_728 : i32 to index
        %parallel_loop3A_731 = arith.index_cast %parallel_loop3A_194 : i32 to index
        %parallel_loop3A_732 = tpu.vector_load %arg9[%parallel_loop3A_729, %parallel_loop3A_730, %parallel_loop3A_731] {strides = array<i32>} : memref<2x32x256xf32, #tpu.memory_space<vmem>>, vector<1x1x16xf32>,
        %parallel_loop3A_733 = vector.shape_cast %parallel_loop3A_732 : vector<1x1x16xf32> to vector<16xf32>
        %parallel_loop3A_734 = vector.shape_cast %parallel_loop3A_727 : vector<16xf32> to vector<1x1x16xf32>
        tpu.vector_store %arg9[%parallel_loop3A_729, %parallel_loop3A_730, %parallel_loop3A_731], %parallel_loop3A_734 {strides = array<i32>} : memref<2x32x256xf32, #tpu.memory_space<vmem>>, vector<1x1x16xf32>,
        %parallel_loop3A_735 = arith.index_cast %squeeze3A_157 : i32 to index
        %parallel_loop3A_736 = arith.index_cast %parallel_loop3A_194 : i32 to index
        %parallel_loop3A_737 = tpu.vector_load %arg7[%parallel_loop3A_735, %parallel_loop3A_736] {strides = array<i32>} : memref<256x256xf32, #tpu.memory_space<vmem>>, vector<1x16xf32>,
        %parallel_loop3A_738 = vector.shape_cast %parallel_loop3A_737 : vector<1x16xf32> to vector<16xf32>
        %parallel_loop3A_739 = arith.constant 30 : i32
        %parallel_loop3A_740 = arith.index_cast %and3A_86 : i32 to index
        %parallel_loop3A_741 = arith.index_cast %parallel_loop3A_739 : i32 to index
        %parallel_loop3A_742 = arith.index_cast %parallel_loop3A_194 : i32 to index
        %parallel_loop3A_743 = tpu.vector_load %arg8[%parallel_loop3A_740, %parallel_loop3A_741, %parallel_loop3A_742] {strides = array<i32>} : memref<2x32x256xf32, #tpu.memory_space<vmem>>, vector<1x1x16xf32>,
        %parallel_loop3A_744 = vector.shape_cast %parallel_loop3A_743 : vector<1x1x16xf32> to vector<16xf32>
        %parallel_loop3A_745 = arith.addf %parallel_loop3A_738, %parallel_loop3A_744 : vector<16xf32>
        %parallel_loop3A_746 = arith.constant 30 : i32
        %parallel_loop3A_747 = arith.index_cast %and3A_76 : i32 to index
        %parallel_loop3A_748 = arith.index_cast %parallel_loop3A_746 : i32 to index
        %parallel_loop3A_749 = arith.index_cast %parallel_loop3A_194 : i32 to index
        %parallel_loop3A_750 = tpu.vector_load %arg9[%parallel_loop3A_747, %parallel_loop3A_748, %parallel_loop3A_749] {strides = array<i32>} : memref<2x32x256xf32, #tpu.memory_space<vmem>>, vector<1x1x16xf32>,
        %parallel_loop3A_751 = vector.shape_cast %parallel_loop3A_750 : vector<1x1x16xf32> to vector<16xf32>
        %parallel_loop3A_752 = vector.shape_cast %parallel_loop3A_745 : vector<16xf32> to vector<1x1x16xf32>
        tpu.vector_store %arg9[%parallel_loop3A_747, %parallel_loop3A_748, %parallel_loop3A_749], %parallel_loop3A_752 {strides = array<i32>} : memref<2x32x256xf32, #tpu.memory_space<vmem>>, vector<1x1x16xf32>,
        %parallel_loop3A_753 = arith.index_cast %squeeze3A_159 : i32 to index
        %parallel_loop3A_754 = arith.index_cast %parallel_loop3A_194 : i32 to index
        %parallel_loop3A_755 = tpu.vector_load %arg7[%parallel_loop3A_753, %parallel_loop3A_754] {strides = array<i32>} : memref<256x256xf32, #tpu.memory_space<vmem>>, vector<1x16xf32>,
        %parallel_loop3A_756 = vector.shape_cast %parallel_loop3A_755 : vector<1x16xf32> to vector<16xf32>
        %parallel_loop3A_757 = arith.constant 31 : i32
        %parallel_loop3A_758 = arith.index_cast %and3A_86 : i32 to index
        %parallel_loop3A_759 = arith.index_cast %parallel_loop3A_757 : i32 to index
        %parallel_loop3A_760 = arith.index_cast %parallel_loop3A_194 : i32 to index
        %parallel_loop3A_761 = tpu.vector_load %arg8[%parallel_loop3A_758, %parallel_loop3A_759, %parallel_loop3A_760] {strides = array<i32>} : memref<2x32x256xf32, #tpu.memory_space<vmem>>, vector<1x1x16xf32>,
        %parallel_loop3A_762 = vector.shape_cast %parallel_loop3A_761 : vector<1x1x16xf32> to vector<16xf32>
        %parallel_loop3A_763 = arith.addf %parallel_loop3A_756, %parallel_loop3A_762 : vector<16xf32>
        %parallel_loop3A_764 = arith.constant 31 : i32
        %parallel_loop3A_765 = arith.index_cast %and3A_76 : i32 to index
        %parallel_loop3A_766 = arith.index_cast %parallel_loop3A_764 : i32 to index
        %parallel_loop3A_767 = arith.index_cast %parallel_loop3A_194 : i32 to index
        %parallel_loop3A_768 = tpu.vector_load %arg9[%parallel_loop3A_765, %parallel_loop3A_766, %parallel_loop3A_767] {strides = array<i32>} : memref<2x32x256xf32, #tpu.memory_space<vmem>>, vector<1x1x16xf32>,
        %parallel_loop3A_769 = vector.shape_cast %parallel_loop3A_768 : vector<1x1x16xf32> to vector<16xf32>
        %parallel_loop3A_770 = vector.shape_cast %parallel_loop3A_763 : vector<16xf32> to vector<1x1x16xf32>
        tpu.vector_store %arg9[%parallel_loop3A_765, %parallel_loop3A_766, %parallel_loop3A_767], %parallel_loop3A_770 {strides = array<i32>} : memref<2x32x256xf32, #tpu.memory_space<vmem>>, vector<1x1x16xf32>,
      } {sc.loop_unroll_factor = 4 : i64, sc.parallel_access}
      %shift_right_logical3A_162 = arith.constant 2 : i32
      %shift_right_logical3A_163 = arith.shrui %scan3A_73, %shift_right_logical3A_162 : i32
      %and3A_164 = arith.constant 3 : i32
      %and3A_165 = arith.andi %scan3A_73, %and3A_164 : i32
      %mul3A_166 = arith.constant 8192 : i32
      %mul3A_167 = arith.muli %and3A_165, %mul3A_166 : i32
      %add3A_168 = arith.addi %mul3A_167, %mul3A_6 : i32
      %mul3A_169 = arith.constant 32 : i32
      %mul3A_170 = arith.muli %shift_right_logical3A_163, %mul3A_169 : i32
      %add3A_171 = arith.addi %add3A_168, %mul3A_170 : i32
      %and3A_172 = arith.constant 1 : i32
      %and3A_173 = arith.andi %scan3A_73, %and3A_172 : i32
      %dma_start3A_174 = arith.constant 0 : i32
      %dma_start3A_175 = arith.constant 0 : i32
      %dma_start3A_176 = tpu.memref_slice %arg9[%and3A_173, %dma_start3A_174, %dma_start3A_175] : memref<2x32x256xf32, #tpu.memory_space<vmem>> -> memref<1x32x256xf32, #tpu.memory_space<vmem>>
      %dma_start3A_177 = tpu.memref_squeeze %dma_start3A_176 : memref<1x32x256xf32, #tpu.memory_space<vmem>> -> memref<32x256xf32, #tpu.memory_space<vmem>>
      %dma_start3A_178 = tpu.memref_slice %arg5[%add3A_171, %mul3A_4] : memref<32768x1024xf32, #tpu.memory_space<hbm>> -> memref<32x256xf32, #tpu.memory_space<hbm>>
      %dma_start3A_179 = tpu.memref_slice %arg5[%add3A_171, %mul3A_4] : memref<32768x1024xf32, #tpu.memory_space<hbm>> -> memref<32x256xf32, #tpu.memory_space<hbm>>
      %dma_start3A_180 = arith.constant 0 : i32
      %dma_start3A_181 = arith.constant 0 : i32
      %dma_start3A_182 = tpu.memref_slice %arg9[%and3A_173, %dma_start3A_180, %dma_start3A_181] : memref<2x32x256xf32, #tpu.memory_space<vmem>> -> memref<1x32x256xf32, #tpu.memory_space<vmem>>
      %dma_start3A_183 = tpu.memref_squeeze %dma_start3A_182 : memref<1x32x256xf32, #tpu.memory_space<vmem>> -> memref<32x256xf32, #tpu.memory_space<vmem>>
      tpu.enqueue_dma source(%dma_start3A_183 : memref<32x256xf32, #tpu.memory_space<vmem>>) target(%dma_start3A_179 : memref<32x256xf32, #tpu.memory_space<hbm>>) target_semaphore(%arg11 : memref<!tpu.dma_semaphore, #tpu.memory_space<semaphore_mem>>)
      %add3A_184 = arith.constant 1 : i32
      %add3A_185 = arith.addi %scan3A_73, %add3A_184 : i32
      %lt3A = arith.constant 128 : i32
      %lt3A_186 = arith.cmpi slt, %add3A_185, %lt3A : i32
      %convert_element_type3A_187 = arith.extui %lt3A_186 : i1 to i32
      %cond3A_188 = arith.constant 0 : i32
      %cond3A_189 = arith.cmpi ne, %convert_element_type3A_187, %cond3A_188 : i32
      scf.if %cond3A_189 {
        %ge3A = arith.constant 1 : i32
        %ge3A_191 = arith.cmpi sge, %scan3A_73, %ge3A : i32
        %convert_element_type3A_192 = arith.extui %ge3A_191 : i1 to i32
        %cond3A_193 = arith.constant 0 : i32
        %cond3A_194 = arith.cmpi ne, %convert_element_type3A_192, %cond3A_193 : i32
        scf.if %cond3A_194 {
          %sub3A = arith.constant 1 : i32
          %sub3A_195 = arith.subi %scan3A_73, %sub3A : i32
          %shift_right_logical3A_196 = arith.constant 2 : i32
          %shift_right_logical3A_197 = arith.shrui %sub3A_195, %shift_right_logical3A_196 : i32
          %and3A_198 = arith.constant 3 : i32
          %and3A_199 = arith.andi %sub3A_195, %and3A_198 : i32
          %mul3A_200 = arith.constant 8192 : i32
          %mul3A_201 = arith.muli %and3A_199, %mul3A_200 : i32
          %add3A_202 = arith.addi %mul3A_201, %mul3A_6 : i32
          %mul3A_203 = arith.constant 32 : i32
          %mul3A_204 = arith.muli %shift_right_logical3A_197, %mul3A_203 : i32
          %add3A_205 = arith.addi %add3A_202, %mul3A_204 : i32
          %and3A_206 = arith.constant 1 : i32
          %and3A_207 = arith.andi %sub3A_195, %and3A_206 : i32
          %dma_wait3A_208 = arith.constant 0 : i32
          %dma_wait3A_209 = arith.constant 0 : i32
          %dma_wait3A_210 = tpu.memref_slice %arg9[%and3A_207, %dma_wait3A_208, %dma_wait3A_209] : memref<2x32x256xf32, #tpu.memory_space<vmem>> -> memref<1x32x256xf32, #tpu.memory_space<vmem>>
          %dma_wait3A_211 = tpu.memref_squeeze %dma_wait3A_210 : memref<1x32x256xf32, #tpu.memory_space<vmem>> -> memref<32x256xf32, #tpu.memory_space<vmem>>
          %dma_wait3A_212 = tpu.memref_slice %arg5[%add3A_205, %mul3A_4] : memref<32768x1024xf32, #tpu.memory_space<hbm>> -> memref<32x256xf32, #tpu.memory_space<hbm>>
          %dma_wait3A_213 = tpu.memref_slice %arg5[%add3A_205, %mul3A_4] : memref<32768x1024xf32, #tpu.memory_space<hbm>> -> memref<32x256xf32, #tpu.memory_space<hbm>>
          %dma_wait3A_214 = arith.constant 0 : i32
          %dma_wait3A_215 = arith.constant 0 : i32
          %dma_wait3A_216 = tpu.memref_slice %arg9[%and3A_207, %dma_wait3A_214, %dma_wait3A_215] : memref<2x32x256xf32, #tpu.memory_space<vmem>> -> memref<1x32x256xf32, #tpu.memory_space<vmem>>
          %dma_wait3A_217 = tpu.memref_squeeze %dma_wait3A_216 : memref<1x32x256xf32, #tpu.memory_space<vmem>> -> memref<32x256xf32, #tpu.memory_space<vmem>>
          tpu.wait_dma2 semaphore(%arg11 : memref<!tpu.dma_semaphore, #tpu.memory_space<semaphore_mem>>) src(%dma_wait3A_217 : memref<32x256xf32, #tpu.memory_space<vmem>>) dst(%dma_wait3A_213 : memref<32x256xf32, #tpu.memory_space<hbm>>)
        } else {
        }
      } else {
      }
      %scan3A_190 = arith.constant 0 : i32
      scf.yield %scan3A_190 : i32
    }
    %scan3A_35 = arith.constant 128 : i32
    %shift_right_logical3A_36 = arith.constant 126 : i32
    %shift_right_logical3A_37 = arith.constant 2 : i32
    %shift_right_logical3A_38 = arith.shrui %shift_right_logical3A_36, %shift_right_logical3A_37 : i32
    %add3A_39 = arith.constant 16384 : i32
    %add3A_40 = arith.addi %add3A_39, %mul3A_6 : i32
    %mul3A_41 = arith.constant 32 : i32
    %mul3A_42 = arith.muli %shift_right_logical3A_38, %mul3A_41 : i32
    %add3A_43 = arith.addi %add3A_40, %mul3A_42 : i32
    %dma_wait3A = arith.constant 0 : i32
    %dma_wait3A_44 = arith.constant 0 : i32
    %dma_wait3A_45 = arith.constant 0 : i32
    %dma_wait3A_46 = tpu.memref_slice %arg9[%dma_wait3A, %dma_wait3A_44, %dma_wait3A_45] : memref<2x32x256xf32, #tpu.memory_space<vmem>> -> memref<1x32x256xf32, #tpu.memory_space<vmem>>
    %dma_wait3A_47 = tpu.memref_squeeze %dma_wait3A_46 : memref<1x32x256xf32, #tpu.memory_space<vmem>> -> memref<32x256xf32, #tpu.memory_space<vmem>>
    %dma_wait3A_48 = tpu.memref_slice %arg5[%add3A_43, %mul3A_4] : memref<32768x1024xf32, #tpu.memory_space<hbm>> -> memref<32x256xf32, #tpu.memory_space<hbm>>
    %dma_wait3A_49 = tpu.memref_slice %arg5[%add3A_43, %mul3A_4] : memref<32768x1024xf32, #tpu.memory_space<hbm>> -> memref<32x256xf32, #tpu.memory_space<hbm>>
    %dma_wait3A_50 = arith.constant 0 : i32
    %dma_wait3A_51 = arith.constant 0 : i32
    %dma_wait3A_52 = tpu.memref_slice %arg9[%dma_wait3A, %dma_wait3A_50, %dma_wait3A_51] : memref<2x32x256xf32, #tpu.memory_space<vmem>> -> memref<1x32x256xf32, #tpu.memory_space<vmem>>
    %dma_wait3A_53 = tpu.memref_squeeze %dma_wait3A_52 : memref<1x32x256xf32, #tpu.memory_space<vmem>> -> memref<32x256xf32, #tpu.memory_space<vmem>>
    tpu.wait_dma2 semaphore(%arg11 : memref<!tpu.dma_semaphore, #tpu.memory_space<semaphore_mem>>) src(%dma_wait3A_53 : memref<32x256xf32, #tpu.memory_space<vmem>>) dst(%dma_wait3A_49 : memref<32x256xf32, #tpu.memory_space<hbm>>)
    %shift_right_logical3A_54 = arith.constant 127 : i32
    %shift_right_logical3A_55 = arith.constant 2 : i32
    %shift_right_logical3A_56 = arith.shrui %shift_right_logical3A_54, %shift_right_logical3A_55 : i32
    %add3A_57 = arith.constant 24576 : i32
    %add3A_58 = arith.addi %add3A_57, %mul3A_6 : i32
    %mul3A_59 = arith.constant 32 : i32
    %mul3A_60 = arith.muli %shift_right_logical3A_56, %mul3A_59 : i32
    %add3A_61 = arith.addi %add3A_58, %mul3A_60 : i32
    %dma_wait3A_62 = arith.constant 1 : i32
    %dma_wait3A_63 = arith.constant 0 : i32
    %dma_wait3A_64 = arith.constant 0 : i32
    %dma_wait3A_65 = tpu.memref_slice %arg9[%dma_wait3A_62, %dma_wait3A_63, %dma_wait3A_64] : memref<2x32x256xf32, #tpu.memory_space<vmem>> -> memref<1x32x256xf32, #tpu.memory_space<vmem>>
    %dma_wait3A_66 = tpu.memref_squeeze %dma_wait3A_65 : memref<1x32x256xf32, #tpu.memory_space<vmem>> -> memref<32x256xf32, #tpu.memory_space<vmem>>
    %dma_wait3A_67 = tpu.memref_slice %arg5[%add3A_61, %mul3A_4] : memref<32768x1024xf32, #tpu.memory_space<hbm>> -> memref<32x256xf32, #tpu.memory_space<hbm>>
    %dma_wait3A_68 = tpu.memref_slice %arg5[%add3A_61, %mul3A_4] : memref<32768x1024xf32, #tpu.memory_space<hbm>> -> memref<32x256xf32, #tpu.memory_space<hbm>>
    %dma_wait3A_69 = arith.constant 0 : i32
    %dma_wait3A_70 = arith.constant 0 : i32
    %dma_wait3A_71 = tpu.memref_slice %arg9[%dma_wait3A_62, %dma_wait3A_69, %dma_wait3A_70] : memref<2x32x256xf32, #tpu.memory_space<vmem>> -> memref<1x32x256xf32, #tpu.memory_space<vmem>>
    %dma_wait3A_72 = tpu.memref_squeeze %dma_wait3A_71 : memref<1x32x256xf32, #tpu.memory_space<vmem>> -> memref<32x256xf32, #tpu.memory_space<vmem>>
    tpu.wait_dma2 semaphore(%arg11 : memref<!tpu.dma_semaphore, #tpu.memory_space<semaphore_mem>>) src(%dma_wait3A_72 : memref<32x256xf32, #tpu.memory_space<vmem>>) dst(%dma_wait3A_68 : memref<32x256xf32, #tpu.memory_space<hbm>>)
    return
  }
}

</mosaic_0001>

<sc_bundles>
// kernel: kernel.3.cloned.1.call-start
scs
__scs_entry_jumppad:
0x0: {  	(pc) =	sbr.rel $0x88, $3  }
0x1: {  	(tag) =	ssettag $0x0;
	lr =	simm.s32 $0x1  }
0x2: {  	[smem:$0x3F9E] =	sst lr;
	_ =	strace $0xD0000000  }
0x3: {  	_ = 	snop  }
0x4: {  	_ = 	snop  }
0x5: {  	_ = 	snop  }
0x6: {  	_ = 	snop  }
0x7: {  	_ = 	snop  }
__scs_overlays_trampoline_lowered:
0x8: {  	[smem:$0x3FAD] =	sst s0  }
0x9: {  	[smem:$0x3FAE] =	sst s1  }
0xa: {  	[smem:$0x3FAF] =	sst s2  }
0xb: {  	[smem:$0x3FB0] =	sst s3  }
0xc: {  	[smem:$0x3FB1] =	sst s4  }
0xd: {  	[smem:$0x3FB2] =	sst s5  }
0xe: {  	[smem:$0x3FB3] =	sst s6  }
0xf: {  	[smem:$0x3FB4] =	sst s7  }
0x10: {  	[smem:$0x3FB5] =	sst s8  }
0x11: {  	[smem:$0x3FB6] =	sst s9;
	s0 =	simm.s32 @!p0 $0x0  }
0x12: {  	s1 =	sld [smem:$0x3F9C];
	s0 =	simm.s32 @p0 $0x1  }
0x13: {  	[smem:$0x3FB7] =	sst s0;
	s0 =	simm.s32 @!p1 $0x0  }
0x14: {  	s2 =	sld [smem:$0x3F9B];
	s0 =	simm.s32 @p1 $0x1  }
0x15: {  	[smem:$0x3FB8] =	sst s0;
	s0 =	simm.s32 @!p2 $0x0  }
0x16: {  	s3 =	sld [smem:$0x3FDB];
	s0 =	simm.s32 @p2 $0x1  }
0x17: {  	s4 =	simm.s32 $0x1BF5;
	[smem:$0x3FBA] =	sst s0  }
0x18: {  	s0 =	sld [smem:$0x3F9D];
	_ =	swait.ge [sflag:s4], $0x0  }
0x19: {  	s7 =	sld [smem:$0x3F9E]  }
0x1a: {  	s8 =	sadd.s32 $0xFFFFE003, lr  }
0x1b: {  	s9 =	sadd.s32 $0xFFFFFEF7, lr;
	s5 =	simm.s32 $0xFFFFFFFF;
	p2 =	slt.u32 s8, $0xFFFFF086  }
0x1c: {  	p1 =	slt.u32 s9, $0xF7A;
	s5 =	simm.s32 @!p2 $0x0  }
0x1d: {  	s5 =	simm.s32 @p1 $0x1;
	p0 =	seq.s32 s7, s2  }
0x1e: {  	s7 =	smul.u32 @!p0 $0xF7A, s2;
	p2 =	seq.s32 @!p0 s5, $0x0  }
0x1f: {  	s9 =	smul.u32 $0xF7A, s1;
	s8 =	simm.s32 @!p0 $0x1BF5;
	p2 =	por !p2, p0  }
0x20: {  	[sflag:s8] =	ssyncset.s32 @!p0 $0xFFFFF086;
	s6 =	sadd.s32 @!p0 s3, s7;
	s7 =	simm.s32 @!p0 $0x108  }
0x21: {  	s3 =	sadd.s32 s3, s9;
	s6 =	sadd.s32 @!p0 $0x88, s6;
	s7 =	simm.s32 @p2 $0x1082  }
0x22: {  	[simem:s7], [sflag:s8] =	dma.local @!p0 [hbm:s6], $0xF7A  }
0x23: {  	s9 =	sor.u32 $0xD0000000, s2;
	s6 =	simm.s32 $0x108;
	_ =	swait.ge @!p0 [sflag:s8], $0x0  }
0x24: {  	s3 =	sadd.s32 $0x88, s3;
	s6 =	simm.s32 @!p1 $0x1082;
	[sflag:s4] =	ssyncset.s32 $0xFFFFF086  }
0x25: {  	[simem:s6], [sflag:s4] =	dma.local [hbm:s3], $0xF7A  }
0x26: {  	[smem:$0x3F9E] =	sst s1;
	(tag) =	ssettag s2;
	_ =	strace s9  }
0x27: {  	s1 =	sld [smem:$0x3FAE]  }
0x28: {  	s2 =	sld [smem:$0x3FAF]  }
0x29: {  	s4 =	sld [smem:$0x3FB1]  }
0x2a: {  	p0 =	seq.s32 s5, $0x0;
	s5 =	sld [smem:$0x3FB2]  }
0x2b: {  	s6 =	sld [smem:$0x3FB3]  }
0x2c: {  	s7 =	sld [smem:$0x3FB4]  }
0x2d: {  	s3 =	simm.s32 $0x108;
	s8 =	sld [smem:$0x3FB5]  }
0x2e: {  	s3 =	simm.s32 @!p0 $0x1082;
	s9 =	sld [smem:$0x3FB6]  }
0x2f: {  	lr =	sadd.s32 s0, s3;
	s0 =	sld [smem:$0x3FAD]  }
0x30: {  	s3 =	sld [smem:$0x3FB0]  }
0x31: {  	[smem:$0x3FB9] =	sst s10  }
0x32: {  	s10 =	sld [smem:$0x3FB7];
	_ =	sdelay $0x3  }
0x33: {  	p0 =	seq.s32 s10, $0x1;
	s10 =	sld [smem:$0x3FB9];
	_ =	sdelay $0x3  }
0x34: {  	[smem:$0x3FB9] =	sst s10  }
0x35: {  	s10 =	sld [smem:$0x3FB8];
	_ =	sdelay $0x3  }
0x36: {  	p1 =	seq.s32 s10, $0x1;
	s10 =	sld [smem:$0x3FB9];
	_ =	sdelay $0x3  }
0x37: {  	[smem:$0x3FB9] =	sst s10  }
0x38: {  	s10 =	sld [smem:$0x3FBA]  }
0x39: {  	_ = 	snop;
	(pc) =	sbr.ind lr, $3  }
0x3a: {  	_ = 	snop  }
0x3b: {  	_ = 	snop  }
0x3c: {  	p2 =	seq.s32 s10, $0x1;
	s10 =	sld [smem:$0x3FB9]  }
0x3d: {  	_ =	shalt  }
0x3e: {  	_ =	shalt  }
0x3f: {  	_ =	shalt  }
0x40: {  	_ =	shalt  }
0x41: {  	_ =	shalt  }
0x42: {  	_ =	shalt  }
0x43: {  	_ =	shalt  }
0x44: {  	_ =	shalt  }
0x45: {  	_ =	shalt  }
0x46: {  	_ =	shalt  }
0x47: {  	_ =	shalt  }
0x48: {  	_ =	shalt  }
0x49: {  	_ =	shalt  }
0x4a: {  	_ =	shalt  }
0x4b: {  	_ =	shalt  }
0x4c: {  	_ =	shalt  }
0x4d: {  	_ =	shalt  }
0x4e: {  	_ =	shalt  }
0x4f: {  	_ =	shalt  }
0x50: {  	_ =	shalt  }
0x51: {  	_ =	shalt  }
0x52: {  	_ =	shalt  }
0x53: {  	_ =	shalt  }
0x54: {  	_ =	shalt  }
0x55: {  	_ =	shalt  }
0x56: {  	_ =	shalt  }
0x57: {  	_ =	shalt  }
0x58: {  	_ =	shalt  }
0x59: {  	_ =	shalt  }
0x5a: {  	_ =	shalt  }
0x5b: {  	_ =	shalt  }
0x5c: {  	_ =	shalt  }
0x5d: {  	_ =	shalt  }
0x5e: {  	_ =	shalt  }
0x5f: {  	_ =	shalt  }
0x60: {  	_ =	shalt  }
0x61: {  	_ =	shalt  }
0x62: {  	_ =	shalt  }
0x63: {  	_ =	shalt  }
0x64: {  	_ =	shalt  }
0x65: {  	_ =	shalt  }
0x66: {  	_ =	shalt  }
0x67: {  	_ =	shalt  }
0x68: {  	_ =	shalt  }
0x69: {  	_ =	shalt  }
0x6a: {  	_ =	shalt  }
0x6b: {  	_ =	shalt  }
0x6c: {  	_ =	shalt  }
0x6d: {  	_ =	shalt  }
0x6e: {  	_ =	shalt  }
0x6f: {  	_ =	shalt  }
0x70: {  	_ =	shalt  }
0x71: {  	_ =	shalt  }
0x72: {  	_ =	shalt  }
0x73: {  	_ =	shalt  }
0x74: {  	_ =	shalt  }
0x75: {  	_ =	shalt  }
0x76: {  	_ =	shalt  }
0x77: {  	_ =	shalt  }
0x78: {  	_ =	shalt  }
0x79: {  	_ =	shalt  }
0x7a: {  	_ =	shalt  }
0x7b: {  	_ =	shalt  }
0x7c: {  	_ =	shalt  }
0x7d: {  	_ =	shalt  }
0x7e: {  	_ =	shalt  }
0x7f: {  	_ =	shalt  }
0x80: {  	_ =	shalt  }
0x81: {  	_ =	shalt  }
0x82: {  	_ =	shalt  }
0x83: {  	_ =	shalt  }
0x84: {  	_ =	shalt  }
0x85: {  	_ =	shalt  }
0x86: {  	_ =	shalt  }
0x87: {  	_ =	shalt  }
.Lfunc_end0:
.L_simem_size_0:
called_computation_lowered:
.L_overlay_start_0:
0x88: {  	s2 =	sld [smem:$0x3FD9]  }
0x89: {  	s3 =	sld [smem:$0x3FFE];
	_ =	sdelay $0x1  }
0x8a: {  	s1 =	srdreg.scid  }
0x8b: {  	s0 =	sand.u32 $0x1, s1  }
0x8c: {  	s17 =	sshll.u32 s0, $0xA;
	s2 =	sadd.s32 s3, s2  }
0x8d: {  	s2 =	sadd.s32 s2, s17  }
0x8e: {  	[smem:$0x3FC5] =	sst s2  }
0x8f: {  	_ = 	snop  }
0x90: {  	s2 =	sld [smem:$0x3FC8]  }
0x91: {  	s18 =	sld [smem:$0x3FC7]  }
0x92: {  	s4 =	sld [smem:$0x3FD0];
	(tm) =	ssettm $0x1  }
0x93: {  	s5 =	sld [smem:$0x3FFB];
	_ =	sdelay $0x3  }
0x94: {  	_ =	strace s5  }
0x95: {  	s5 =	sld [smem:$0x3FFC];
	_ =	sdelay $0x3  }
0x96: {  	_ =	strace s5  }
0x97: {  	s5 =	sld [smem:$0x3FFD];
	_ =	sdelay $0x3  }
0x98: {  	_ =	strace s5  }
0x99: {  	_ =	strace $0x8FFFFFFF  }
0x9a: {  	s19 =	sld [smem:$0x3FDB];
	_ =	sdelay $0x1  }
0x9b: {  	s6 =	simm.s32 $_scs_section_size  }
0x9c: {  	s7 =	simm.s32 $_size__tile_overlayer_lowered;
	s8 =	simm.s32 $_tile_overlayer_lowered  }
0x9d: {  	s22 =	simm.s32 $0x1BFF;
	s21 =	sshll.u32 s8, $0x1;
	s5 =	sadd.s32 s6, s19  }
0x9e: {  	s9 =	simm.s32 $0x0;
	s20 =	sshll.u32 s7, $0x1;
	s7 =	sadd.s32 s21, s5  }
0x9f: {  	[timem:s9], [sflag:s22] =	dma.local [hbm:s7], s20  }
0xa0: {  	_ =	swait.ge [sflag:s22], s20  }
0xa1: {  	s6 =	ssub.s32 $0x0, s20;
	[sflag:s22] =	ssyncset.done $0x0  }
0xa2: {  	[sflag:s22] =	ssyncadd.s32 s6;
	_ =	sdelay $0x1  }
0xa3: {  	s23 =	simm.s32 $0x1B8B  }
0xa4: {  	_ =	swait.ge [sflag:s23], $0x1  }
0xa5: {  	[sflag:s23] =	ssyncset.done $0x0  }
0xa6: {  	s25 =	simm.s32 $0x1B8E;
	s24 =	sld [smem:$0x3FFE];
	[sflag:s23] =	ssyncadd.s32 $0xFFFFFFFF  }
0xa7: {  	s26 =	simm.s32 $execute0_lowered;
	[smem:$0x3FD2] =	sst s25  }
0xa8: {  	s7 =	sshll.u32 s26, $0x1;
	_ =	strace $0x80000046;
	[dreg:$0x1] =	wrdreg $0xFFFFFFFF  }
0xa9: {  	s28 =	simm.s32 $_size_execute0_lowered;
	s5 =	sadd.s32 s5, s7;
	[dreg:$0x0] =	wrdreg $0x0  }
0xaa: {  	s7 =	sshll.u32 s28, $0x1;
	[dreg:$0x2] =	wrdreg s5  }
0xab: {  	[dreg:$0x3] =	wrdreg s7  }
0xac: {  	[dreg:$0x4] =	wrdreg $0xC0  }
0xad: {  	_ =	task [dreg:s9], $0x5FFFF  }
0xae: {  	[dreg:$0x1] =	wrdreg $0xFFFFFFFF  }
0xaf: {  	[dreg:$0x0] =	wrdreg $0x60  }
0xb0: {  	[dreg:$0x2] =	wrdreg s2  }
0xb1: {  	[dreg:$0x3] =	wrdreg s24  }
0xb2: {  	[dreg:$0x4] =	wrdreg s18  }
0xb3: {  	[dreg:$0x5] =	wrdreg s4  }
0xb4: {  	[dreg:$0x6] =	wrdreg $0x9  }
0xb5: {  	_ =	task.clear_ibuf [dreg:s9], $0x7FFFF;
	_ =	strace $0x90000046  }
0xb6: {  	s29 =	simm.s32 $0x9;
	_ =	strace $0x80000048  }
0xb7: {  	_ =	swait.ge [sflag:s29], $0x1  }
0xb8: {  	[sflag:s29] =	ssyncadd.s32 $0xFFFFFFFF  }
0xb9: {  	_ =	strace $0x90000048  }
0xba: {  	_ =	sfence  }
0xbb: {  	s30 =	sld [smem:$0x0];
	_ =	sdelay $0x2  }
0xbc: {  	s31 =	sshll.u32 s1, $0xD;
	s1 =	sshrl.u32 s1, $0x2  }
0xbd: {  	s3 =	sand.u32 $0x4000, s31;
	s1 =	sadd.s32 s1, s30  }
0xbe: {  	s0 =	sor.u32 s3, s0;
	s1 =	sshll.u32 s1, $0x11  }
0xbf: {  	s0 =	sor.u32 s1, s0  }
0xc0: {  	s0 =	sadd.s32 $0x8F2B, s0  }
0xc1: {  	[sflag:s0] =	ssyncadd.remote.s32 $0x1  }
0xc2: {  	_ =	sfence.sel $0xFFFF  }
0xc3: {  	[dreg:$0x0] =	wrdreg $0xFFFFFFFF;
	(pc) =	sbr.abs _section_cstart, $3  }
0xc4: {  	[dreg:$0x1] =	wrdreg $0xFFFFFFFF  }
0xc5: {  	_ =	task.clear_ibuf [dreg:s9], $0x2FFFF;
	_ =	strace $0x9FFFFFFF  }
0xc6: {  	(tm) =	ssettm $0x7FFFFFFF  }
0xc7: {  	_ =	shalt  }
tec
execute0_lowered:
.L_overlay_start_1:
0x0: {  	(tag) =	ssettag $0x1  }
0x1: {  	s0 =	rddreg [dreg:$0x0]  }
0x2: {  	s1 =	rddreg [dreg:$0x1]  }
0x3: {  	s6 =	rddreg [dreg:$0x2];
	s2 =	simm.s32 $0x0;
	s4 =	stileid.u32  }
0x4: {  	s16 =	srdreg.scid;
	[smem:$0x7FF] =	sst s2  }
0x5: {  	s15 =	sshll.u32 s4, $0x9;
	s2 =	sand.u32 $0x1, s16;
	s4 =	sshll.u32 s4, $0xC  }
0x6: {  	_ =	strace $0x80000047;
	s7 =	sand.u32 $0x1C00, s15;
	s5 =	ssub.s32 $0x2, s2  }
0x7: {  	s2 =	sshll.u32 s2, $0xB;
	s4 =	sand.u32 $0x1000, s4;
	s3 =	sshrl.u32 s7, $0x3  }
0x8: {  	s8 =	sor.u32 s2, s4;
	[smem:$0x7EF] =	sst s7;
	s20 =	sshll.u32 s7, $0xA  }
0x9: {  	s19 =	sshrl.u32 s8, $0x3;
	[smem:$0x7F1] =	sst s8;
	s22 =	sor.u32 s8, s20  }
0xa: {  	s1 =	sadd.s32 s3, s1;
	s0 =	sadd.s32 s0, s19;
	[smem:$0x7F4] =	sst s22  }
0xb: {  	s17 =	sshrl.u32 s5, $0x1;
	s23 =	sadd.s32 $0x800, s1;
	[smem:$0x7F0] =	sst s0  }
0xc: {  	s18 =	ssub.s32 s5, s17;
	s24 =	sadd.s32 $0xC00, s1;
	[smem:$0x7F2] =	sst s23  }
0xd: {  	s21 =	sadd.s32 $0x400, s1;
	s1 =	sadd.s32 $0x1000, s1;
	[smem:$0x7F3] =	sst s24  }
0xe: {  	s25 =	smax.u32 s18, $0x1;
	[smem:$0x7F5] =	sst s1  }
0xf: {  	[smem:$0x7F7] =	sst s25  }
0x10: {  	s26 =	sadd.s32 $0x10, s21;
	[smem:$0x7FC] =	sst s21  }
0x11: {  	s28 =	sadd.s32 $0x20, s21;
	[smem:$0x7F8] =	sst s26  }
0x12: {  	s29 =	sadd.s32 $0x30, s21;
	[smem:$0x7F9] =	sst s28  }
0x13: {  	s30 =	sadd.s32 $0x40, s21;
	[smem:$0x7FA] =	sst s29  }
0x14: {  	s0 =	sshrl.u32 s22, $0x3;
	s31 =	sadd.s32 $0x50, s21;
	[smem:$0x7FB] =	sst s30  }
0x15: {  	s0 =	sadd.s32 s6, s0;
	[smem:$0x7FD] =	sst s31  }
0x16: {  	s2 =	simm.s32 $0x0;
	[smem:$0x7F6] =	sst s0  }
.LBB2_1:
0x17: {  	s0 =	sld [smem:$0x7F0]  }
0x18: {  	[smem:$0x7EE] =	sst s2;
	s3 =	simm.s32 $0x800  }
0x19: {  	s4 =	simm.s32 $0x2000;
	s1 =	simm.s32 $0x1000;
	s5 =	simm.s32 $0x3  }
0x1a: {  	[tilespmem:s1], [sflag:$0x3] =	stream.strided.gather [hbm4b:s0+s3], $0x10000, s4, s3, $0x38;
	[tilespmem:$0x19000] =	vst v63  }
0x1b: {  	_ =	swait.ge [sflag:s5], $0x10000  }
0x1c: {  	s17 =	sld [smem:$0x7FC]  }
0x1d: {  	[sflag:s5] =	ssyncset.done $0x0  }
0x1e: {  	s1 =	simm.s32 $0x0;
	s18 =	sld [smem:$0x7F8];
	[sflag:s5] =	ssyncadd.s32 $0xFFFF0000  }
0x1f: {  	[tilespmem:s1], [sflag:$0x3] =	stream.linear.gather [hbm4b:s17+s1], $0x80, $0x38;
	[tilespmem:$0x19000] =	vst v63  }
0x20: {  	s6 =	simm.s32 $0x200;
	s19 =	sld [smem:$0x7F9]  }
0x21: {  	[tilespmem:s6], [sflag:$0x3] =	stream.linear.gather [hbm4b:s18+s1], $0x80, $0x38;
	[tilespmem:$0x19000] =	vst v63  }
0x22: {  	s20 =	simm.s32 $0x400;
	s21 =	sld [smem:$0x7FA]  }
0x23: {  	[tilespmem:s20], [sflag:$0x3] =	stream.linear.gather [hbm4b:s19+s1], $0x80, $0x38;
	[tilespmem:$0x19000] =	vst v63  }
0x24: {  	s22 =	simm.s32 $0x600;
	s23 =	sld [smem:$0x7FB]  }
0x25: {  	[tilespmem:s22], [sflag:$0x3] =	stream.linear.gather [hbm4b:s21+s1], $0x80, $0x38;
	[tilespmem:$0x19000] =	vst v63  }
0x26: {  	s24 =	sld [smem:$0x7FD]  }
0x27: {  	[tilespmem:s3], [sflag:$0x3] =	stream.linear.gather [hbm4b:s23+s1], $0x80, $0x38;
	[tilespmem:$0x19000] =	vst v63  }
0x28: {  	s25 =	simm.s32 $0xA00  }
0x29: {  	[tilespmem:s25], [sflag:$0x3] =	stream.linear.gather [hbm4b:s24+s1], $0x80, $0x38;
	[tilespmem:$0x19000] =	vst v63  }
0x2a: {  	s28 =	simm.s32 $0xC00;
	s26 =	sadd.s32 $0x60, s17  }
0x2b: {  	[tilespmem:s28], [sflag:$0x3] =	stream.linear.gather [hbm4b:s26+s1], $0x80, $0x38;
	[tilespmem:$0x19000] =	vst v63  }
0x2c: {  	s30 =	simm.s32 $0xE00;
	s29 =	sadd.s32 $0x70, s17  }
0x2d: {  	[tilespmem:s30], [sflag:$0x3] =	stream.linear.gather [hbm4b:s29+s1], $0x80, $0x38;
	[tilespmem:$0x19000] =	vst v63  }
0x2e: {  	_ =	swait.ge [sflag:s5], $0x400  }
0x2f: {  	s31 =	sld [smem:$0x7F2]  }
0x30: {  	[sflag:s5] =	ssyncset.done $0x0  }
0x31: {  	s6 =	simm.s32 $0x80;
	[sflag:s5] =	ssyncadd.s32 $0xFFFFFC00  }
0x32: {  	[tilespmem:s6], [sflag:$0x3] =	stream.linear.gather [hbm4b:s31+s1], $0x80, $0x38;
	[tilespmem:$0x19000] =	vst v63  }
0x33: {  	s8 =	simm.s32 $0x280;
	s7 =	sadd.s32 $0x10, s31  }
0x34: {  	[tilespmem:s8], [sflag:$0x3] =	stream.linear.gather [hbm4b:s7+s1], $0x80, $0x38;
	[tilespmem:$0x19000] =	vst v63  }
0x35: {  	s10 =	simm.s32 $0x480;
	s9 =	sadd.s32 $0x20, s31  }
0x36: {  	[tilespmem:s10], [sflag:$0x3] =	stream.linear.gather [hbm4b:s9+s1], $0x80, $0x38;
	[tilespmem:$0x19000] =	vst v63  }
0x37: {  	s12 =	simm.s32 $0x680;
	s11 =	sadd.s32 $0x30, s31  }
0x38: {  	[tilespmem:s12], [sflag:$0x3] =	stream.linear.gather [hbm4b:s11+s1], $0x80, $0x38;
	[tilespmem:$0x19000] =	vst v63  }
0x39: {  	s14 =	simm.s32 $0x880;
	s13 =	sadd.s32 $0x40, s31  }
0x3a: {  	[tilespmem:s14], [sflag:$0x3] =	stream.linear.gather [hbm4b:s13+s1], $0x80, $0x38;
	[tilespmem:$0x19000] =	vst v63  }
0x3b: {  	s16 =	simm.s32 $0xA80;
	s15 =	sadd.s32 $0x50, s31  }
0x3c: {  	[tilespmem:s16], [sflag:$0x3] =	stream.linear.gather [hbm4b:s15+s1], $0x80, $0x38;
	[tilespmem:$0x19000] =	vst v63  }
0x3d: {  	s18 =	simm.s32 $0xC80;
	s17 =	sadd.s32 $0x60, s31  }
0x3e: {  	[tilespmem:s18], [sflag:$0x3] =	stream.linear.gather [hbm4b:s17+s1], $0x80, $0x38;
	[tilespmem:$0x19000] =	vst v63  }
0x3f: {  	s20 =	simm.s32 $0xE80;
	s19 =	sadd.s32 $0x70, s31  }
0x40: {  	[tilespmem:s20], [sflag:$0x3] =	stream.linear.gather [hbm4b:s19+s1], $0x80, $0x38;
	[tilespmem:$0x19000] =	vst v63  }
0x41: {  	_ =	swait.ge [sflag:s5], $0x400  }
0x42: {  	s21 =	sld [smem:$0x7F3]  }
0x43: {  	[sflag:s5] =	ssyncset.done $0x0  }
0x44: {  	s22 =	simm.s32 $0x100;
	[sflag:s5] =	ssyncadd.s32 $0xFFFFFC00  }
0x45: {  	[tilespmem:s22], [sflag:$0x3] =	stream.linear.gather [hbm4b:s21+s1], $0x80, $0x38;
	[tilespmem:$0x19000] =	vst v63  }
0x46: {  	s24 =	simm.s32 $0x300;
	s23 =	sadd.s32 $0x10, s21  }
0x47: {  	[tilespmem:s24], [sflag:$0x3] =	stream.linear.gather [hbm4b:s23+s1], $0x80, $0x38;
	[tilespmem:$0x19000] =	vst v63  }
0x48: {  	s26 =	simm.s32 $0x500;
	s25 =	sadd.s32 $0x20, s21  }
0x49: {  	[tilespmem:s26], [sflag:$0x3] =	stream.linear.gather [hbm4b:s25+s1], $0x80, $0x38;
	[tilespmem:$0x19000] =	vst v63  }
0x4a: {  	s29 =	simm.s32 $0x700;
	s28 =	sadd.s32 $0x30, s21  }
0x4b: {  	[tilespmem:s29], [sflag:$0x3] =	stream.linear.gather [hbm4b:s28+s1], $0x80, $0x38;
	[tilespmem:$0x19000] =	vst v63  }
0x4c: {  	s31 =	simm.s32 $0x900;
	s30 =	sadd.s32 $0x40, s21  }
0x4d: {  	[tilespmem:s31], [sflag:$0x3] =	stream.linear.gather [hbm4b:s30+s1], $0x80, $0x38;
	[tilespmem:$0x19000] =	vst v63  }
0x4e: {  	s8 =	simm.s32 $0xB00;
	s7 =	sadd.s32 $0x50, s21  }
0x4f: {  	[tilespmem:s8], [sflag:$0x3] =	stream.linear.gather [hbm4b:s7+s1], $0x80, $0x38;
	[tilespmem:$0x19000] =	vst v63  }
0x50: {  	s10 =	simm.s32 $0xD00;
	s9 =	sadd.s32 $0x60, s21  }
0x51: {  	[tilespmem:s10], [sflag:$0x3] =	stream.linear.gather [hbm4b:s9+s1], $0x80, $0x38;
	[tilespmem:$0x19000] =	vst v63  }
0x52: {  	s12 =	simm.s32 $0xF00;
	s11 =	sadd.s32 $0x70, s21  }
0x53: {  	[tilespmem:s12], [sflag:$0x3] =	stream.linear.gather [hbm4b:s11+s1], $0x80, $0x38;
	[tilespmem:$0x19000] =	vst v63  }
0x54: {  	_ =	swait.ge [sflag:s5], $0x400  }
0x55: {  	s13 =	sld [smem:$0x7F5]  }
0x56: {  	[sflag:s5] =	ssyncset.done $0x0  }
0x57: {  	s14 =	simm.s32 $0x180;
	[sflag:s5] =	ssyncadd.s32 $0xFFFFFC00  }
0x58: {  	[tilespmem:s14], [sflag:$0x3] =	stream.linear.gather [hbm4b:s13+s1], $0x80, $0x38;
	[tilespmem:$0x19000] =	vst v63  }
0x59: {  	s16 =	simm.s32 $0x380;
	s15 =	sadd.s32 $0x10, s13  }
0x5a: {  	[tilespmem:s16], [sflag:$0x3] =	stream.linear.gather [hbm4b:s15+s1], $0x80, $0x38;
	[tilespmem:$0x19000] =	vst v63  }
0x5b: {  	s18 =	simm.s32 $0x580;
	s17 =	sadd.s32 $0x20, s13  }
0x5c: {  	[tilespmem:s18], [sflag:$0x3] =	stream.linear.gather [hbm4b:s17+s1], $0x80, $0x38;
	[tilespmem:$0x19000] =	vst v63  }
0x5d: {  	s20 =	simm.s32 $0x780;
	s19 =	sadd.s32 $0x30, s13  }
0x5e: {  	[tilespmem:s20], [sflag:$0x3] =	stream.linear.gather [hbm4b:s19+s1], $0x80, $0x38;
	[tilespmem:$0x19000] =	vst v63  }
0x5f: {  	s22 =	simm.s32 $0x980;
	s21 =	sadd.s32 $0x40, s13  }
0x60: {  	[tilespmem:s22], [sflag:$0x3] =	stream.linear.gather [hbm4b:s21+s1], $0x80, $0x38;
	[tilespmem:$0x19000] =	vst v63  }
0x61: {  	s24 =	simm.s32 $0xB80;
	s23 =	sadd.s32 $0x50, s13  }
0x62: {  	[tilespmem:s24], [sflag:$0x3] =	stream.linear.gather [hbm4b:s23+s1], $0x80, $0x38;
	[tilespmem:$0x19000] =	vst v63  }
0x63: {  	s26 =	simm.s32 $0xD80;
	s25 =	sadd.s32 $0x60, s13  }
0x64: {  	[tilespmem:s26], [sflag:$0x3] =	stream.linear.gather [hbm4b:s25+s1], $0x80, $0x38;
	[tilespmem:$0x19000] =	vst v63  }
0x65: {  	s29 =	simm.s32 $0xF80;
	s28 =	sadd.s32 $0x70, s13  }
0x66: {  	[tilespmem:s29], [sflag:$0x3] =	stream.linear.gather [hbm4b:s28+s1], $0x80, $0x38;
	[tilespmem:$0x19000] =	vst v63  }
0x67: {  	_ =	swait.ge [sflag:s5], $0x400  }
0x68: {  	s30 =	sld [smem:$0x7F6]  }
0x69: {  	[sflag:s5] =	ssyncset.done $0x0  }
0x6a: {  	s31 =	simm.s32 $0x11000;
	s19 =	simm.s32 $0x0;
	[sflag:s5] =	ssyncadd.s32 $0xFFFFFC00  }
0x6b: {  	[tilespmem:s31], [sflag:$0x1] =	stream.strided.gather [hbm4b:s30+s3], $0x2000, s4, s3, $0x38;
	[tilespmem:$0x19000] =	vst v63  }
.LBB2_2:
0x6c: {  	s5 =	sand.u32 $0x3, s19  }
0x6d: {  	p1 =	sne.s32 s5, $0x0  }
0x6e: {  	s1 =	simm.s32 @!p1 $0x1  }
0x6f: {  	p0 =	sgt.u32 @!p1 s19, $0x7B;
	_ =	swait.ge @!p1 [sflag:s1], $0x2000  }
0x70: {  	s0 =	sshrl.u32 s19, $0x2;
	p0 =	por p0, p1;
	s4 =	sld [smem:$0x7F4]  }
0x71: {  	s24 =	sshll.u32 s0, $0x5;
	s25 =	sshll.u32 s0, $0x7;
	s2 =	sadd.s32 @!p0 $0x1, s0  }
0x72: {  	[sflag:s1] =	ssyncset.done @!p1 $0x0;
	s3 =	sshll.u32 @!p0 s2, $0xF;
	s2 =	sshll.u32 @!p0 s2, $0xD  }
0x73: {  	[sflag:s1] =	ssyncadd.s32 @!p1 $0xFFFFE000;
	s2 =	sand.u32 @!p0 $0x2000, s2;
	s3 =	sadd.s32 @!p0 s4, s3  }
0x74: {  	s1 =	sor.u32 @!p0 $0x11000, s2;
	s2 =	sshrl.u32 @!p0 s3, $0x3;
	s3 =	rddreg [dreg:$0x2]  }
0x75: {  	s4 =	simm.s32 @!p0 $0x2000;
	s2 =	sadd.s32 @!p0 s3, s2;
	s3 =	simm.s32 @!p0 $0x800  }
0x76: {  	[tilespmem:s1], [sflag:$0x1] =	stream.strided.gather @!p0 [hbm4b:s2+s3], $0x2000, s4, s3, $0x38;
	[tilespmem:$0x19000] =	vst v63  }
0x77: {  	s2 =	sand.u32 $0x60, s24;
	s1 =	sand.u32 $0xE00, s25  }
0x78: {  	s26 =	sshll.u32 s5, $0x7;
	s1 =	sor.u32 s2, s1  }
0x79: {  	s1 =	sor.u32 s26, s1  }
0x7a: {  	v1 =	vld [tilespmem:s1+$0x0];
	_ =	sdelay $0x4  }
0x7b: {  	(v2sf) =	vpush v1, $0x0  }
0x7c: {  	(v2sf) =	vpush v1, $0x1  }
0x7d: {  	(v2sf) =	vpush v1, $0x2  }
0x7e: {  	(v2sf) =	vpush v1, $0x3  }
0x7f: {  	(v2sf) =	vpush v1, $0x4  }
0x80: {  	(v2sf) =	vpush v1, $0x5  }
0x81: {  	(v2sf) =	vpush v1, $0x6  }
0x82: {  	(v2sf) =	vpush v1, $0x7  }
0x83: {  	(v2sf) =	vpush v1, $0x8  }
0x84: {  	(v2sf) =	vpush v1, $0x9  }
0x85: {  	(v2sf) =	vpush v1, $0xA  }
0x86: {  	(v2sf) =	vpush v1, $0xB  }
0x87: {  	(v2sf) =	vpush v1, $0xC  }
0x88: {  	(v2sf) =	vpush v1, $0xD  }
0x89: {  	(v2sf) =	vpush v1, $0xE  }
0x8a: {  	s29 =	spop (v2sf);
	(v2sf) =	vpush v1, $0xF  }
0x8b: {  	s30 =	spop (v2sf)  }
0x8c: {  	s31 =	spop (v2sf)  }
0x8d: {  	s14 =	spop (v2sf)  }
0x8e: {  	s15 =	spop (v2sf)  }
0x8f: {  	s16 =	spop (v2sf)  }
0x90: {  	v0 =	vld [tilespmem:s1+$0x10];
	s7 =	spop (v2sf)  }
0x91: {  	[smem:$0x7D6] =	sst s24;
	s13 =	spop (v2sf)  }
0x92: {  	[smem:$0x7D7] =	sst s5;
	s18 =	sshll.u32 s29, $0x8;
	s9 =	spop (v2sf)  }
0x93: {  	s1 =	sshll.u32 s29, $0x7;
	s17 =	sand.u32 $0xFFFFF800, s18;
	s12 =	spop (v2sf)  }
0x94: {  	s1 =	sand.u32 $0x380, s1;
	s18 =	sshll.u32 s0, $0xD;
	s11 =	spop (v2sf)  }
0x95: {  	(v2sf) =	vpush v0, $0x0;
	s21 =	sshll.u32 s30, $0x8;
	s2 =	sshll.u32 s30, $0x7;
	s10 =	spop (v2sf)  }
0x96: {  	(v2sf) =	vpush v0, $0x1;
	s17 =	sor.u32 s1, s17;
	s20 =	sand.u32 $0x2000, s18;
	s8 =	spop (v2sf)  }
0x97: {  	(v2sf) =	vpush v0, $0x2;
	s22 =	sand.u32 $0xFFFFF800, s21;
	s2 =	sand.u32 $0x380, s2;
	s6 =	spop (v2sf)  }
0x98: {  	s23 =	sshll.u32 s31, $0x8;
	s4 =	sshll.u32 s31, $0x7;
	(v2sf) =	vpush v0, $0x3;
	s5 =	spop (v2sf)  }
0x99: {  	s17 =	sadd.s32 $0x1000, s17;
	s2 =	sor.u32 s2, s22;
	s3 =	spop (v2sf);
	(v2sf) =	vpush v0, $0x4  }
0x9a: {  	s4 =	sand.u32 $0x380, s4;
	s25 =	sshll.u32 s14, $0x8;
	s14 =	sshll.u32 s14, $0x7  }
0x9b: {  	[dreg:$0x5] =	wrdreg s17;
	s17 =	sor.u32 $0x11000, s20;
	s24 =	sadd.s32 $0x1000, s2  }
0x9c: {  	s26 =	sand.u32 $0xFFFFF800, s25;
	s14 =	sand.u32 $0x380, s14;
	s29 =	sshll.u32 s15, $0x8  }
0x9d: {  	s15 =	sshll.u32 s15, $0x7;
	[dreg:$0x6] =	wrdreg s17;
	s17 =	sand.u32 $0xFFFFF800, s23  }
0x9e: {  	[dreg:$0x7] =	wrdreg s24;
	s15 =	sand.u32 $0x380, s15;
	s31 =	sshll.u32 s16, $0x8  }
0x9f: {  	s16 =	sshll.u32 s16, $0x7;
	s4 =	sor.u32 s4, s17;
	s17 =	sand.u32 $0xFFFFF800, s31  }
0xa0: {  	s18 =	sand.u32 $0x380, s16;
	s20 =	sshll.u32 s7, $0x8;
	s7 =	sshll.u32 s7, $0x7  }
0xa1: {  	s4 =	sadd.s32 $0x1000, s4;
	s21 =	sand.u32 $0x380, s7;
	s23 =	sshll.u32 s13, $0x8  }
0xa2: {  	s13 =	sshll.u32 s13, $0x7;
	[dreg:$0x8] =	wrdreg s4;
	s4 =	sor.u32 s14, s26  }
0xa3: {  	s14 =	sand.u32 $0xFFFFF800, s29;
	s24 =	sand.u32 $0xFFFFF800, s23;
	s13 =	sand.u32 $0x380, s13  }
0xa4: {  	s25 =	sshll.u32 s9, $0x8;
	s9 =	sshll.u32 s9, $0x7;
	s1 =	spop (v2sf);
	(v2sf) =	vpush v0, $0x5  }
0xa5: {  	s30 =	sadd.s32 $0x1000, s4;
	s14 =	sor.u32 s15, s14;
	s0 =	spop (v2sf)  }
0xa6: {  	s15 =	sand.u32 $0xFFFFF800, s20;
	s13 =	sor.u32 s13, s24;
	s2 =	spop (v2sf)  }
0xa7: {  	s26 =	sand.u32 $0x380, s9;
	[dreg:$0x9] =	wrdreg s30;
	(v2sf) =	vpush v0, $0x6;
	s4 =	spop (v2sf)  }
0xa8: {  	s14 =	sadd.s32 $0x1000, s14;
	s22 =	sor.u32 s21, s15;
	s7 =	spop (v2sf);
	(v2sf) =	vpush v0, $0x7  }
0xa9: {  	s13 =	sadd.s32 $0x1000, s13;
	s30 =	sshll.u32 s12, $0x8;
	[dreg:$0xa] =	wrdreg s14  }
0xaa: {  	s12 =	sshll.u32 s12, $0x7;
	s14 =	sor.u32 s18, s17;
	[dreg:$0xd] =	wrdreg s13  }
0xab: {  	s31 =	sand.u32 $0xFFFFF800, s30;
	s12 =	sand.u32 $0x380, s12;
	s17 =	sshll.u32 s10, $0x8  }
0xac: {  	s10 =	sshll.u32 s10, $0x7;
	s14 =	sadd.s32 $0x1000, s14;
	s12 =	sor.u32 s12, s31  }
0xad: {  	s18 =	sand.u32 $0xFFFFF800, s17;
	s10 =	sand.u32 $0x380, s10;
	s20 =	sshll.u32 s8, $0x8  }
0xae: {  	s8 =	sshll.u32 s8, $0x7;
	[dreg:$0xb] =	wrdreg s14;
	s14 =	sadd.s32 $0x1000, s22  }
0xaf: {  	s12 =	sadd.s32 $0x1000, s12;
	s10 =	sor.u32 s10, s18;
	s21 =	sand.u32 $0x380, s8  }
0xb0: {  	s23 =	sshll.u32 s6, $0x8;
	s6 =	sshll.u32 s6, $0x7;
	[dreg:$0xc] =	wrdreg s14  }
0xb1: {  	s14 =	sand.u32 $0xFFFFF800, s25;
	[dreg:$0xf] =	wrdreg s12;
	s10 =	sadd.s32 $0x1000, s10  }
0xb2: {  	s24 =	sand.u32 $0xFFFFF800, s23;
	s6 =	sand.u32 $0x380, s6;
	s25 =	sshll.u32 s5, $0x8  }
0xb3: {  	s5 =	sshll.u32 s5, $0x7;
	s29 =	sor.u32 s26, s14;
	s9 =	spop (v2sf);
	(v2sf) =	vpush v0, $0x8  }
0xb4: {  	s14 =	sshll.u32 s11, $0x8;
	s11 =	sshll.u32 s11, $0x7;
	[dreg:$0x11] =	wrdreg s10  }
0xb5: {  	s6 =	sor.u32 s6, s24;
	s26 =	sand.u32 $0x380, s5;
	s30 =	sshll.u32 s3, $0x8  }
0xb6: {  	s3 =	sshll.u32 s3, $0x7;
	s15 =	sand.u32 $0x380, s11;
	s11 =	spop (v2sf);
	(v2sf) =	vpush v0, $0x9  }
0xb7: {  	s13 =	sadd.s32 $0x1000, s29;
	s6 =	sadd.s32 $0x1000, s6;
	s8 =	spop (v2sf);
	(v2sf) =	vpush v0, $0xA  }
0xb8: {  	s31 =	sand.u32 $0xFFFFF800, s30;
	s3 =	sand.u32 $0x380, s3;
	[dreg:$0xe] =	wrdreg s13  }
0xb9: {  	s13 =	sand.u32 $0xFFFFF800, s14;
	[dreg:$0x13] =	wrdreg s6;
	s3 =	sor.u32 s3, s31  }
0xba: {  	s14 =	sshll.u32 s0, $0x8;
	s0 =	sshll.u32 s0, $0x7;
	s16 =	sor.u32 s15, s13  }
0xbb: {  	s3 =	sadd.s32 $0x1000, s3;
	s15 =	sand.u32 $0xFFFFF800, s14;
	s12 =	sadd.s32 $0x1000, s16  }
0xbc: {  	s0 =	sand.u32 $0x380, s0;
	[dreg:$0x10] =	wrdreg s12;
	s12 =	sand.u32 $0xFFFFF800, s20  }
0xbd: {  	[dreg:$0x15] =	wrdreg s3;
	s0 =	sor.u32 s0, s15;
	s22 =	sor.u32 s21, s12  }
0xbe: {  	s16 =	sshll.u32 s2, $0x8;
	s2 =	sshll.u32 s2, $0x7;
	s10 =	sadd.s32 $0x1000, s22  }
0xbf: {  	s18 =	sshll.u32 s4, $0x8;
	[dreg:$0x12] =	wrdreg s10;
	s10 =	sand.u32 $0xFFFFF800, s25  }
0xc0: {  	s29 =	sor.u32 s26, s10;
	s10 =	sshll.u32 s1, $0x8;
	s1 =	sshll.u32 s1, $0x7  }
0xc1: {  	s0 =	sadd.s32 $0x1000, s0;
	s6 =	sadd.s32 $0x1000, s29;
	s12 =	sand.u32 $0x380, s1  }
0xc2: {  	[dreg:$0x14] =	wrdreg s6;
	s6 =	sand.u32 $0xFFFFF800, s10;
	s5 =	spop (v2sf);
	(v2sf) =	vpush v0, $0xB  }
0xc3: {  	s2 =	sand.u32 $0x380, s2;
	s20 =	sshll.u32 s4, $0x7;
	s13 =	sor.u32 s12, s6  }
0xc4: {  	[dreg:$0x17] =	wrdreg s0;
	s21 =	sand.u32 $0xFFFFF800, s18;
	s3 =	sadd.s32 $0x1000, s13  }
0xc5: {  	[dreg:$0x16] =	wrdreg s3;
	s3 =	sand.u32 $0xFFFFF800, s16;
	s1 =	spop (v2sf);
	(v2sf) =	vpush v0, $0xC  }
0xc6: {  	s22 =	sand.u32 $0x380, s20;
	s17 =	sor.u32 s2, s3;
	s6 =	spop (v2sf);
	(v2sf) =	vpush v0, $0xD  }
0xc7: {  	s23 =	sshll.u32 s7, $0x8;
	s24 =	sshll.u32 s7, $0x7;
	s0 =	sadd.s32 $0x1000, s17  }
0xc8: {  	s2 =	sand.u32 $0xFFFFF800, s23;
	s3 =	sand.u32 $0x380, s24;
	s26 =	sshll.u32 s9, $0x8  }
0xc9: {  	s29 =	sshll.u32 s9, $0x7;
	[dreg:$0x18] =	wrdreg s0;
	s0 =	sor.u32 s22, s21  }
0xca: {  	s25 =	sor.u32 s3, s2;
	s30 =	sand.u32 $0xFFFFF800, s26;
	s31 =	sand.u32 $0x380, s29  }
0xcb: {  	s3 =	sshll.u32 s11, $0x8;
	s7 =	sshll.u32 s11, $0x7;
	s0 =	sadd.s32 $0x1000, s0  }
0xcc: {  	s2 =	sand.u32 $0xFFFFF800, s3;
	[dreg:$0x19] =	wrdreg s0;
	s0 =	sadd.s32 $0x1000, s25  }
0xcd: {  	s3 =	sand.u32 $0x380, s7;
	[dreg:$0x1a] =	wrdreg s0;
	s0 =	sor.u32 s31, s30  }
0xce: {  	s10 =	sor.u32 s3, s2;
	s0 =	sadd.s32 $0x1000, s0  }
0xcf: {  	[dreg:$0x1b] =	wrdreg s0;
	s0 =	sadd.s32 $0x1000, s10;
	s11 =	sshll.u32 s8, $0x8  }
0xd0: {  	[dreg:$0x1c] =	wrdreg s0;
	s12 =	sshll.u32 s8, $0x7;
	s13 =	sand.u32 $0xFFFFF800, s11  }
0xd1: {  	s14 =	sand.u32 $0x380, s12;
	s15 =	sshll.u32 s5, $0x8;
	s4 =	spop (v2sf);
	(v2sf) =	vpush v0, $0xE  }
0xd2: {  	s16 =	sshll.u32 s5, $0x7;
	s0 =	sor.u32 s14, s13;
	s2 =	sand.u32 $0xFFFFF800, s15  }
0xd3: {  	s3 =	sand.u32 $0x380, s16;
	s20 =	sshll.u32 s1, $0x8;
	s1 =	sshll.u32 s1, $0x7  }
0xd4: {  	s0 =	sadd.s32 $0x1000, s0;
	s18 =	sor.u32 s3, s2;
	s9 =	spop (v2sf)  }
0xd5: {  	s21 =	sand.u32 $0xFFFFF800, s20;
	s20 =	rddreg [dreg:$0x6];
	s17 =	spop (v2sf);
	(v2sf) =	vpush v0, $0xF  }
0xd6: {  	s1 =	sand.u32 $0x380, s1;
	[dreg:$0x1d] =	wrdreg s0;
	s0 =	sadd.s32 $0x1000, s18  }
0xd7: {  	[dreg:$0x1e] =	wrdreg s0;
	s0 =	sor.u32 s1, s21  }
0xd8: {  	s0 =	sadd.s32 $0x1000, s0;
	s22 =	sshll.u32 s6, $0x8;
	s23 =	sshll.u32 s6, $0x7  }
0xd9: {  	[dreg:$0x1f] =	wrdreg s0;
	s1 =	sand.u32 $0xFFFFF800, s22;
	s2 =	sand.u32 $0x380, s23  }
0xda: {  	s26 =	sshll.u32 s4, $0x8;
	s29 =	sshll.u32 s4, $0x7;
	s25 =	sor.u32 s2, s1  }
0xdb: {  	s30 =	sand.u32 $0xFFFFF800, s26;
	s31 =	sand.u32 $0x380, s29;
	s2 =	sshll.u32 s9, $0x8  }
0xdc: {  	s4 =	sshll.u32 s9, $0x7;
	s0 =	sadd.s32 $0x1000, s25;
	s1 =	sand.u32 $0xFFFFF800, s2  }
0xdd: {  	s2 =	sand.u32 $0x380, s4;
	[smem:$0x7EA] =	sst s0;
	s0 =	sor.u32 s31, s30  }
0xde: {  	s18 =	simm.s32 $0x0;
	s6 =	sor.u32 s2, s1;
	s0 =	sadd.s32 $0x1000, s0  }
0xdf: {  	s23 =	sand.u32 $0x40, s18;
	[smem:$0x7EB] =	sst s0;
	s0 =	sadd.s32 $0x1000, s6  }
0xe0: {  	s22 =	sand.u32 $0x400, s18;
	[smem:$0x7EC] =	sst s0;
	s24 =	spop (v2sf)  }
0xe1: {  	s7 =	sshll.u32 s17, $0x8;
	s8 =	sshll.u32 s17, $0x7;
	s17 =	rddreg [dreg:$0x5]  }
0xe2: {  	s1 =	sand.u32 $0xFFFFF800, s7;
	s2 =	sand.u32 $0x380, s8;
	s9 =	sshll.u32 s24, $0x8  }
0xe3: {  	s3 =	sshll.u32 s24, $0x7;
	s21 =	sadd.s32 s22, s17;
	s1 =	sor.u32 s2, s1  }
0xe4: {  	s10 =	sand.u32 $0xFFFFF800, s9;
	s3 =	sand.u32 $0x380, s3;
	s13 =	spop (v2sf)  }
0xe5: {  	s11 =	sadd.s32 $0x1000, s1;
	s15 =	sshll.u32 s13, $0x8;
	s16 =	sshll.u32 s13, $0x7  }
0xe6: {  	s12 =	sor.u32 s3, s10;
	s0 =	sand.u32 $0xFFFFF800, s15;
	s1 =	sand.u32 $0x380, s16  }
0xe7: {  	[smem:$0x7DF] =	sst s11;
	s14 =	sadd.s32 $0x1000, s12;
	s0 =	sor.u32 s1, s0  }
0xe8: {  	s8 =	sor.u32 $0x30, s23;
	[smem:$0x7E0] =	sst s14;
	s0 =	sadd.s32 $0x1000, s0  }
0xe9: {  	s25 =	sadd.s32 s8, s21;
	s3 =	sadd.s32 s22, s20;
	[smem:$0x7E2] =	sst s0  }
0xea: {  	s9 =	sadd.s32 s8, s3;
	v0 =	vld [tilespmem:s25+$0x0]  }
0xeb: {  	v1 =	vld [tilespmem:s9+$0x0];
	_ =	sdelay $0x1  }
0xec: {  	s26 =	sshll.u32 s19, $0xD;
	s2 =	sadd.s32 s23, s21;
	[smem:$0x7D8] =	sst s19  }
0xed: {  	s4 =	sadd.s32 s23, s3;
	s0 =	sand.u32 $0x2000, s26;
	v2 =	vld [tilespmem:s2+$0x0]  }
0xee: {  	s24 =	sor.u32 $0x15000, s0;
	v3 =	vld [tilespmem:s4+$0x0]  }
0xef: {  	s29 =	rddreg [dreg:$0x7];
	s26 =	sor.u32 $0x10, s23;
	s2 =	sadd.s32 s22, s24;
	v0 =	vadd.f32 v1, v0  }
0xf0: {  	s31 =	sadd.s32 s22, s29;
	s0 =	sadd.s32 s26, s3;
	s10 =	sadd.s32 s8, s2  }
0xf1: {  	s5 =	sadd.s32 s8, s31;
	v4 =	vld [tilespmem:s0+$0x0];
	[tilespmem:s10+$0x0] =	vst v0  }
0xf2: {  	s25 =	sor.u32 $0x20, s23;
	v0 =	vld [tilespmem:s5+$0x0]  }
0xf3: {  	s1 =	sadd.s32 s25, s21;
	v2 =	vadd.f32 v3, v2;
	v3 =	vld [tilespmem:s9+$0x80]  }
0xf4: {  	s30 =	sadd.s32 s26, s21;
	v5 =	vld [tilespmem:s1+$0x0]  }
0xf5: {  	s7 =	sadd.s32 s25, s3;
	v1 =	vld [tilespmem:s30+$0x0];
	s5 =	sadd.s32 s23, s2  }
0xf6: {  	s12 =	sadd.s32 s23, s31;
	[tilespmem:s5+$0x0] =	vst v2;
	v2 =	vld [tilespmem:s7+$0x0]  }
0xf7: {  	v6 =	vld [tilespmem:s12+$0x0]  }
0xf8: {  	s13 =	rddreg [dreg:$0x8];
	v7 =	vld [tilespmem:s4+$0x80];
	v0 =	vadd.f32 v3, v0  }
0xf9: {  	s14 =	sadd.s32 s22, s13  }
0xfa: {  	v1 =	vadd.f32 v4, v1;
	s1 =	sadd.s32 s8, s14;
	[tilespmem:s10+$0x80] =	vst v0  }
0xfb: {  	s6 =	sadd.s32 s26, s2;
	v0 =	vadd.f32 v2, v5;
	v2 =	vld [tilespmem:s1+$0x0]  }
0xfc: {  	s15 =	sadd.s32 s26, s31;
	[tilespmem:s6+$0x0] =	vst v1;
	v3 =	vld [tilespmem:s9+$0x100]  }
0xfd: {  	v4 =	vld [tilespmem:s15+$0x0];
	v1 =	vadd.f32 v7, v6;
	s1 =	sadd.s32 s25, s2  }
0xfe: {  	s11 =	sadd.s32 s25, s31;
	[tilespmem:s1+$0x0] =	vst v0;
	v0 =	vld [tilespmem:s0+$0x80]  }
0xff: {  	[tilespmem:s5+$0x80] =	vst v1;
	v1 =	vld [tilespmem:s11+$0x0]  }
0x100: {  	v5 =	vld [tilespmem:s7+$0x80]  }
0x101: {  	s17 =	sadd.s32 s23, s14;
	s16 =	rddreg [dreg:$0x9];
	v2 =	vadd.f32 v3, v2  }
0x102: {  	s11 =	sadd.s32 s22, s16;
	v3 =	vld [tilespmem:s17+$0x0]  }
0x103: {  	s18 =	sadd.s32 s8, s11;
	v0 =	vadd.f32 v0, v4;
	v4 =	vld [tilespmem:s4+$0x100];
	[tilespmem:s10+$0x100] =	vst v2  }
0x104: {  	v2 =	vld [tilespmem:s18+$0x0]  }
0x105: {  	s19 =	sadd.s32 s26, s14;
	[tilespmem:s6+$0x80] =	vst v0;
	v0 =	vadd.f32 v5, v1;
	v1 =	vld [tilespmem:s9+$0x180]  }
0x106: {  	v5 =	vld [tilespmem:s19+$0x0]  }
0x107: {  	s12 =	sadd.s32 s25, s14;
	[tilespmem:s1+$0x80] =	vst v0;
	v0 =	vld [tilespmem:s0+$0x100]  }
0x108: {  	v3 =	vadd.f32 v4, v3;
	v4 =	vld [tilespmem:s12+$0x0]  }
0x109: {  	v6 =	vld [tilespmem:s7+$0x100]  }
0x10a: {  	s21 =	sadd.s32 s23, s11;
	s20 =	rddreg [dreg:$0xa];
	[tilespmem:s5+$0x100] =	vst v3;
	v1 =	vadd.f32 v1, v2  }
0x10b: {  	s12 =	sadd.s32 s22, s20;
	v2 =	vld [tilespmem:s21+$0x0]  }
0x10c: {  	s29 =	sadd.s32 s8, s12;
	v3 =	vld [tilespmem:s4+$0x180];
	v0 =	vadd.f32 v0, v5;
	[tilespmem:s10+$0x180] =	vst v1  }
0x10d: {  	v1 =	vld [tilespmem:s29+$0x0]  }
0x10e: {  	s30 =	sadd.s32 s26, s11;
	[tilespmem:s6+$0x100] =	vst v0;
	v0 =	vadd.f32 v6, v4;
	v4 =	vld [tilespmem:s9+$0x200]  }
0x10f: {  	v5 =	vld [tilespmem:s30+$0x0]  }
0x110: {  	s11 =	sadd.s32 s25, s11;
	[tilespmem:s1+$0x100] =	vst v0;
	v0 =	vld [tilespmem:s0+$0x180]  }
0x111: {  	v2 =	vadd.f32 v3, v2;
	v3 =	vld [tilespmem:s11+$0x0]  }
0x112: {  	v6 =	vld [tilespmem:s7+$0x180]  }
0x113: {  	s14 =	sadd.s32 s23, s12;
	s31 =	rddreg [dreg:$0xb];
	[tilespmem:s5+$0x180] =	vst v2;
	v1 =	vadd.f32 v4, v1  }
0x114: {  	s15 =	sadd.s32 s22, s31;
	v2 =	vld [tilespmem:s14+$0x0]  }
0x115: {  	v4 =	vld [tilespmem:s4+$0x200];
	s13 =	sadd.s32 s8, s15;
	v0 =	vadd.f32 v0, v5;
	[tilespmem:s10+$0x200] =	vst v1  }
0x116: {  	v1 =	vld [tilespmem:s13+$0x0]  }
0x117: {  	s16 =	sadd.s32 s26, s12;
	[tilespmem:s6+$0x180] =	vst v0;
	v0 =	vadd.f32 v6, v3;
	v3 =	vld [tilespmem:s9+$0x280]  }
0x118: {  	v5 =	vld [tilespmem:s16+$0x0]  }
0x119: {  	s12 =	sadd.s32 s25, s12;
	v6 =	vld [tilespmem:s0+$0x200];
	[tilespmem:s1+$0x180] =	vst v0  }
0x11a: {  	v0 =	vadd.f32 v4, v2;
	v2 =	vld [tilespmem:s12+$0x0]  }
0x11b: {  	v4 =	vld [tilespmem:s7+$0x200]  }
0x11c: {  	s18 =	sadd.s32 s23, s15;
	s17 =	rddreg [dreg:$0xc];
	[tilespmem:s5+$0x200] =	vst v0;
	v0 =	vadd.f32 v3, v1  }
0x11d: {  	s19 =	sadd.s32 s22, s17;
	v1 =	vld [tilespmem:s18+$0x0]  }
0x11e: {  	v3 =	vld [tilespmem:s4+$0x280];
	s13 =	sadd.s32 s8, s19;
	v5 =	vadd.f32 v6, v5;
	[tilespmem:s10+$0x280] =	vst v0  }
0x11f: {  	v0 =	vld [tilespmem:s13+$0x0]  }
0x120: {  	s20 =	sadd.s32 s26, s15;
	[tilespmem:s6+$0x200] =	vst v5;
	v2 =	vadd.f32 v4, v2;
	v4 =	vld [tilespmem:s9+$0x300]  }
0x121: {  	v5 =	vld [tilespmem:s20+$0x0]  }
0x122: {  	s11 =	sadd.s32 s25, s15;
	v6 =	vld [tilespmem:s0+$0x280];
	[tilespmem:s1+$0x200] =	vst v2  }
0x123: {  	v1 =	vadd.f32 v3, v1;
	v2 =	vld [tilespmem:s11+$0x0]  }
0x124: {  	v3 =	vld [tilespmem:s7+$0x280]  }
0x125: {  	s29 =	sadd.s32 s23, s19;
	s21 =	rddreg [dreg:$0xd];
	[tilespmem:s5+$0x280] =	vst v1;
	v0 =	vadd.f32 v4, v0  }
0x126: {  	s30 =	sadd.s32 s22, s21;
	v1 =	vld [tilespmem:s29+$0x0]  }
0x127: {  	v4 =	vld [tilespmem:s4+$0x300];
	s13 =	sadd.s32 s8, s30;
	v5 =	vadd.f32 v6, v5;
	[tilespmem:s10+$0x300] =	vst v0  }
0x128: {  	v0 =	vld [tilespmem:s13+$0x0]  }
0x129: {  	s31 =	sadd.s32 s26, s19;
	[tilespmem:s6+$0x280] =	vst v5;
	v2 =	vadd.f32 v3, v2;
	v3 =	vld [tilespmem:s9+$0x380]  }
0x12a: {  	v5 =	vld [tilespmem:s31+$0x0]  }
0x12b: {  	s13 =	sadd.s32 s25, s19;
	v6 =	vld [tilespmem:s0+$0x300];
	[tilespmem:s1+$0x280] =	vst v2  }
0x12c: {  	v1 =	vadd.f32 v4, v1;
	v2 =	vld [tilespmem:s13+$0x0]  }
0x12d: {  	v4 =	vld [tilespmem:s7+$0x300]  }
0x12e: {  	s15 =	sadd.s32 s23, s30;
	s14 =	rddreg [dreg:$0xe];
	[tilespmem:s5+$0x300] =	vst v1;
	v0 =	vadd.f32 v3, v0  }
0x12f: {  	s16 =	sadd.s32 s22, s14;
	v1 =	vld [tilespmem:s15+$0x0]  }
0x130: {  	s17 =	sadd.s32 $0x800, s3;
	v3 =	vld [tilespmem:s4+$0x380];
	s18 =	sadd.s32 s8, s16;
	v5 =	vadd.f32 v6, v5;
	[tilespmem:s10+$0x380] =	vst v0  }
0x131: {  	s4 =	sadd.s32 s8, s17;
	v0 =	vld [tilespmem:s18+$0x0]  }
0x132: {  	s19 =	sadd.s32 s26, s30;
	[tilespmem:s6+$0x300] =	vst v5;
	v2 =	vadd.f32 v4, v2;
	v4 =	vld [tilespmem:s4+$0x0]  }
0x133: {  	v5 =	vld [tilespmem:s19+$0x0]  }
0x134: {  	s20 =	sadd.s32 s25, s30;
	v6 =	vld [tilespmem:s0+$0x380];
	[tilespmem:s1+$0x300] =	vst v2  }
0x135: {  	v1 =	vadd.f32 v3, v1;
	v2 =	vld [tilespmem:s20+$0x0]  }
0x136: {  	v3 =	vld [tilespmem:s7+$0x380]  }
0x137: {  	s30 =	sadd.s32 $0x800, s2;
	s29 =	sadd.s32 s23, s16;
	s21 =	rddreg [dreg:$0xf];
	[tilespmem:s5+$0x380] =	vst v1;
	v0 =	vadd.f32 v4, v0  }
0x138: {  	s7 =	sadd.s32 s8, s30;
	s5 =	sadd.s32 s23, s17;
	s31 =	sadd.s32 s22, s21;
	v1 =	vld [tilespmem:s29+$0x0]  }
0x139: {  	v4 =	vld [tilespmem:s5+$0x0];
	s0 =	sadd.s32 s8, s31;
	v5 =	vadd.f32 v6, v5;
	[tilespmem:s7+$0x0] =	vst v0  }
0x13a: {  	v0 =	vld [tilespmem:s0+$0x0]  }
0x13b: {  	s15 =	sadd.s32 s26, s16;
	[tilespmem:s6+$0x380] =	vst v5;
	v2 =	vadd.f32 v3, v2;
	v3 =	vld [tilespmem:s4+$0x80]  }
0x13c: {  	s6 =	sadd.s32 s26, s17;
	v5 =	vld [tilespmem:s15+$0x0]  }
0x13d: {  	s16 =	sadd.s32 s25, s16;
	v6 =	vld [tilespmem:s6+$0x0];
	[tilespmem:s1+$0x380] =	vst v2  }
0x13e: {  	s1 =	sadd.s32 s25, s17;
	v1 =	vadd.f32 v4, v1;
	v2 =	vld [tilespmem:s16+$0x0]  }
0x13f: {  	s10 =	sadd.s32 s23, s30;
	v4 =	vld [tilespmem:s1+$0x0]  }
0x140: {  	s18 =	sadd.s32 s23, s31;
	s17 =	rddreg [dreg:$0x10];
	[tilespmem:s10+$0x0] =	vst v1;
	v0 =	vadd.f32 v3, v0  }
0x141: {  	s19 =	sadd.s32 s22, s17;
	v1 =	vld [tilespmem:s18+$0x0]  }
0x142: {  	v3 =	vld [tilespmem:s5+$0x80];
	s20 =	sadd.s32 s8, s19;
	v5 =	vadd.f32 v6, v5;
	[tilespmem:s7+$0x80] =	vst v0  }
0x143: {  	s9 =	sadd.s32 s26, s30;
	v0 =	vld [tilespmem:s20+$0x0]  }
0x144: {  	s21 =	sadd.s32 s26, s31;
	[tilespmem:s9+$0x0] =	vst v5;
	v2 =	vadd.f32 v4, v2;
	v4 =	vld [tilespmem:s4+$0x100]  }
0x145: {  	s0 =	sadd.s32 s25, s30;
	v5 =	vld [tilespmem:s21+$0x0]  }
0x146: {  	s29 =	sadd.s32 s25, s31;
	v6 =	vld [tilespmem:s6+$0x80];
	[tilespmem:s0+$0x0] =	vst v2  }
0x147: {  	v1 =	vadd.f32 v3, v1;
	v2 =	vld [tilespmem:s29+$0x0]  }
0x148: {  	v3 =	vld [tilespmem:s1+$0x80]  }
0x149: {  	s31 =	sadd.s32 s23, s19;
	s30 =	rddreg [dreg:$0x11];
	[tilespmem:s10+$0x80] =	vst v1;
	v0 =	vadd.f32 v4, v0  }
0x14a: {  	s14 =	sadd.s32 s22, s30;
	v1 =	vld [tilespmem:s31+$0x0]  }
0x14b: {  	v4 =	vld [tilespmem:s5+$0x100];
	s13 =	sadd.s32 s8, s14;
	v5 =	vadd.f32 v6, v5;
	[tilespmem:s7+$0x100] =	vst v0  }
0x14c: {  	v0 =	vld [tilespmem:s13+$0x0]  }
0x14d: {  	s15 =	sadd.s32 s26, s19;
	[tilespmem:s9+$0x80] =	vst v5;
	v2 =	vadd.f32 v3, v2;
	v3 =	vld [tilespmem:s4+$0x180]  }
0x14e: {  	v5 =	vld [tilespmem:s15+$0x0]  }
0x14f: {  	s12 =	sadd.s32 s25, s19;
	v6 =	vld [tilespmem:s6+$0x100];
	[tilespmem:s0+$0x80] =	vst v2  }
0x150: {  	v1 =	vadd.f32 v4, v1;
	v2 =	vld [tilespmem:s12+$0x0]  }
0x151: {  	v4 =	vld [tilespmem:s1+$0x100]  }
0x152: {  	s17 =	sadd.s32 s23, s14;
	s16 =	rddreg [dreg:$0x12];
	[tilespmem:s10+$0x100] =	vst v1;
	v0 =	vadd.f32 v3, v0  }
0x153: {  	s18 =	sadd.s32 s22, s16;
	v1 =	vld [tilespmem:s17+$0x0]  }
0x154: {  	v3 =	vld [tilespmem:s5+$0x180];
	s13 =	sadd.s32 s8, s18;
	v5 =	vadd.f32 v6, v5;
	[tilespmem:s7+$0x180] =	vst v0  }
0x155: {  	v0 =	vld [tilespmem:s13+$0x0]  }
0x156: {  	s19 =	sadd.s32 s26, s14;
	[tilespmem:s9+$0x100] =	vst v5;
	v2 =	vadd.f32 v4, v2;
	v4 =	vld [tilespmem:s4+$0x200]  }
0x157: {  	v5 =	vld [tilespmem:s19+$0x0]  }
0x158: {  	s11 =	sadd.s32 s25, s14;
	v6 =	vld [tilespmem:s6+$0x180];
	[tilespmem:s0+$0x100] =	vst v2  }
0x159: {  	v1 =	vadd.f32 v3, v1;
	v2 =	vld [tilespmem:s11+$0x0]  }
0x15a: {  	v3 =	vld [tilespmem:s1+$0x180]  }
0x15b: {  	s21 =	sadd.s32 s23, s18;
	s20 =	rddreg [dreg:$0x13];
	[tilespmem:s10+$0x180] =	vst v1;
	v0 =	vadd.f32 v4, v0  }
0x15c: {  	s29 =	sadd.s32 s22, s20;
	v1 =	vld [tilespmem:s21+$0x0]  }
0x15d: {  	v4 =	vld [tilespmem:s5+$0x200];
	s13 =	sadd.s32 s8, s29;
	v5 =	vadd.f32 v6, v5;
	[tilespmem:s7+$0x200] =	vst v0  }
0x15e: {  	v0 =	vld [tilespmem:s13+$0x0]  }
0x15f: {  	s30 =	sadd.s32 s26, s18;
	[tilespmem:s9+$0x180] =	vst v5;
	v2 =	vadd.f32 v3, v2;
	v3 =	vld [tilespmem:s4+$0x280]  }
0x160: {  	v5 =	vld [tilespmem:s30+$0x0]  }
0x161: {  	s12 =	sadd.s32 s25, s18;
	v6 =	vld [tilespmem:s6+$0x200];
	[tilespmem:s0+$0x180] =	vst v2  }
0x162: {  	v1 =	vadd.f32 v4, v1;
	v2 =	vld [tilespmem:s12+$0x0]  }
0x163: {  	v4 =	vld [tilespmem:s1+$0x200]  }
0x164: {  	s14 =	sadd.s32 s23, s29;
	s31 =	rddreg [dreg:$0x14];
	[tilespmem:s10+$0x200] =	vst v1;
	v0 =	vadd.f32 v3, v0  }
0x165: {  	s15 =	sadd.s32 s22, s31;
	v1 =	vld [tilespmem:s14+$0x0]  }
0x166: {  	v3 =	vld [tilespmem:s5+$0x280];
	s13 =	sadd.s32 s8, s15;
	v5 =	vadd.f32 v6, v5;
	[tilespmem:s7+$0x280] =	vst v0  }
0x167: {  	v0 =	vld [tilespmem:s13+$0x0]  }
0x168: {  	s16 =	sadd.s32 s26, s29;
	[tilespmem:s9+$0x200] =	vst v5;
	v2 =	vadd.f32 v4, v2;
	v4 =	vld [tilespmem:s4+$0x300]  }
0x169: {  	v5 =	vld [tilespmem:s16+$0x0]  }
0x16a: {  	s11 =	sadd.s32 s25, s29;
	v6 =	vld [tilespmem:s6+$0x280];
	[tilespmem:s0+$0x200] =	vst v2  }
0x16b: {  	v1 =	vadd.f32 v3, v1;
	v2 =	vld [tilespmem:s11+$0x0]  }
0x16c: {  	v3 =	vld [tilespmem:s1+$0x280]  }
0x16d: {  	s18 =	sadd.s32 s23, s15;
	s17 =	rddreg [dreg:$0x15];
	[tilespmem:s10+$0x280] =	vst v1;
	v0 =	vadd.f32 v4, v0  }
0x16e: {  	s19 =	sadd.s32 s22, s17;
	v1 =	vld [tilespmem:s18+$0x0]  }
0x16f: {  	v4 =	vld [tilespmem:s5+$0x300];
	s13 =	sadd.s32 s8, s19;
	v5 =	vadd.f32 v6, v5;
	[tilespmem:s7+$0x300] =	vst v0  }
0x170: {  	v0 =	vld [tilespmem:s13+$0x0]  }
0x171: {  	s20 =	sadd.s32 s26, s15;
	[tilespmem:s9+$0x280] =	vst v5;
	v2 =	vadd.f32 v3, v2;
	v3 =	vld [tilespmem:s4+$0x380]  }
0x172: {  	v5 =	vld [tilespmem:s20+$0x0]  }
0x173: {  	s21 =	sadd.s32 s25, s15;
	v6 =	vld [tilespmem:s6+$0x300];
	[tilespmem:s0+$0x280] =	vst v2  }
0x174: {  	v1 =	vadd.f32 v4, v1;
	v2 =	vld [tilespmem:s21+$0x0]  }
0x175: {  	v4 =	vld [tilespmem:s1+$0x300]  }
0x176: {  	s30 =	sadd.s32 s23, s19;
	s29 =	rddreg [dreg:$0x16];
	[tilespmem:s10+$0x300] =	vst v1;
	v0 =	vadd.f32 v3, v0  }
0x177: {  	s31 =	sadd.s32 s22, s29;
	v1 =	vld [tilespmem:s30+$0x0]  }
0x178: {  	s13 =	sadd.s32 $0x1000, s3;
	v3 =	vld [tilespmem:s5+$0x380];
	s14 =	sadd.s32 s8, s31;
	v5 =	vadd.f32 v6, v5;
	[tilespmem:s7+$0x380] =	vst v0  }
0x179: {  	s7 =	sadd.s32 s8, s13;
	v0 =	vld [tilespmem:s14+$0x0]  }
0x17a: {  	s15 =	sadd.s32 s26, s19;
	[tilespmem:s9+$0x300] =	vst v5;
	v2 =	vadd.f32 v4, v2;
	v4 =	vld [tilespmem:s7+$0x0]  }
0x17b: {  	v5 =	vld [tilespmem:s15+$0x0]  }
0x17c: {  	s11 =	sadd.s32 s25, s19;
	v6 =	vld [tilespmem:s6+$0x380];
	[tilespmem:s0+$0x300] =	vst v2  }
0x17d: {  	v1 =	vadd.f32 v3, v1;
	v2 =	vld [tilespmem:s11+$0x0]  }
0x17e: {  	v3 =	vld [tilespmem:s1+$0x380]  }
0x17f: {  	s18 =	sadd.s32 $0x1000, s2;
	s17 =	sadd.s32 s23, s31;
	s16 =	rddreg [dreg:$0x17];
	[tilespmem:s10+$0x380] =	vst v1;
	v0 =	vadd.f32 v4, v0  }
0x180: {  	s12 =	sadd.s32 s8, s18;
	s6 =	sadd.s32 s23, s13;
	s19 =	sadd.s32 s22, s16;
	v1 =	vld [tilespmem:s17+$0x0]  }
0x181: {  	v4 =	vld [tilespmem:s6+$0x0];
	s20 =	sadd.s32 s8, s19;
	v5 =	vadd.f32 v6, v5;
	[tilespmem:s12+$0x0] =	vst v0  }
0x182: {  	v0 =	vld [tilespmem:s20+$0x0]  }
0x183: {  	s21 =	sadd.s32 s26, s31;
	[tilespmem:s9+$0x380] =	vst v5;
	v2 =	vadd.f32 v3, v2;
	v3 =	vld [tilespmem:s7+$0x80]  }
0x184: {  	s11 =	sadd.s32 s26, s13;
	v5 =	vld [tilespmem:s21+$0x0]  }
0x185: {  	s4 =	sadd.s32 s25, s31;
	v6 =	vld [tilespmem:s11+$0x0];
	[tilespmem:s0+$0x380] =	vst v2  }
0x186: {  	s5 =	sadd.s32 s25, s13;
	v1 =	vadd.f32 v4, v1;
	v2 =	vld [tilespmem:s4+$0x0]  }
0x187: {  	s10 =	sadd.s32 s23, s18;
	v4 =	vld [tilespmem:s5+$0x0]  }
0x188: {  	s29 =	sadd.s32 s23, s19;
	s0 =	rddreg [dreg:$0x18];
	[tilespmem:s10+$0x0] =	vst v1;
	v0 =	vadd.f32 v3, v0  }
0x189: {  	s0 =	sadd.s32 s22, s0;
	v1 =	vld [tilespmem:s29+$0x0]  }
0x18a: {  	v3 =	vld [tilespmem:s6+$0x80];
	s30 =	sadd.s32 s8, s0;
	v5 =	vadd.f32 v6, v5;
	[tilespmem:s12+$0x80] =	vst v0  }
0x18b: {  	s4 =	sadd.s32 s26, s18;
	v0 =	vld [tilespmem:s30+$0x0]  }
0x18c: {  	s31 =	sadd.s32 s26, s19;
	[tilespmem:s4+$0x0] =	vst v5;
	v2 =	vadd.f32 v4, v2;
	v4 =	vld [tilespmem:s7+$0x100]  }
0x18d: {  	s9 =	sadd.s32 s25, s18;
	v5 =	vld [tilespmem:s31+$0x0]  }
0x18e: {  	s1 =	sadd.s32 s25, s19;
	v6 =	vld [tilespmem:s11+$0x80];
	[tilespmem:s9+$0x0] =	vst v2  }
0x18f: {  	v1 =	vadd.f32 v3, v1;
	v2 =	vld [tilespmem:s1+$0x0]  }
0x190: {  	v3 =	vld [tilespmem:s5+$0x80]  }
0x191: {  	s15 =	sadd.s32 s23, s0;
	s14 =	rddreg [dreg:$0x19];
	[tilespmem:s10+$0x80] =	vst v1;
	v0 =	vadd.f32 v4, v0  }
0x192: {  	s16 =	sadd.s32 s22, s14;
	v1 =	vld [tilespmem:s15+$0x0]  }
0x193: {  	v4 =	vld [tilespmem:s6+$0x100];
	s13 =	sadd.s32 s8, s16;
	v5 =	vadd.f32 v6, v5;
	[tilespmem:s12+$0x100] =	vst v0  }
0x194: {  	v0 =	vld [tilespmem:s13+$0x0]  }
0x195: {  	s17 =	sadd.s32 s26, s0;
	[tilespmem:s4+$0x80] =	vst v5;
	v2 =	vadd.f32 v3, v2;
	v3 =	vld [tilespmem:s7+$0x180]  }
0x196: {  	v5 =	vld [tilespmem:s17+$0x0]  }
0x197: {  	s0 =	sadd.s32 s25, s0;
	v6 =	vld [tilespmem:s11+$0x100];
	[tilespmem:s9+$0x80] =	vst v2  }
0x198: {  	v1 =	vadd.f32 v4, v1;
	v2 =	vld [tilespmem:s0+$0x0]  }
0x199: {  	v4 =	vld [tilespmem:s5+$0x100]  }
0x19a: {  	s19 =	sadd.s32 s23, s16;
	s18 =	rddreg [dreg:$0x1a];
	[tilespmem:s10+$0x100] =	vst v1;
	v0 =	vadd.f32 v3, v0  }
0x19b: {  	s20 =	sadd.s32 s22, s18;
	v1 =	vld [tilespmem:s19+$0x0]  }
0x19c: {  	v3 =	vld [tilespmem:s6+$0x180];
	s13 =	sadd.s32 s8, s20;
	v5 =	vadd.f32 v6, v5;
	[tilespmem:s12+$0x180] =	vst v0  }
0x19d: {  	v0 =	vld [tilespmem:s13+$0x0]  }
0x19e: {  	s21 =	sadd.s32 s26, s16;
	[tilespmem:s4+$0x100] =	vst v5;
	v2 =	vadd.f32 v4, v2;
	v4 =	vld [tilespmem:s7+$0x200]  }
0x19f: {  	v5 =	vld [tilespmem:s21+$0x0]  }
0x1a0: {  	v6 =	vld [tilespmem:s11+$0x180]  }
0x1a1: {  	s1 =	sadd.s32 s25, s16;
	[tilespmem:s9+$0x100] =	vst v2;
	v1 =	vadd.f32 v3, v1  }
0x1a2: {  	v2 =	vld [tilespmem:s1+$0x0]  }
0x1a3: {  	s30 =	sadd.s32 s23, s20;
	s29 =	rddreg [dreg:$0x1b];
	[tilespmem:s10+$0x180] =	vst v1;
	v1 =	vld [tilespmem:s5+$0x180];
	v0 =	vadd.f32 v4, v0  }
0x1a4: {  	s31 =	sadd.s32 s22, s29;
	v3 =	vld [tilespmem:s30+$0x0]  }
0x1a5: {  	v4 =	vld [tilespmem:s6+$0x200];
	s13 =	sadd.s32 s8, s31;
	v5 =	vadd.f32 v6, v5;
	[tilespmem:s12+$0x200] =	vst v0  }
0x1a6: {  	v0 =	vld [tilespmem:s13+$0x0]  }
0x1a7: {  	s14 =	sadd.s32 s26, s20;
	[tilespmem:s4+$0x180] =	vst v5;
	v5 =	vld [tilespmem:s7+$0x280]  }
0x1a8: {  	v1 =	vadd.f32 v1, v2;
	v2 =	vld [tilespmem:s14+$0x0]  }
0x1a9: {  	v6 =	vld [tilespmem:s11+$0x200]  }
0x1aa: {  	s0 =	sadd.s32 s25, s20;
	v3 =	vadd.f32 v4, v3;
	[tilespmem:s9+$0x180] =	vst v1  }
0x1ab: {  	v1 =	vld [tilespmem:s0+$0x0]  }
0x1ac: {  	s16 =	sadd.s32 s23, s31;
	s15 =	rddreg [dreg:$0x1c];
	v4 =	vld [tilespmem:s5+$0x200];
	[tilespmem:s10+$0x200] =	vst v3;
	v0 =	vadd.f32 v5, v0  }
0x1ad: {  	v3 =	vld [tilespmem:s16+$0x0];
	s15 =	sadd.s32 s22, s15  }
0x1ae: {  	v5 =	vld [tilespmem:s6+$0x280];
	v2 =	vadd.f32 v6, v2;
	s0 =	sadd.s32 s8, s15;
	[tilespmem:s12+$0x280] =	vst v0  }
0x1af: {  	v0 =	vld [tilespmem:s0+$0x0]  }
0x1b0: {  	[tilespmem:s4+$0x200] =	vst v2;
	v2 =	vld [tilespmem:s7+$0x300]  }
0x1b1: {  	s17 =	sadd.s32 s26, s31;
	v1 =	vadd.f32 v4, v1  }
0x1b2: {  	v4 =	vld [tilespmem:s17+$0x0]  }
0x1b3: {  	s1 =	sadd.s32 s25, s31;
	v3 =	vadd.f32 v5, v3;
	[tilespmem:s9+$0x200] =	vst v1;
	v1 =	vld [tilespmem:s11+$0x280]  }
0x1b4: {  	s20 =	rddreg [dreg:$0x5];
	v5 =	vld [tilespmem:s1+$0x0]  }
0x1b5: {  	s19 =	sadd.s32 s23, s15;
	s18 =	rddreg [dreg:$0x1d];
	[tilespmem:s10+$0x280] =	vst v3;
	v3 =	vld [tilespmem:s5+$0x280];
	v0 =	vadd.f32 v2, v0  }
0x1b6: {  	s21 =	rddreg [dreg:$0x6];
	s29 =	simm.s32 $0x200;
	s13 =	sadd.s32 s22, s18;
	v2 =	vld [tilespmem:s19+$0x0]  }
0x1b7: {  	s30 =	simm.s32 $0x40;
	s31 =	simm.s32 $0x40;
	v6 =	vld [tilespmem:s6+$0x300];
	s0 =	sadd.s32 s8, s13;
	[tilespmem:s12+$0x300] =	vst v0  }
0x1b8: {  	s1 =	sand.u32 $0x400, s29;
	s18 =	simm.s32 $0x200;
	v0 =	vld [tilespmem:s0+$0x0];
	[smem:$0x7D9] =	sst s31  }
0x1b9: {  	v1 =	vadd.f32 v1, v4;
	s0 =	sand.u32 $0x40, s30;
	[smem:$0x7DA] =	sst s18;
	s18 =	sadd.s32 s1, s20  }
0x1ba: {  	s28 =	sadd.s32 s1, s21;
	v4 =	vld [tilespmem:s7+$0x380];
	s21 =	sadd.s32 s0, s18  }
0x1bb: {  	s19 =	sadd.s32 s26, s15;
	s17 =	sor.u32 $0x30, s0;
	[tilespmem:s4+$0x280] =	vst v1;
	v8 =	vld [tilespmem:s21+$0x0]  }
0x1bc: {  	s20 =	sadd.s32 s17, s18;
	v1 =	vld [tilespmem:s19+$0x0]  }
0x1bd: {  	v3 =	vadd.f32 v3, v5;
	s16 =	sadd.s32 s17, s28;
	v7 =	vld [tilespmem:s20+$0x0]  }
0x1be: {  	s14 =	sadd.s32 s0, s28;
	v2 =	vadd.f32 v6, v2;
	v5 =	vld [tilespmem:s16+$0x0]  }
0x1bf: {  	s29 =	sadd.s32 s25, s15;
	[tilespmem:s9+$0x280] =	vst v3;
	v3 =	vld [tilespmem:s14+$0x0]  }
0x1c0: {  	s30 =	sadd.s32 s23, s13;
	s19 =	rddreg [dreg:$0x1e];
	v6 =	vld [tilespmem:s29+$0x0];
	[tilespmem:s10+$0x300] =	vst v2  }
0x1c1: {  	s7 =	sor.u32 $0x20, s0;
	s20 =	sor.u32 $0x10, s0;
	v2 =	vld [tilespmem:s30+$0x0]  }
0x1c2: {  	s21 =	sadd.s32 s20, s18;
	s18 =	sadd.s32 s7, s18;
	v9 =	vld [tilespmem:s6+$0x380];
	[smem:$0x7DB] =	sst s24  }
0x1c3: {  	v10 =	vld [tilespmem:s18+$0x0]  }
0x1c4: {  	s31 =	rddreg [dreg:$0x7];
	s24 =	sadd.s32 s1, s24;
	v12 =	vld [tilespmem:s5+$0x300];
	v5 =	vadd.f32 v5, v7  }
0x1c5: {  	s29 =	sadd.s32 s17, s24;
	v7 =	vld [tilespmem:s21+$0x0];
	s21 =	sadd.s32 s1, s31  }
0x1c6: {  	v3 =	vadd.f32 v3, v8;
	v8 =	vld [tilespmem:s11+$0x300];
	s15 =	sadd.s32 s17, s21;
	[tilespmem:s29+$0x0] =	vst v5  }
0x1c7: {  	v5 =	vld [tilespmem:s15+$0x0];
	s15 =	sadd.s32 s0, s24  }
0x1c8: {  	s6 =	sadd.s32 s0, s21;
	v11 =	vld [tilespmem:s16+$0x80];
	[tilespmem:s15+$0x0] =	vst v3  }
0x1c9: {  	s30 =	smov.u32 s28;
	v3 =	vld [tilespmem:s6+$0x0];
	[smem:$0x7E9] =	sst s28;
	s28 =	sadd.s32 s20, s28  }
0x1ca: {  	v0 =	vadd.f32 v4, v0;
	s18 =	sadd.s32 s7, s30;
	v4 =	vld [tilespmem:s28+$0x0]  }
0x1cb: {  	s30 =	sadd.s32 s22, s19;
	v1 =	vadd.f32 v8, v1;
	v8 =	vld [tilespmem:s18+$0x0]  }
0x1cc: {  	s31 =	sadd.s32 s8, s30;
	v6 =	vadd.f32 v12, v6;
	[tilespmem:s12+$0x380] =	vst v0;
	v0 =	vld [tilespmem:s14+$0x80]  }
0x1cd: {  	s19 =	rddreg [dreg:$0x8];
	s6 =	sadd.s32 s26, s13;
	v13 =	vld [tilespmem:s31+$0x0];
	[tilespmem:s4+$0x300] =	vst v1;
	v1 =	vadd.f32 v11, v5  }
0x1ce: {  	s12 =	sadd.s32 s1, s19;
	[tilespmem:s9+$0x300] =	vst v6;
	v5 =	vld [tilespmem:s6+$0x0]  }
0x1cf: {  	s31 =	sadd.s32 s17, s12;
	v50 =	vld [tilespmem:s11+$0x380];
	[tilespmem:s29+$0x80] =	vst v1  }
0x1d0: {  	v4 =	vadd.f32 v4, v7;
	v1 =	vld [tilespmem:s31+$0x0];
	[smem:$0x7E1] =	sst s24  }
0x1d1: {  	s19 =	sadd.s32 s20, s24;
	s6 =	sadd.s32 s25, s13;
	v6 =	vadd.f32 v8, v10;
	v0 =	vadd.f32 v0, v3;
	v3 =	vld [tilespmem:s16+$0x100]  }
0x1d2: {  	s24 =	sadd.s32 s7, s24;
	[tilespmem:s19+$0x0] =	vst v4;
	v4 =	vld [tilespmem:s6+$0x0]  }
0x1d3: {  	s13 =	sadd.s32 s20, s21;
	[tilespmem:s24+$0x0] =	vst v6;
	v6 =	vld [tilespmem:s5+$0x380]  }
0x1d4: {  	[tilespmem:s15+$0x80] =	vst v0;
	v0 =	vld [tilespmem:s13+$0x0]  }
0x1d5: {  	s21 =	sadd.s32 s7, s21;
	v8 =	vld [tilespmem:s28+$0x80]  }
0x1d6: {  	v7 =	vld [tilespmem:s21+$0x0];
	s21 =	sadd.s32 $0x1800, s3  }
0x1d7: {  	s5 =	sadd.s32 s8, s21;
	v1 =	vadd.f32 v3, v1;
	v3 =	vld [tilespmem:s18+$0x80]  }
0x1d8: {  	s6 =	sadd.s32 s0, s12;
	s31 =	rddreg [dreg:$0x9];
	v52 =	vld [tilespmem:s5+$0x0]  }
0x1d9: {  	v51 =	vld [tilespmem:s6+$0x0];
	s11 =	sadd.s32 s1, s31  }
0x1da: {  	v2 =	vadd.f32 v9, v2;
	s13 =	sadd.s32 s17, s11;
	[tilespmem:s29+$0x100] =	vst v1;
	v0 =	vadd.f32 v8, v0;
	v8 =	vld [tilespmem:s14+$0x100]  }
0x1db: {  	v1 =	vld [tilespmem:s13+$0x0]  }
0x1dc: {  	s3 =	rddreg [dreg:$0x1f];
	[tilespmem:s10+$0x380] =	vst v2;
	s31 =	sadd.s32 s23, s30;
	v2 =	vadd.f32 v3, v7;
	v3 =	vld [tilespmem:s16+$0x180]  }
0x1dd: {  	s2 =	sadd.s32 $0x1800, s2;
	s6 =	sadd.s32 s20, s12;
	[tilespmem:s19+$0x80] =	vst v0;
	v53 =	vadd.f32 v52, v13;
	v7 =	vld [tilespmem:s31+$0x0]  }
0x1de: {  	v0 =	vld [tilespmem:s6+$0x0];
	s6 =	sadd.s32 s8, s2  }
0x1df: {  	v54 =	vld [tilespmem:s28+$0x100];
	[tilespmem:s6+$0x0] =	vst v53  }
0x1e0: {  	s12 =	sadd.s32 s7, s12;
	[tilespmem:s24+$0x80] =	vst v2;
	v60 =	vld [tilespmem:s5+$0x80]  }
0x1e1: {  	s31 =	sadd.s32 s22, s3;
	v8 =	vadd.f32 v8, v51;
	v2 =	vld [tilespmem:s12+$0x0]  }
0x1e2: {  	s3 =	sadd.s32 s8, s31;
	v55 =	vld [tilespmem:s18+$0x100]  }
0x1e3: {  	v5 =	vadd.f32 v50, v5;
	s13 =	rddreg [dreg:$0xa];
	s12 =	sadd.s32 s0, s11;
	[tilespmem:s15+$0x100] =	vst v8;
	v1 =	vadd.f32 v3, v1;
	v3 =	vld [tilespmem:s3+$0x0]  }
0x1e4: {  	v8 =	vld [tilespmem:s12+$0x0]  }
0x1e5: {  	[tilespmem:s4+$0x380] =	vst v5;
	s10 =	sadd.s32 s1, s13;
	v56 =	vld [tilespmem:s14+$0x180];
	s12 =	sadd.s32 s26, s30  }
0x1e6: {  	s13 =	sadd.s32 s17, s10;
	v0 =	vadd.f32 v54, v0;
	v57 =	vld [tilespmem:s12+$0x0];
	[tilespmem:s29+$0x180] =	vst v1  }
0x1e7: {  	v1 =	vld [tilespmem:s13+$0x0]  }
0x1e8: {  	[tilespmem:s19+$0x100] =	vst v0;
	v2 =	vadd.f32 v55, v2;
	v5 =	vld [tilespmem:s16+$0x200];
	s13 =	sadd.s32 s20, s11  }
0x1e9: {  	v0 =	vld [tilespmem:s13+$0x0]  }
0x1ea: {  	s4 =	sadd.s32 s7, s11;
	[tilespmem:s24+$0x100] =	vst v2;
	v2 =	vld [tilespmem:s28+$0x180]  }
0x1eb: {  	v8 =	vadd.f32 v56, v8;
	v58 =	vld [tilespmem:s4+$0x0]  }
0x1ec: {  	s13 =	sadd.s32 s23, s21;
	v59 =	vld [tilespmem:s18+$0x180]  }
0x1ed: {  	s12 =	sadd.s32 s0, s10;
	s11 =	rddreg [dreg:$0xb];
	[tilespmem:s15+$0x180] =	vst v8;
	v1 =	vadd.f32 v5, v1;
	v5 =	vld [tilespmem:s13+$0x0]  }
0x1ee: {  	s4 =	sadd.s32 s1, s11;
	v8 =	vld [tilespmem:s12+$0x0]  }
0x1ef: {  	s3 =	sadd.s32 s17, s4;
	[tilespmem:s29+$0x200] =	vst v1;
	v0 =	vadd.f32 v2, v0;
	v2 =	vadd.f32 v6, v4;
	v4 =	vld [tilespmem:s14+$0x200]  }
0x1f0: {  	v1 =	vld [tilespmem:s3+$0x0]  }
0x1f1: {  	s12 =	sadd.s32 s20, s10;
	v6 =	vld [tilespmem:s16+$0x280];
	[tilespmem:s19+$0x180] =	vst v0  }
0x1f2: {  	v0 =	vadd.f32 v59, v58;
	[tilespmem:s9+$0x380] =	vst v2;
	v2 =	vld [tilespmem:s12+$0x0]  }
0x1f3: {  	s3 =	sadd.s32 s25, s30;
	v5 =	vadd.f32 v5, v7;
	v7 =	vld [tilespmem:s28+$0x200]  }
0x1f4: {  	s11 =	sadd.s32 s23, s2;
	s10 =	sadd.s32 s7, s10;
	[tilespmem:s24+$0x180] =	vst v0;
	v0 =	vld [tilespmem:s3+$0x0]  }
0x1f5: {  	s30 =	sld [smem:$0x7EA];
	s12 =	sadd.s32 s23, s31;
	[tilespmem:s11+$0x0] =	vst v5;
	v4 =	vadd.f32 v4, v8;
	v8 =	vld [tilespmem:s10+$0x0]  }
0x1f6: {  	s3 =	rddreg [dreg:$0xc];
	v5 =	vld [tilespmem:s12+$0x0]  }
0x1f7: {  	v1 =	vadd.f32 v6, v1;
	s9 =	sadd.s32 s1, s3;
	s3 =	sadd.s32 s0, s4;
	[tilespmem:s15+$0x200] =	vst v4;
	v4 =	vld [tilespmem:s18+$0x200]  }
0x1f8: {  	v6 =	vld [tilespmem:s3+$0x0];
	v2 =	vadd.f32 v7, v2  }
0x1f9: {  	s12 =	sadd.s32 s17, s9;
	[tilespmem:s29+$0x280] =	vst v1;
	v7 =	vld [tilespmem:s14+$0x280]  }
0x1fa: {  	s3 =	sadd.s32 s20, s4;
	v1 =	vld [tilespmem:s12+$0x0];
	[tilespmem:s19+$0x200] =	vst v2  }
0x1fb: {  	s10 =	sadd.s32 s26, s21;
	v2 =	vld [tilespmem:s3+$0x0];
	[smem:$0x7DC] =	sst s5  }
0x1fc: {  	[smem:$0x7DD] =	sst s10  }
0x1fd: {  	v4 =	vadd.f32 v4, v8;
	v61 =	vld [tilespmem:s16+$0x300]  }
0x1fe: {  	v8 =	vld [tilespmem:s10+$0x0]  }
0x1ff: {  	s4 =	sadd.s32 s7, s4;
	v6 =	vadd.f32 v7, v6;
	v7 =	vld [tilespmem:s28+$0x280];
	[tilespmem:s24+$0x200] =	vst v4  }
0x200: {  	v3 =	vadd.f32 v60, v3;
	s30 =	sadd.s32 s22, s30;
	v4 =	vld [tilespmem:s4+$0x0]  }
0x201: {  	s12 =	smov.u32 s5;
	s5 =	sadd.s32 s0, s9;
	s4 =	rddreg [dreg:$0xd];
	[tilespmem:s15+$0x280] =	vst v6;
	v6 =	vld [tilespmem:s18+$0x280]  }
0x202: {  	s3 =	sadd.s32 s26, s2;
	[tilespmem:s6+$0x80] =	vst v3;
	s10 =	sadd.s32 s8, s30;
	v62 =	vld [tilespmem:s5+$0x0];
	v1 =	vadd.f32 v61, v1  }
0x203: {  	s5 =	smov.u32 s6;
	v3 =	vld [tilespmem:s14+$0x300];
	[smem:$0x7DE] =	sst s3;
	s6 =	sadd.s32 s1, s4  }
0x204: {  	v8 =	vadd.f32 v8, v57;
	v63 =	vld [tilespmem:s10+$0x0];
	s10 =	sadd.s32 s17, s6;
	[tilespmem:s29+$0x300] =	vst v1  }
0x205: {  	v2 =	vadd.f32 v7, v2;
	v1 =	vld [tilespmem:s10+$0x0]  }
0x206: {  	[tilespmem:s3+$0x0] =	vst v8;
	s3 =	sadd.s32 s26, s31;
	v4 =	vadd.f32 v6, v4;
	v6 =	vld [tilespmem:s16+$0x380]  }
0x207: {  	v8 =	vld [tilespmem:s3+$0x0];
	[tilespmem:s19+$0x280] =	vst v2;
	s3 =	sadd.s32 s20, s9  }
0x208: {  	v2 =	vld [tilespmem:s3+$0x0];
	v3 =	vadd.f32 v3, v62  }
0x209: {  	s9 =	sadd.s32 s7, s9;
	v7 =	vld [tilespmem:s28+$0x300];
	[tilespmem:s24+$0x280] =	vst v4  }
0x20a: {  	s21 =	sadd.s32 s25, s21;
	s16 =	sadd.s32 s0, s6;
	v4 =	vld [tilespmem:s9+$0x0];
	s10 =	rddreg [dreg:$0xe];
	[tilespmem:s15+$0x300] =	vst v3  }
0x20b: {  	v3 =	vld [tilespmem:s16+$0x0];
	[smem:$0x7E3] =	sst s21;
	v1 =	vadd.f32 v6, v1  }
0x20c: {  	v12 =	vld [tilespmem:s18+$0x300]  }
0x20d: {  	v13 =	vld [tilespmem:s21+$0x0];
	[tilespmem:s29+$0x380] =	vst v1  }
0x20e: {  	v6 =	vld [tilespmem:s14+$0x380];
	[smem:$0x7E7] =	sst s13  }
0x20f: {  	s14 =	sadd.s32 s1, s10;
	v2 =	vadd.f32 v7, v2;
	s29 =	sld [smem:$0x7E9]  }
0x210: {  	s4 =	sadd.s32 s17, s14;
	v1 =	vld [tilespmem:s13+$0x80]  }
0x211: {  	v7 =	vld [tilespmem:s4+$0x0];
	[tilespmem:s19+$0x300] =	vst v2;
	s4 =	sadd.s32 s20, s6  }
0x212: {  	v14 =	vld [tilespmem:s4+$0x0];
	s16 =	sadd.s32 $0x800, s29  }
0x213: {  	s9 =	sadd.s32 s25, s2;
	v2 =	vadd.f32 v12, v4;
	v15 =	vld [tilespmem:s28+$0x380];
	s10 =	sadd.s32 s17, s16  }
0x214: {  	v0 =	vadd.f32 v13, v0;
	v4 =	vld [tilespmem:s10+$0x0];
	[smem:$0x7E6] =	sst s9  }
0x215: {  	s21 =	sadd.s32 s7, s6;
	[tilespmem:s24+$0x300] =	vst v2;
	v1 =	vadd.f32 v1, v5;
	v17 =	vld [tilespmem:s12+$0x100]  }
0x216: {  	[tilespmem:s9+$0x0] =	vst v0;
	v2 =	vld [tilespmem:s21+$0x0];
	s29 =	rddreg [dreg:$0xf]  }
0x217: {  	s3 =	sadd.s32 s25, s31;
	v3 =	vadd.f32 v6, v3;
	v0 =	vld [tilespmem:s18+$0x380];
	s21 =	sld [smem:$0x7EB];
	[tilespmem:s11+$0x80] =	vst v1  }
0x218: {  	s4 =	sadd.s32 s23, s30;
	v5 =	vld [tilespmem:s3+$0x0];
	v6 =	vadd.f32 v15, v14;
	s18 =	sld [smem:$0x7E1]  }
0x219: {  	s2 =	sadd.s32 s1, s29;
	s29 =	sadd.s32 s0, s14;
	[tilespmem:s15+$0x380] =	vst v3;
	v1 =	vadd.f32 v4, v7;
	v4 =	vld [tilespmem:s4+$0x0]  }
0x21a: {  	s28 =	sadd.s32 s20, s16;
	[tilespmem:s19+$0x380] =	vst v6;
	v3 =	vld [tilespmem:s29+$0x0]  }
0x21b: {  	s29 =	sadd.s32 s0, s16;
	v16 =	vld [tilespmem:s28+$0x0];
	s31 =	sadd.s32 $0x800, s18  }
0x21c: {  	s4 =	sadd.s32 s20, s14;
	v7 =	vld [tilespmem:s29+$0x0];
	s9 =	sadd.s32 s17, s31  }
0x21d: {  	s3 =	sadd.s32 s17, s2;
	v6 =	vld [tilespmem:s4+$0x0];
	v0 =	vadd.f32 v0, v2;
	[tilespmem:s9+$0x0] =	vst v1  }
0x21e: {  	v1 =	vld [tilespmem:s3+$0x0]  }
0x21f: {  	s14 =	sadd.s32 s7, s14;
	[tilespmem:s24+$0x380] =	vst v0;
	v2 =	vld [tilespmem:s10+$0x80]  }
0x220: {  	s18 =	sadd.s32 s7, s16;
	v0 =	vld [tilespmem:s14+$0x0]  }
0x221: {  	v3 =	vadd.f32 v7, v3;
	v7 =	vld [tilespmem:s18+$0x0]  }
0x222: {  	v9 =	vadd.f32 v17, v63;
	s3 =	sld [smem:$0x7DD];
	_ =	sdelay $0x1  }
0x223: {  	s19 =	sadd.s32 s0, s31;
	s15 =	rddreg [dreg:$0x10];
	[tilespmem:s5+$0x100] =	vst v9;
	v1 =	vadd.f32 v2, v1  }
0x224: {  	s16 =	sadd.s32 s0, s2;
	s6 =	sadd.s32 s1, s15;
	v6 =	vadd.f32 v16, v6;
	[tilespmem:s19+$0x0] =	vst v3;
	v2 =	vld [tilespmem:s3+$0x80]  }
0x225: {  	s24 =	sadd.s32 s17, s6;
	v3 =	vld [tilespmem:s16+$0x0];
	s16 =	sadd.s32 s20, s31;
	v0 =	vadd.f32 v7, v0;
	[tilespmem:s9+$0x80] =	vst v1  }
0x226: {  	[tilespmem:s16+$0x0] =	vst v6;
	v1 =	vld [tilespmem:s24+$0x0];
	s24 =	sadd.s32 s7, s31  }
0x227: {  	v18 =	vld [tilespmem:s29+$0x80];
	[tilespmem:s24+$0x0] =	vst v0  }
0x228: {  	s14 =	sld [smem:$0x7DE]  }
0x229: {  	s3 =	sadd.s32 s20, s2;
	v6 =	vld [tilespmem:s10+$0x100];
	v2 =	vadd.f32 v2, v8  }
0x22a: {  	s4 =	sadd.s32 s22, s21;
	v7 =	vld [tilespmem:s3+$0x0]  }
0x22b: {  	s12 =	sadd.s32 s8, s4;
	v8 =	vld [tilespmem:s28+$0x80];
	[tilespmem:s14+$0x80] =	vst v2  }
0x22c: {  	s2 =	sadd.s32 s7, s2;
	v0 =	vld [tilespmem:s12+$0x0];
	v3 =	vadd.f32 v18, v3;
	[smem:$0x7E5] =	sst s26  }
0x22d: {  	s21 =	sadd.s32 s26, s30;
	s15 =	smov.u32 s5;
	v19 =	vld [tilespmem:s2+$0x0]  }
0x22e: {  	s5 =	smov.u32 s26;
	s3 =	sadd.s32 s0, s6;
	v1 =	vadd.f32 v6, v1;
	s26 =	rddreg [dreg:$0x11];
	[tilespmem:s19+$0x80] =	vst v3;
	v3 =	vld [tilespmem:s18+$0x80]  }
0x22f: {  	v6 =	vld [tilespmem:s3+$0x0]  }
0x230: {  	s2 =	sadd.s32 s1, s26;
	v7 =	vadd.f32 v8, v7;
	[tilespmem:s9+$0x100] =	vst v1;
	v8 =	vld [tilespmem:s29+$0x100]  }
0x231: {  	s31 =	smov.u32 s4;
	s4 =	sadd.s32 s17, s2;
	v20 =	vld [tilespmem:s10+$0x180]  }
0x232: {  	s12 =	sadd.s32 s20, s6;
	v1 =	vld [tilespmem:s4+$0x0];
	[tilespmem:s16+$0x80] =	vst v7  }
0x233: {  	v7 =	vld [tilespmem:s12+$0x0]  }
0x234: {  	v21 =	vld [tilespmem:s28+$0x100]  }
0x235: {  	s4 =	sld [smem:$0x7E3]  }
0x236: {  	v3 =	vadd.f32 v3, v19  }
0x237: {  	v2 =	vld [tilespmem:s21+$0x0];
	v6 =	vadd.f32 v8, v6  }
0x238: {  	v22 =	vld [tilespmem:s4+$0x80];
	[tilespmem:s24+$0x80] =	vst v3;
	v1 =	vadd.f32 v20, v1  }
0x239: {  	s6 =	sadd.s32 s7, s6;
	v8 =	vld [tilespmem:s13+$0x100];
	s21 =	rddreg [dreg:$0x12];
	[tilespmem:s19+$0x100] =	vst v6;
	v7 =	vadd.f32 v21, v7  }
0x23a: {  	v3 =	vld [tilespmem:s6+$0x0];
	[tilespmem:s9+$0x180] =	vst v1  }
0x23b: {  	s12 =	sadd.s32 s20, s2;
	v6 =	vld [tilespmem:s18+$0x100];
	[tilespmem:s16+$0x100] =	vst v7  }
0x23c: {  	s26 =	sadd.s32 s0, s2;
	v7 =	vld [tilespmem:s12+$0x0];
	s12 =	sld [smem:$0x7E6]  }
0x23d: {  	v23 =	vld [tilespmem:s26+$0x0];
	v5 =	vadd.f32 v22, v5  }
0x23e: {  	s6 =	sadd.s32 s1, s21;
	v24 =	vld [tilespmem:s29+$0x180];
	v4 =	vadd.f32 v8, v4  }
0x23f: {  	s3 =	sadd.s32 s17, s6;
	[tilespmem:s12+$0x80] =	vst v5  }
0x240: {  	v1 =	vld [tilespmem:s3+$0x0];
	s14 =	sld [smem:$0x7EC];
	[tilespmem:s11+$0x100] =	vst v4  }
0x241: {  	v3 =	vadd.f32 v6, v3;
	v5 =	vld [tilespmem:s10+$0x200];
	[smem:$0x7E8] =	sst s11  }
0x242: {  	v4 =	vld [tilespmem:s28+$0x180]  }
0x243: {  	s13 =	sadd.s32 s25, s30;
	v8 =	vadd.f32 v24, v23;
	[tilespmem:s24+$0x100] =	vst v3  }
0x244: {  	v6 =	vld [tilespmem:s13+$0x0];
	[smem:$0x7E4] =	sst s31  }
0x245: {  	s26 =	sadd.s32 s23, s31;
	s3 =	smov.u32 s31;
	s31 =	rddreg [dreg:$0x13];
	[tilespmem:s19+$0x180] =	vst v8  }
0x246: {  	s2 =	sadd.s32 s7, s2;
	v3 =	vld [tilespmem:s26+$0x0];
	v1 =	vadd.f32 v5, v1;
	s26 =	sld [smem:$0x7DC]  }
0x247: {  	v25 =	vld [tilespmem:s2+$0x0];
	v4 =	vadd.f32 v4, v7  }
0x248: {  	[tilespmem:s9+$0x200] =	vst v1;
	v7 =	vld [tilespmem:s18+$0x180]  }
0x249: {  	s30 =	smov.u32 s11;
	s11 =	sadd.s32 s0, s6;
	v5 =	vld [tilespmem:s26+$0x180];
	[tilespmem:s16+$0x180] =	vst v4  }
0x24a: {  	v8 =	vld [tilespmem:s11+$0x0];
	s11 =	sld [smem:$0x7DD];
	_ =	sdelay $0x1  }
0x24b: {  	s2 =	sadd.s32 s1, s31;
	v29 =	vld [tilespmem:s4+$0x100]  }
0x24c: {  	s21 =	sadd.s32 s17, s2;
	v7 =	vadd.f32 v7, v25;
	v26 =	vld [tilespmem:s11+$0x100]  }
0x24d: {  	v1 =	vld [tilespmem:s21+$0x0];
	v0 =	vadd.f32 v5, v0  }
0x24e: {  	s13 =	sadd.s32 s20, s6;
	v27 =	vld [tilespmem:s10+$0x280];
	[tilespmem:s24+$0x180] =	vst v7  }
0x24f: {  	v4 =	vld [tilespmem:s13+$0x0];
	[tilespmem:s15+$0x180] =	vst v0  }
0x250: {  	v5 =	vld [tilespmem:s29+$0x200];
	s13 =	sld [smem:$0x7DE]  }
0x251: {  	s6 =	sadd.s32 s7, s6;
	v0 =	vld [tilespmem:s28+$0x200];
	v2 =	vadd.f32 v26, v2  }
0x252: {  	v7 =	vld [tilespmem:s6+$0x0]  }
0x253: {  	s21 =	sadd.s32 s22, s14;
	v1 =	vadd.f32 v27, v1;
	s6 =	rddreg [dreg:$0x14];
	[tilespmem:s13+$0x100] =	vst v2;
	v2 =	vld [tilespmem:s18+$0x200]  }
0x254: {  	s14 =	sadd.s32 s8, s21;
	s6 =	sadd.s32 s1, s6  }
0x255: {  	v28 =	vld [tilespmem:s14+$0x0];
	[tilespmem:s9+$0x280] =	vst v1;
	s4 =	sadd.s32 s17, s6;
	v5 =	vadd.f32 v5, v8  }
0x256: {  	v1 =	vld [tilespmem:s4+$0x0];
	v0 =	vadd.f32 v0, v4  }
0x257: {  	s31 =	smov.u32 s15;
	s15 =	smov.u32 s21;
	s21 =	sadd.s32 s5, s3;
	[tilespmem:s19+$0x200] =	vst v5;
	v5 =	vadd.f32 v29, v6;
	v6 =	vld [tilespmem:s26+$0x200]  }
0x258: {  	s3 =	sadd.s32 s0, s2;
	v8 =	vld [tilespmem:s21+$0x0];
	[tilespmem:s16+$0x200] =	vst v0;
	v2 =	vadd.f32 v2, v7  }
0x259: {  	v4 =	vld [tilespmem:s3+$0x0];
	[tilespmem:s12+$0x100] =	vst v5  }
0x25a: {  	v5 =	vld [tilespmem:s29+$0x280];
	[tilespmem:s24+$0x200] =	vst v2  }
0x25b: {  	s5 =	sadd.s32 s20, s2;
	v31 =	vld [tilespmem:s11+$0x180];
	s21 =	sld [smem:$0x7E7]  }
0x25c: {  	v0 =	vld [tilespmem:s5+$0x0]  }
0x25d: {  	s14 =	sld [smem:$0x7DF];
	v7 =	vld [tilespmem:s10+$0x300]  }
0x25e: {  	v30 =	vld [tilespmem:s21+$0x180]  }
0x25f: {  	s2 =	sadd.s32 s7, s2;
	v6 =	vadd.f32 v6, v28;
	v4 =	vadd.f32 v5, v4;
	v5 =	vld [tilespmem:s28+$0x280]  }
0x260: {  	s14 =	sadd.s32 s22, s14;
	v2 =	vld [tilespmem:s2+$0x0]  }
0x261: {  	[tilespmem:s31+$0x200] =	vst v6;
	v6 =	vld [tilespmem:s18+$0x280];
	s2 =	sadd.s32 s8, s14  }
0x262: {  	s5 =	sadd.s32 s0, s6;
	s4 =	rddreg [dreg:$0x15];
	[tilespmem:s19+$0x280] =	vst v4;
	v1 =	vadd.f32 v7, v1;
	v7 =	vld [tilespmem:s2+$0x0]  }
0x263: {  	v4 =	vld [tilespmem:s5+$0x0];
	v3 =	vadd.f32 v30, v3  }
0x264: {  	v0 =	vadd.f32 v5, v0;
	v5 =	vld [tilespmem:s29+$0x300]  }
0x265: {  	s2 =	sadd.s32 s1, s4;
	[tilespmem:s30+$0x180] =	vst v3;
	v3 =	vld [tilespmem:s26+$0x280]  }
0x266: {  	s12 =	smov.u32 s11;
	v8 =	vadd.f32 v31, v8;
	s11 =	sadd.s32 s17, s2;
	[tilespmem:s9+$0x300] =	vst v1  }
0x267: {  	v1 =	vld [tilespmem:s11+$0x0];
	v2 =	vadd.f32 v6, v2  }
0x268: {  	[tilespmem:s13+$0x180] =	vst v8;
	v6 =	vld [tilespmem:s10+$0x380]  }
0x269: {  	[tilespmem:s24+$0x280] =	vst v2  }
0x26a: {  	s5 =	smov.u32 s26;
	[tilespmem:s16+$0x280] =	vst v0;
	v4 =	vadd.f32 v5, v4;
	v5 =	vld [tilespmem:s18+$0x300];
	s26 =	sadd.s32 s20, s6;
	s3 =	sld [smem:$0x7E0];
	v3 =	vadd.f32 v3, v7  }
0x26b: {  	s30 =	sadd.s32 s7, s6;
	v0 =	vld [tilespmem:s26+$0x0]  }
0x26c: {  	v2 =	vld [tilespmem:s30+$0x0];
	[tilespmem:s31+$0x280] =	vst v3  }
0x26d: {  	v1 =	vadd.f32 v6, v1;
	s4 =	sadd.s32 s22, s3;
	v7 =	vld [tilespmem:s28+$0x300];
	[smem:$0x7ED] =	sst s31  }
0x26e: {  	s10 =	rddreg [dreg:$0x16];
	s11 =	sadd.s32 s8, s4;
	[tilespmem:s19+$0x300] =	vst v4  }
0x26f: {  	s30 =	sadd.s32 s0, s2;
	v3 =	vld [tilespmem:s11+$0x0];
	[tilespmem:s9+$0x380] =	vst v1  }
0x270: {  	s6 =	sadd.s32 s1, s10;
	s26 =	smov.u32 s31;
	v4 =	vld [tilespmem:s30+$0x0];
	s31 =	sld [smem:$0x7E9]  }
0x271: {  	s3 =	sadd.s32 s17, s6;
	v2 =	vadd.f32 v5, v2;
	v6 =	vld [tilespmem:s29+$0x380]  }
0x272: {  	v1 =	vld [tilespmem:s3+$0x0]  }
0x273: {  	s10 =	sadd.s32 s20, s2;
	s2 =	sadd.s32 s7, s2;
	v0 =	vadd.f32 v7, v0;
	[tilespmem:s24+$0x300] =	vst v2;
	v7 =	vld [tilespmem:s5+$0x300];
	s21 =	sadd.s32 $0x1000, s31  }
0x274: {  	v8 =	vld [tilespmem:s2+$0x0];
	s29 =	sadd.s32 s17, s21  }
0x275: {  	[tilespmem:s16+$0x300] =	vst v0;
	v0 =	vld [tilespmem:s29+$0x0]  }
0x276: {  	v5 =	vld [tilespmem:s10+$0x0];
	s11 =	rddreg [dreg:$0x17]  }
0x277: {  	v2 =	vld [tilespmem:s28+$0x380];
	s2 =	sadd.s32 s1, s11;
	s11 =	sld [smem:$0x7E1]  }
0x278: {  	v4 =	vadd.f32 v6, v4  }
0x279: {  	v6 =	vld [tilespmem:s18+$0x380]  }
0x27a: {  	v39 =	vld [tilespmem:s12+$0x200];
	s3 =	sadd.s32 s0, s6;
	s31 =	sadd.s32 $0x1000, s11;
	[tilespmem:s19+$0x380] =	vst v4;
	v0 =	vadd.f32 v0, v1  }
0x27b: {  	s30 =	sld [smem:$0x7E2];
	s28 =	sadd.s32 s0, s21;
	s18 =	sadd.s32 s17, s31;
	v1 =	vld [tilespmem:s3+$0x0]  }
0x27c: {  	s10 =	sadd.s32 s17, s2;
	v2 =	vadd.f32 v2, v5;
	[tilespmem:s18+$0x0] =	vst v0;
	v0 =	vadd.f32 v7, v3;
	v3 =	vld [tilespmem:s28+$0x0]  }
0x27d: {  	v4 =	vld [tilespmem:s10+$0x0]  }
0x27e: {  	s9 =	sadd.s32 s22, s30;
	s30 =	sadd.s32 s20, s6;
	v5 =	vadd.f32 v6, v8;
	[tilespmem:s16+$0x380] =	vst v2;
	v6 =	vld [tilespmem:s29+$0x80]  }
0x27f: {  	s19 =	sadd.s32 s20, s21;
	v2 =	vld [tilespmem:s30+$0x0]  }
0x280: {  	s6 =	sadd.s32 s7, s6;
	[tilespmem:s24+$0x380] =	vst v5;
	v7 =	vld [tilespmem:s19+$0x0]  }
0x281: {  	s8 =	sadd.s32 s8, s9;
	v5 =	vld [tilespmem:s6+$0x0];
	[tilespmem:s26+$0x300] =	vst v0  }
0x282: {  	v0 =	vld [tilespmem:s8+$0x0];
	s8 =	sadd.s32 s7, s21;
	v3 =	vadd.f32 v3, v1  }
0x283: {  	s22 =	sadd.s32 s0, s31;
	s3 =	rddreg [dreg:$0x18];
	v8 =	vld [tilespmem:s8+$0x0];
	v4 =	vadd.f32 v6, v4  }
0x284: {  	s10 =	sadd.s32 s0, s2;
	s21 =	sld [smem:$0x7E3];
	v1 =	vld [tilespmem:s5+$0x380];
	[tilespmem:s22+$0x0] =	vst v3  }
0x285: {  	s5 =	sadd.s32 s1, s3;
	v3 =	vld [tilespmem:s10+$0x0];
	[tilespmem:s18+$0x80] =	vst v4  }
0x286: {  	s16 =	sadd.s32 s17, s5;
	v6 =	vld [tilespmem:s28+$0x80];
	s24 =	sld [smem:$0x7E4]  }
0x287: {  	v4 =	vld [tilespmem:s16+$0x0]  }
0x288: {  	v2 =	vadd.f32 v7, v2;
	v5 =	vadd.f32 v8, v5;
	v7 =	vld [tilespmem:s29+$0x100]  }
0x289: {  	v33 =	vld [tilespmem:s21+$0x180];
	s16 =	sadd.s32 s7, s31;
	s26 =	sadd.s32 s25, s24  }
0x28a: {  	[tilespmem:s16+$0x0] =	vst v5;
	s24 =	sadd.s32 s20, s31;
	s31 =	sadd.s32 s20, s2;
	s2 =	sadd.s32 s7, s2;
	v8 =	vld [tilespmem:s26+$0x0]  }
0x28b: {  	[tilespmem:s24+$0x0] =	vst v2;
	v32 =	vld [tilespmem:s2+$0x0]  }
0x28c: {  	v3 =	vadd.f32 v6, v3;
	v5 =	vld [tilespmem:s31+$0x0]  }
0x28d: {  	v6 =	vld [tilespmem:s19+$0x80];
	v4 =	vadd.f32 v7, v4  }
0x28e: {  	s10 =	sadd.s32 s0, s5;
	s3 =	rddreg [dreg:$0x19];
	[tilespmem:s22+$0x80] =	vst v3;
	v3 =	vld [tilespmem:s8+$0x80]  }
0x28f: {  	v7 =	vld [tilespmem:s10+$0x0];
	[tilespmem:s18+$0x100] =	vst v4  }
0x290: {  	s30 =	sadd.s32 s23, s15;
	s2 =	sadd.s32 s1, s3;
	v34 =	vld [tilespmem:s28+$0x100];
	s31 =	sld [smem:$0x7E5]  }
0x291: {  	v2 =	vld [tilespmem:s30+$0x0];
	s26 =	sadd.s32 s17, s2  }
0x292: {  	v4 =	vld [tilespmem:s26+$0x0];
	v5 =	vadd.f32 v6, v5  }
0x293: {  	v6 =	vld [tilespmem:s29+$0x180];
	v3 =	vadd.f32 v3, v32;
	s30 =	sadd.s32 s31, s15  }
0x294: {  	s3 =	sadd.s32 s20, s5;
	v35 =	vld [tilespmem:s30+$0x0];
	[tilespmem:s24+$0x80] =	vst v5  }
0x295: {  	v7 =	vadd.f32 v34, v7;
	v5 =	vld [tilespmem:s3+$0x0];
	[tilespmem:s16+$0x80] =	vst v3  }
0x296: {  	s5 =	sadd.s32 s7, s5;
	v36 =	vld [tilespmem:s19+$0x100];
	s3 =	sld [smem:$0x7E6]  }
0x297: {  	s26 =	sadd.s32 s0, s2;
	v8 =	vadd.f32 v33, v8;
	v3 =	vld [tilespmem:s5+$0x0];
	s10 =	rddreg [dreg:$0x1a];
	[tilespmem:s22+$0x100] =	vst v7  }
0x298: {  	v4 =	vadd.f32 v6, v4;
	v7 =	vld [tilespmem:s26+$0x0]  }
0x299: {  	s5 =	sadd.s32 s1, s10;
	[tilespmem:s3+$0x180] =	vst v8;
	v8 =	vld [tilespmem:s8+$0x100]  }
0x29a: {  	v38 =	vld [tilespmem:s28+$0x180];
	s30 =	sadd.s32 s17, s5;
	[tilespmem:s18+$0x180] =	vst v4  }
0x29b: {  	s15 =	sadd.s32 s25, s15;
	v4 =	vld [tilespmem:s30+$0x0];
	s30 =	sld [smem:$0x7E7]  }
0x29c: {  	v6 =	vld [tilespmem:s15+$0x0]  }
0x29d: {  	v5 =	vadd.f32 v36, v5;
	v42 =	vld [tilespmem:s21+$0x200]  }
0x29e: {  	v37 =	vld [tilespmem:s30+$0x200];
	v3 =	vadd.f32 v8, v3  }
0x29f: {  	[tilespmem:s24+$0x100] =	vst v5;
	v5 =	vld [tilespmem:s29+$0x200]  }
0x2a0: {  	s10 =	sadd.s32 s20, s2;
	v7 =	vadd.f32 v38, v7;
	v40 =	vld [tilespmem:s19+$0x180];
	[tilespmem:s16+$0x100] =	vst v3  }
0x2a1: {  	s2 =	sadd.s32 s7, s2;
	v9 =	vadd.f32 v39, v35;
	v8 =	vld [tilespmem:s10+$0x0];
	s15 =	rddreg [dreg:$0x1b]  }
0x2a2: {  	v6 =	vadd.f32 v42, v6;
	v3 =	vld [tilespmem:s2+$0x0];
	s10 =	sld [smem:$0x7E8];
	[tilespmem:s22+$0x180] =	vst v7  }
0x2a3: {  	[tilespmem:s13+$0x200] =	vst v9;
	v2 =	vadd.f32 v37, v2;
	v41 =	vld [tilespmem:s28+$0x200]  }
0x2a4: {  	[tilespmem:s3+$0x200] =	vst v6;
	v47 =	vld [tilespmem:s12+$0x280]  }
0x2a5: {  	[tilespmem:s10+$0x200] =	vst v2;
	v2 =	vld [tilespmem:s8+$0x180]  }
0x2a6: {  	v4 =	vadd.f32 v5, v4;
	s2 =	sadd.s32 s1, s15;
	s15 =	sadd.s32 s0, s5;
	v49 =	vld [tilespmem:s21+$0x280]  }
0x2a7: {  	s26 =	sadd.s32 s23, s14;
	v7 =	vld [tilespmem:s15+$0x0]  }
0x2a8: {  	[tilespmem:s18+$0x200] =	vst v4;
	v5 =	vld [tilespmem:s26+$0x0];
	s26 =	sadd.s32 s17, s2  }
0x2a9: {  	v8 =	vadd.f32 v40, v8;
	v4 =	vld [tilespmem:s26+$0x0]  }
0x2aa: {  	s15 =	sadd.s32 s31, s14;
	v2 =	vadd.f32 v2, v3;
	v3 =	vld [tilespmem:s29+$0x280]  }
0x2ab: {  	v9 =	vld [tilespmem:s15+$0x0];
	[tilespmem:s24+$0x180] =	vst v8  }
0x2ac: {  	s26 =	sadd.s32 s20, s5;
	v43 =	vld [tilespmem:s19+$0x200]  }
0x2ad: {  	s5 =	sadd.s32 s7, s5;
	v8 =	vld [tilespmem:s26+$0x0];
	[tilespmem:s16+$0x180] =	vst v2  }
0x2ae: {  	v7 =	vadd.f32 v41, v7;
	v2 =	vld [tilespmem:s5+$0x0]  }
0x2af: {  	v3 =	vadd.f32 v3, v4;
	v4 =	vld [tilespmem:s8+$0x200]  }
0x2b0: {  	s15 =	sadd.s32 s0, s2;
	v44 =	vld [tilespmem:s30+$0x280];
	s6 =	rddreg [dreg:$0x1c];
	[tilespmem:s22+$0x200] =	vst v7  }
0x2b1: {  	s5 =	sadd.s32 s1, s6;
	v7 =	vld [tilespmem:s15+$0x0]  }
0x2b2: {  	v8 =	vadd.f32 v43, v8;
	v45 =	vld [tilespmem:s28+$0x280];
	s26 =	sadd.s32 s17, s5;
	[tilespmem:s18+$0x280] =	vst v3  }
0x2b3: {  	v3 =	vld [tilespmem:s26+$0x0]  }
0x2b4: {  	[tilespmem:s24+$0x200] =	vst v8;
	v2 =	vadd.f32 v4, v2;
	v4 =	vld [tilespmem:s29+$0x300]  }
0x2b5: {  	v46 =	vld [tilespmem:s19+$0x280];
	s26 =	sadd.s32 s20, s2  }
0x2b6: {  	v5 =	vadd.f32 v44, v5;
	s2 =	sadd.s32 s7, s2;
	v8 =	vld [tilespmem:s26+$0x0];
	[tilespmem:s16+$0x200] =	vst v2  }
0x2b7: {  	v7 =	vadd.f32 v45, v7;
	v2 =	vld [tilespmem:s2+$0x0]  }
0x2b8: {  	[tilespmem:s10+$0x280] =	vst v5;
	s15 =	sadd.s32 s25, s14;
	v5 =	vld [tilespmem:s8+$0x280]  }
0x2b9: {  	v6 =	vld [tilespmem:s15+$0x0];
	s26 =	sadd.s32 s0, s5;
	s14 =	rddreg [dreg:$0x1d];
	[tilespmem:s22+$0x280] =	vst v7;
	v3 =	vadd.f32 v4, v3  }
0x2ba: {  	s2 =	sadd.s32 s1, s14;
	v7 =	vld [tilespmem:s26+$0x0]  }
0x2bb: {  	v48 =	vld [tilespmem:s28+$0x300];
	s14 =	sadd.s32 s17, s2;
	[tilespmem:s18+$0x300] =	vst v3  }
0x2bc: {  	v8 =	vadd.f32 v46, v8;
	v3 =	vld [tilespmem:s14+$0x0]  }
0x2bd: {  	s15 =	sadd.s32 s23, s4;
	v2 =	vadd.f32 v5, v2;
	v5 =	vld [tilespmem:s29+$0x380]  }
0x2be: {  	v4 =	vld [tilespmem:s15+$0x0];
	s15 =	sadd.s32 s20, s5;
	[tilespmem:s24+$0x280] =	vst v8  }
0x2bf: {  	v8 =	vld [tilespmem:s15+$0x0]  }
0x2c0: {  	v9 =	vadd.f32 v47, v9;
	s5 =	sadd.s32 s7, s5;
	v50 =	vld [tilespmem:s19+$0x300];
	[tilespmem:s16+$0x280] =	vst v2  }
0x2c1: {  	v7 =	vadd.f32 v48, v7;
	v2 =	vld [tilespmem:s5+$0x0]  }
0x2c2: {  	[tilespmem:s13+$0x280] =	vst v9;
	v51 =	vld [tilespmem:s8+$0x300];
	v3 =	vadd.f32 v5, v3  }
0x2c3: {  	v54 =	vld [tilespmem:s30+$0x300];
	s29 =	rddreg [dreg:$0x1e];
	[tilespmem:s22+$0x300] =	vst v7  }
0x2c4: {  	s26 =	smov.u32 s12;
	s14 =	sadd.s32 s0, s2;
	v7 =	vld [tilespmem:s28+$0x380];
	[tilespmem:s18+$0x380] =	vst v3  }
0x2c5: {  	s12 =	sadd.s32 s31, s4;
	s6 =	sadd.s32 s1, s29;
	v8 =	vadd.f32 v50, v8;
	v5 =	vld [tilespmem:s14+$0x0];
	s15 =	sld [smem:$0x7E9]  }
0x2c6: {  	v52 =	vld [tilespmem:s12+$0x0];
	s18 =	sadd.s32 s17, s6  }
0x2c7: {  	s29 =	sadd.s32 s20, s2;
	v3 =	vadd.f32 v49, v6;
	v6 =	vld [tilespmem:s18+$0x0];
	v2 =	vadd.f32 v51, v2;
	[tilespmem:s24+$0x300] =	vst v8  }
0x2c8: {  	v8 =	vld [tilespmem:s29+$0x0];
	s14 =	sadd.s32 $0x1800, s15  }
0x2c9: {  	[tilespmem:s16+$0x300] =	vst v2;
	v2 =	vld [tilespmem:s19+$0x380];
	s5 =	sadd.s32 s17, s14  }
0x2ca: {  	s2 =	sadd.s32 s7, s2;
	[tilespmem:s3+$0x280] =	vst v3;
	v5 =	vadd.f32 v7, v5;
	v3 =	vld [tilespmem:s5+$0x0]  }
0x2cb: {  	v7 =	vld [tilespmem:s2+$0x0]  }
0x2cc: {  	s12 =	smov.u32 s3;
	s3 =	rddreg [dreg:$0x1f];
	[tilespmem:s22+$0x380] =	vst v5;
	v5 =	vld [tilespmem:s8+$0x380]  }
0x2cd: {  	s4 =	sadd.s32 s25, s4;
	v56 =	vld [tilespmem:s26+$0x300]  }
0x2ce: {  	v53 =	vld [tilespmem:s4+$0x0];
	s28 =	sadd.s32 s0, s14;
	v2 =	vadd.f32 v2, v8  }
0x2cf: {  	s11 =	sadd.s32 $0x1800, s11;
	s15 =	sadd.s32 s0, s6;
	v8 =	vld [tilespmem:s28+$0x0];
	v3 =	vadd.f32 v3, v6  }
0x2d0: {  	s19 =	sadd.s32 s20, s6;
	s4 =	sadd.s32 s1, s3;
	[tilespmem:s24+$0x380] =	vst v2;
	v6 =	vld [tilespmem:s15+$0x0];
	s15 =	sadd.s32 s17, s11  }
0x2d1: {  	s18 =	sadd.s32 s17, s4;
	v2 =	vadd.f32 v5, v7;
	v7 =	vld [tilespmem:s19+$0x0];
	[tilespmem:s15+$0x0] =	vst v3  }
0x2d2: {  	v3 =	vld [tilespmem:s18+$0x0]  }
0x2d3: {  	[tilespmem:s16+$0x380] =	vst v2;
	v2 =	vadd.f32 v54, v4;
	v5 =	vld [tilespmem:s5+$0x80];
	s18 =	sadd.s32 s20, s14  }
0x2d4: {  	s6 =	sadd.s32 s7, s6;
	v4 =	vld [tilespmem:s18+$0x0]  }
0x2d5: {  	v55 =	vld [tilespmem:s6+$0x0];
	s6 =	sadd.s32 s7, s14;
	[tilespmem:s10+$0x300] =	vst v2;
	v2 =	vadd.f32 v8, v6  }
0x2d6: {  	s16 =	sadd.s32 s0, s11;
	s22 =	sld [smem:$0x7EA];
	v6 =	vld [tilespmem:s6+$0x0]  }
0x2d7: {  	v57 =	vld [tilespmem:s21+$0x300];
	s24 =	sadd.s32 s0, s4;
	[tilespmem:s16+$0x0] =	vst v2  }
0x2d8: {  	v3 =	vadd.f32 v5, v3;
	v2 =	vld [tilespmem:s24+$0x0]  }
0x2d9: {  	s8 =	sadd.s32 s1, s22;
	v4 =	vadd.f32 v4, v7;
	v7 =	vld [tilespmem:s28+$0x80]  }
0x2da: {  	s14 =	sadd.s32 s20, s11;
	s29 =	sadd.s32 s17, s8;
	v5 =	vld [tilespmem:s30+$0x380];
	[tilespmem:s15+$0x80] =	vst v3  }
0x2db: {  	v3 =	vld [tilespmem:s29+$0x0];
	[tilespmem:s14+$0x0] =	vst v4;
	v4 =	vadd.f32 v6, v55  }
0x2dc: {  	s3 =	sadd.s32 s7, s11;
	s30 =	sadd.s32 s20, s4;
	v58 =	vld [tilespmem:s5+$0x100]  }
0x2dd: {  	s11 =	sadd.s32 s7, s4;
	v6 =	vld [tilespmem:s30+$0x0];
	[tilespmem:s3+$0x0] =	vst v4  }
0x2de: {  	v4 =	vld [tilespmem:s11+$0x0];
	v2 =	vadd.f32 v7, v2  }
0x2df: {  	v7 =	vld [tilespmem:s18+$0x80]  }
0x2e0: {  	s22 =	sadd.s32 s0, s8;
	s19 =	sld [smem:$0x7EB];
	[tilespmem:s16+$0x80] =	vst v2;
	v2 =	vld [tilespmem:s6+$0x80]  }
0x2e1: {  	v10 =	vadd.f32 v56, v52;
	v59 =	vld [tilespmem:s22+$0x0]  }
0x2e2: {  	v60 =	vld [tilespmem:s28+$0x100]  }
0x2e3: {  	[tilespmem:s13+$0x300] =	vst v10;
	v9 =	vadd.f32 v57, v53  }
0x2e4: {  	s23 =	sadd.s32 s23, s9;
	v62 =	vld [tilespmem:s26+$0x380];
	v3 =	vadd.f32 v58, v3  }
0x2e5: {  	[tilespmem:s12+$0x300] =	vst v9;
	v8 =	vld [tilespmem:s23+$0x0];
	s23 =	sadd.s32 s31, s9;
	s2 =	sadd.s32 s1, s19;
	v6 =	vadd.f32 v7, v6  }
0x2e6: {  	v61 =	vld [tilespmem:s23+$0x0];
	s24 =	sadd.s32 s25, s9;
	[tilespmem:s15+$0x100] =	vst v3;
	s25 =	sadd.s32 s17, s2;
	v3 =	vadd.f32 v2, v4  }
0x2e7: {  	v7 =	vld [tilespmem:s25+$0x0];
	[tilespmem:s14+$0x80] =	vst v6;
	v6 =	vadd.f32 v60, v59  }
0x2e8: {  	v63 =	vld [tilespmem:s5+$0x180];
	[tilespmem:s3+$0x80] =	vst v3  }
0x2e9: {  	s26 =	sadd.s32 s20, s8;
	v2 =	vld [tilespmem:s24+$0x0];
	s29 =	sld [smem:$0x7EC];
	[tilespmem:s16+$0x100] =	vst v6  }
0x2ea: {  	s8 =	sadd.s32 s7, s8;
	v4 =	vld [tilespmem:s26+$0x0];
	s31 =	sld [smem:$0x7ED]  }
0x2eb: {  	v1 =	vadd.f32 v1, v0;
	v3 =	vld [tilespmem:s8+$0x0]  }
0x2ec: {  	v5 =	vadd.f32 v5, v8;
	s30 =	sadd.s32 s0, s2;
	v6 =	vld [tilespmem:s18+$0x100]  }
0x2ed: {  	v0 =	vld [tilespmem:s30+$0x0];
	[tilespmem:s31+$0x380] =	vst v1;
	v1 =	vadd.f32 v62, v61  }
0x2ee: {  	s23 =	simm.s32 $0x4;
	s22 =	smov.u32 s12;
	[tilespmem:s10+$0x380] =	vst v5;
	v5 =	vld [tilespmem:s6+$0x100]  }
0x2ef: {  	s25 =	sadd.s32 s7, s2;
	s8 =	sadd.s32 s20, s2;
	v7 =	vadd.f32 v63, v7;
	s4 =	sadd.s32 s1, s29;
	[tilespmem:s13+$0x380] =	vst v1;
	v1 =	vld [tilespmem:s28+$0x180]  }
.LBB2_3:
0x2f0: {  	[smem:$0x7C7] =	sst s28  }
0x2f1: {  	[smem:$0x7CA] =	sst s18  }
0x2f2: {  	s24 =	sld [smem:$0x7DA]  }
0x2f3: {  	s12 =	sld [smem:$0x7D9]  }
0x2f4: {  	s10 =	rddreg [dreg:$0x5];
	s9 =	sadd.s32 s17, s4;
	[tilespmem:s15+$0x180] =	vst v7  }
0x2f5: {  	s2 =	sadd.s32 s0, s4;
	s11 =	rddreg [dreg:$0x6];
	s26 =	sadd.s32 s20, s4;
	v7 =	vld [tilespmem:s9+$0x0];
	v4 =	vadd.f32 v6, v4  }
0x2f6: {  	[smem:$0x7C6] =	sst s2;
	s9 =	sadd.s32 $0x200, s24;
	s12 =	sadd.s32 $0x40, s12;
	v6 =	vld [tilespmem:s21+$0x380]  }
0x2f7: {  	[smem:$0x7C8] =	sst s26;
	s21 =	sand.u32 $0x40, s12;
	s19 =	sand.u32 $0x400, s9;
	[tilespmem:s14+$0x100] =	vst v4;
	v4 =	vld [tilespmem:s5+$0x200]  }
0x2f8: {  	s26 =	sld [smem:$0x7DF];
	v3 =	vadd.f32 v5, v3;
	s10 =	sadd.s32 s19, s10;
	s30 =	sor.u32 $0x30, s21;
	v5 =	vld [tilespmem:s8+$0x0]  }
0x2f9: {  	[smem:$0x7D9] =	sst s12;
	v0 =	vadd.f32 v1, v0;
	s29 =	sadd.s32 s19, s11;
	s24 =	sadd.s32 s30, s10;
	v1 =	vld [tilespmem:s18+$0x180]  }
0x2fa: {  	s2 =	smov.u32 s3;
	[smem:$0x7DA] =	sst s9;
	[tilespmem:s3+$0x100] =	vst v3;
	s12 =	sadd.s32 s30, s29;
	v3 =	vld [tilespmem:s24+$0x0]  }
0x2fb: {  	s9 =	smov.u32 s23;
	s23 =	sor.u32 $0x10, s21;
	s13 =	sadd.s32 s21, s10;
	[tilespmem:s16+$0x180] =	vst v0;
	v2 =	vadd.f32 v6, v2;
	v6 =	vld [tilespmem:s12+$0x0]  }
0x2fc: {  	[smem:$0x7C9] =	sst s29;
	s31 =	sadd.s32 s23, s10;
	s18 =	sadd.s32 s21, s29;
	v0 =	vld [tilespmem:s13+$0x0];
	v4 =	vadd.f32 v4, v7  }
0x2fd: {  	s28 =	sadd.s32 s23, s29;
	s3 =	sld [smem:$0x7DB];
	s13 =	sadd.s32 s1, s26;
	[tilespmem:s22+$0x380] =	vst v2;
	v2 =	vld [tilespmem:s18+$0x0]  }
0x2fe: {  	s8 =	sor.u32 $0x20, s21;
	s26 =	smov.u32 s6;
	v7 =	vld [tilespmem:s31+$0x0];
	s22 =	sadd.s32 s17, s13;
	v1 =	vadd.f32 v1, v5;
	[tilespmem:s15+$0x200] =	vst v4  }
0x2ff: {  	s6 =	rddreg [dreg:$0x7];
	s24 =	sadd.s32 s8, s10;
	s10 =	sadd.s32 s7, s4;
	v4 =	vld [tilespmem:s22+$0x0]  }
0x300: {  	s29 =	sadd.s32 s8, s29;
	[smem:$0x7CC] =	sst s10;
	s10 =	sadd.s32 s19, s3;
	v3 =	vadd.f32 v6, v3;
	[tilespmem:s14+$0x180] =	vst v1;
	v1 =	vld [tilespmem:s5+$0x280]  }
0x301: {  	s4 =	sadd.s32 s30, s10;
	s22 =	sadd.s32 s19, s6;
	v6 =	vld [tilespmem:s29+$0x0]  }
0x302: {  	s11 =	sadd.s32 s0, s13;
	s3 =	sld [smem:$0x7E0];
	v5 =	vld [tilespmem:s28+$0x0];
	s6 =	sadd.s32 s30, s22;
	v0 =	vadd.f32 v2, v0;
	[tilespmem:s4+$0x0] =	vst v3  }
0x303: {  	[smem:$0x7CD] =	sst s11;
	s11 =	sadd.s32 s21, s10;
	v3 =	vld [tilespmem:s6+$0x0]  }
0x304: {  	[smem:$0x7E3] =	sst s26;
	s26 =	sadd.s32 s20, s13;
	[tilespmem:s11+$0x0] =	vst v0;
	v0 =	vld [tilespmem:s12+$0x80]  }
0x305: {  	[smem:$0x7CE] =	sst s26;
	s26 =	sadd.s32 s21, s22;
	v2 =	vld [tilespmem:s24+$0x0];
	s24 =	sadd.s32 s1, s3;
	v1 =	vadd.f32 v1, v4  }
0x306: {  	s6 =	sadd.s32 s0, s24;
	v4 =	vld [tilespmem:s26+$0x0]  }
0x307: {  	[smem:$0x7D0] =	sst s6;
	s6 =	smov.u32 s16;
	s16 =	sadd.s32 s17, s24;
	v5 =	vadd.f32 v5, v7;
	v7 =	vld [tilespmem:s18+$0x80];
	[tilespmem:s15+$0x280] =	vst v1  }
0x308: {  	[smem:$0x7CB] =	sst s14;
	s31 =	sadd.s32 s7, s13;
	s13 =	sadd.s32 s23, s10;
	v1 =	vld [tilespmem:s16+$0x0]  }
0x309: {  	[smem:$0x7CF] =	sst s31;
	s14 =	sadd.s32 s23, s22;
	[tilespmem:s13+$0x0] =	vst v5;
	v0 =	vadd.f32 v0, v3;
	v3 =	vld [tilespmem:s5+$0x300]  }
0x30a: {  	s3 =	sadd.s32 s20, s24;
	s26 =	rddreg [dreg:$0x8];
	v5 =	vld [tilespmem:s14+$0x0]  }
0x30b: {  	[smem:$0x7D1] =	sst s3;
	s3 =	sadd.s32 s19, s26;
	v2 =	vadd.f32 v6, v2;
	v6 =	vld [tilespmem:s28+$0x80]  }
0x30c: {  	s31 =	sadd.s32 s8, s10;
	s24 =	sadd.s32 s7, s24;
	s26 =	sadd.s32 s30, s3;
	[tilespmem:s4+$0x80] =	vst v0  }
0x30d: {  	s22 =	sadd.s32 s8, s22;
	[smem:$0x7D2] =	sst s24;
	s24 =	sadd.s32 s23, s3;
	[tilespmem:s31+$0x0] =	vst v2;
	v0 =	vadd.f32 v7, v4;
	v2 =	vld [tilespmem:s26+$0x0]  }
0x30e: {  	s16 =	sadd.s32 s8, s3;
	s14 =	sadd.s32 s21, s3;
	s3 =	sld [smem:$0x7E2];
	v4 =	vld [tilespmem:s12+$0x100]  }
0x30f: {  	[tilespmem:s11+$0x80] =	vst v0;
	v0 =	vld [tilespmem:s22+$0x0];
	v1 =	vadd.f32 v3, v1  }
0x310: {  	v3 =	vld [tilespmem:s29+$0x80];
	v5 =	vadd.f32 v6, v5  }
0x311: {  	s22 =	sadd.s32 s1, s3;
	v7 =	vld [tilespmem:s14+$0x0];
	[tilespmem:s15+$0x300] =	vst v1  }
0x312: {  	s1 =	smov.u32 s19;
	s19 =	sadd.s32 s17, s22;
	[tilespmem:s13+$0x80] =	vst v5;
	v5 =	vld [tilespmem:s18+$0x100]  }
0x313: {  	v1 =	vld [tilespmem:s19+$0x0]  }
0x314: {  	s26 =	rddreg [dreg:$0x9];
	v2 =	vadd.f32 v4, v2;
	v4 =	vld [tilespmem:s5+$0x380]  }
0x315: {  	s3 =	sadd.s32 s0, s22;
	s17 =	smov.u32 s30;
	s26 =	sadd.s32 s1, s26;
	v6 =	vld [tilespmem:s24+$0x0]  }
0x316: {  	[smem:$0x7D3] =	sst s3;
	s3 =	smov.u32 s2;
	s2 =	sadd.s32 s17, s26;
	v0 =	vadd.f32 v3, v0;
	[tilespmem:s4+$0x100] =	vst v2;
	v3 =	vld [tilespmem:s28+$0x100]  }
0x317: {  	v2 =	vld [tilespmem:s2+$0x0]  }
0x318: {  	[tilespmem:s31+$0x80] =	vst v0;
	v0 =	vld [tilespmem:s12+$0x180]  }
0x319: {  	v1 =	vadd.f32 v4, v1;
	v4 =	vadd.f32 v5, v7;
	v5 =	vld [tilespmem:s16+$0x0]  }
0x31a: {  	s20 =	sadd.s32 s20, s22;
	v7 =	vld [tilespmem:s29+$0x100]  }
0x31b: {  	s22 =	sadd.s32 s7, s22;
	s0 =	smov.u32 s21;
	[smem:$0x7D4] =	sst s20;
	[tilespmem:s15+$0x380] =	vst v1  }
0x31c: {  	[smem:$0x7D5] =	sst s22;
	s30 =	sadd.s32 s0, s26;
	[tilespmem:s11+$0x100] =	vst v4;
	v1 =	vld [tilespmem:s25+$0x0];
	v3 =	vadd.f32 v3, v6  }
0x31d: {  	s20 =	smov.u32 s23;
	s22 =	sld [smem:$0x7E3];
	v4 =	vld [tilespmem:s30+$0x0]  }
0x31e: {  	s23 =	sadd.s32 $0x4, s9;
	s9 =	rddreg [dreg:$0xa];
	s14 =	sadd.s32 s20, s26;
	v0 =	vadd.f32 v0, v2;
	v2 =	vld [tilespmem:s18+$0x180];
	[tilespmem:s13+$0x100] =	vst v3  }
0x31f: {  	s19 =	sadd.s32 s1, s9;
	v3 =	vadd.f32 v7, v5;
	v7 =	vld [tilespmem:s14+$0x0]  }
0x320: {  	s16 =	sadd.s32 s17, s19;
	[tilespmem:s4+$0x180] =	vst v0;
	v0 =	vld [tilespmem:s22+$0x180]  }
0x321: {  	v5 =	vld [tilespmem:s16+$0x0]  }
0x322: {  	s7 =	smov.u32 s8;
	v6 =	vld [tilespmem:s12+$0x200]  }
0x323: {  	s5 =	sadd.s32 s7, s26;
	[tilespmem:s31+$0x100] =	vst v3;
	v3 =	vld [tilespmem:s28+$0x180];
	v2 =	vadd.f32 v2, v4  }
0x324: {  	v4 =	vld [tilespmem:s5+$0x0]  }
0x325: {  	s21 =	sadd.s32 s0, s19;
	v0 =	vadd.f32 v0, v1;
	[tilespmem:s11+$0x180] =	vst v2;
	v1 =	vld [tilespmem:s29+$0x180]  }
0x326: {  	v2 =	vld [tilespmem:s21+$0x0];
	s21 =	sld [smem:$0x7C6]  }
0x327: {  	s25 =	rddreg [dreg:$0xb];
	v5 =	vadd.f32 v6, v5  }
0x328: {  	s26 =	sadd.s32 s1, s25;
	[tilespmem:s3+$0x180] =	vst v0;
	v0 =	vld [tilespmem:s18+$0x200]  }
0x329: {  	s24 =	sadd.s32 s20, s19;
	s2 =	sadd.s32 s7, s19;
	s19 =	sadd.s32 s17, s26;
	v3 =	vadd.f32 v3, v7;
	[tilespmem:s4+$0x200] =	vst v5;
	v5 =	vld [tilespmem:s21+$0x0]  }
0x32a: {  	v6 =	vld [tilespmem:s19+$0x0]  }
0x32b: {  	[tilespmem:s13+$0x180] =	vst v3;
	v3 =	vld [tilespmem:s12+$0x280];
	v1 =	vadd.f32 v1, v4  }
0x32c: {  	v4 =	vld [tilespmem:s24+$0x0]  }
0x32d: {  	v0 =	vadd.f32 v0, v2;
	v2 =	vld [tilespmem:s28+$0x200];
	[tilespmem:s31+$0x180] =	vst v1  }
0x32e: {  	s30 =	sadd.s32 s0, s26;
	v1 =	vld [tilespmem:s2+$0x0]  }
0x32f: {  	s14 =	sadd.s32 s20, s26;
	s5 =	sadd.s32 s7, s26;
	s26 =	sld [smem:$0x7C7];
	[tilespmem:s11+$0x200] =	vst v0;
	v0 =	vld [tilespmem:s29+$0x200]  }
0x330: {  	s24 =	rddreg [dreg:$0xc];
	v3 =	vadd.f32 v3, v6;
	v7 =	vld [tilespmem:s30+$0x0]  }
0x331: {  	s25 =	sadd.s32 s1, s24;
	v6 =	vld [tilespmem:s18+$0x280]  }
0x332: {  	s9 =	sadd.s32 s17, s25;
	[tilespmem:s4+$0x280] =	vst v3;
	v3 =	vld [tilespmem:s26+$0x200];
	v2 =	vadd.f32 v2, v4  }
0x333: {  	v4 =	vld [tilespmem:s9+$0x0]  }
0x334: {  	[tilespmem:s13+$0x200] =	vst v2;
	v0 =	vadd.f32 v0, v1;
	v1 =	vld [tilespmem:s12+$0x300]  }
0x335: {  	v2 =	vld [tilespmem:s14+$0x0]  }
0x336: {  	v6 =	vadd.f32 v6, v7;
	v7 =	vld [tilespmem:s28+$0x280];
	[tilespmem:s31+$0x200] =	vst v0  }
0x337: {  	v0 =	vld [tilespmem:s5+$0x0]  }
0x338: {  	s30 =	sadd.s32 s0, s25;
	v3 =	vadd.f32 v3, v5;
	[tilespmem:s11+$0x280] =	vst v6;
	v5 =	vld [tilespmem:s29+$0x280]  }
0x339: {  	v6 =	vld [tilespmem:s30+$0x0];
	s30 =	sld [smem:$0x7C8]  }
0x33a: {  	s19 =	rddreg [dreg:$0xd];
	[tilespmem:s6+$0x200] =	vst v3;
	v1 =	vadd.f32 v1, v4  }
0x33b: {  	s21 =	sadd.s32 s1, s19;
	v3 =	vld [tilespmem:s18+$0x300]  }
0x33c: {  	s15 =	sadd.s32 s20, s25;
	s2 =	sadd.s32 s7, s25;
	s25 =	sadd.s32 s17, s21;
	v2 =	vadd.f32 v7, v2;
	[tilespmem:s4+$0x300] =	vst v1;
	v1 =	vld [tilespmem:s30+$0x0]  }
0x33d: {  	v4 =	vld [tilespmem:s25+$0x0]  }
0x33e: {  	[tilespmem:s13+$0x280] =	vst v2;
	v0 =	vadd.f32 v5, v0;
	v2 =	vld [tilespmem:s12+$0x380]  }
0x33f: {  	v5 =	vld [tilespmem:s15+$0x0]  }
0x340: {  	v3 =	vadd.f32 v3, v6;
	v6 =	vld [tilespmem:s28+$0x300];
	[tilespmem:s31+$0x280] =	vst v0  }
0x341: {  	v0 =	vld [tilespmem:s2+$0x0]  }
0x342: {  	s24 =	sadd.s32 s0, s21;
	s30 =	sld [smem:$0x7C9];
	[tilespmem:s11+$0x300] =	vst v3;
	v3 =	vld [tilespmem:s29+$0x300]  }
0x343: {  	v7 =	vld [tilespmem:s24+$0x0];
	s24 =	sld [smem:$0x7CA]  }
0x344: {  	s19 =	rddreg [dreg:$0xe];
	v2 =	vadd.f32 v2, v4;
	v4 =	vld [tilespmem:s18+$0x380]  }
0x345: {  	s14 =	sadd.s32 s20, s21;
	s5 =	sadd.s32 s7, s21;
	s21 =	sadd.s32 s1, s19  }
0x346: {  	s19 =	sadd.s32 s17, s21;
	s18 =	sadd.s32 $0x800, s30;
	v5 =	vadd.f32 v6, v5;
	[tilespmem:s4+$0x380] =	vst v2;
	v2 =	vld [tilespmem:s24+$0x200]  }
0x347: {  	s4 =	sadd.s32 s17, s18;
	v6 =	vld [tilespmem:s19+$0x0]  }
0x348: {  	[tilespmem:s13+$0x300] =	vst v5;
	v0 =	vadd.f32 v3, v0;
	v3 =	vld [tilespmem:s4+$0x0]  }
0x349: {  	v5 =	vld [tilespmem:s14+$0x0];
	v4 =	vadd.f32 v4, v7  }
0x34a: {  	s16 =	sadd.s32 s20, s21;
	v7 =	vld [tilespmem:s28+$0x380];
	[tilespmem:s31+$0x300] =	vst v0  }
0x34b: {  	s25 =	sadd.s32 s0, s21;
	s19 =	sadd.s32 s7, s21;
	s21 =	rddreg [dreg:$0xf];
	v0 =	vld [tilespmem:s5+$0x0];
	[tilespmem:s11+$0x380] =	vst v4  }
0x34c: {  	v4 =	vld [tilespmem:s25+$0x0];
	s25 =	sld [smem:$0x7CB]  }
0x34d: {  	s8 =	sadd.s32 s1, s21;
	s21 =	sld [smem:$0x7CC];
	v1 =	vadd.f32 v2, v1;
	v2 =	vld [tilespmem:s29+$0x380]  }
0x34e: {  	s12 =	sadd.s32 s0, s18;
	s14 =	sadd.s32 $0x800, s10;
	v3 =	vadd.f32 v3, v6  }
0x34f: {  	s28 =	sadd.s32 s17, s14;
	[tilespmem:s25+$0x200] =	vst v1;
	v1 =	vld [tilespmem:s12+$0x0]  }
0x350: {  	s9 =	sadd.s32 s17, s8;
	v5 =	vadd.f32 v7, v5;
	[tilespmem:s28+$0x0] =	vst v3;
	v3 =	vld [tilespmem:s21+$0x0]  }
0x351: {  	v6 =	vld [tilespmem:s9+$0x0]  }
0x352: {  	[tilespmem:s13+$0x380] =	vst v5;
	v0 =	vadd.f32 v2, v0;
	v2 =	vld [tilespmem:s4+$0x80]  }
0x353: {  	s15 =	sadd.s32 s20, s18;
	v5 =	vld [tilespmem:s16+$0x0]  }
0x354: {  	[tilespmem:s31+$0x380] =	vst v0;
	v1 =	vadd.f32 v1, v4;
	v4 =	vld [tilespmem:s15+$0x0]  }
0x355: {  	s18 =	sadd.s32 s7, s18;
	s2 =	sadd.s32 s0, s14;
	v0 =	vld [tilespmem:s19+$0x0]  }
0x356: {  	s29 =	sadd.s32 s0, s8;
	[tilespmem:s2+$0x0] =	vst v1;
	v1 =	vld [tilespmem:s18+$0x0]  }
0x357: {  	s16 =	rddreg [dreg:$0x10];
	v2 =	vadd.f32 v2, v6;
	v7 =	vld [tilespmem:s29+$0x0]  }
0x358: {  	s9 =	sadd.s32 s1, s16;
	v6 =	vld [tilespmem:s12+$0x80]  }
0x359: {  	s29 =	sadd.s32 s17, s9;
	[tilespmem:s28+$0x80] =	vst v2;
	v2 =	vld [tilespmem:s22+$0x200];
	v4 =	vadd.f32 v4, v5  }
0x35a: {  	s11 =	sadd.s32 s20, s14;
	v5 =	vld [tilespmem:s29+$0x0]  }
0x35b: {  	s21 =	sadd.s32 s20, s8;
	[tilespmem:s11+$0x0] =	vst v4;
	v0 =	vadd.f32 v1, v0;
	v1 =	vld [tilespmem:s4+$0x100]  }
0x35c: {  	s5 =	sadd.s32 s7, s14;
	v4 =	vld [tilespmem:s21+$0x0]  }
0x35d: {  	s8 =	sadd.s32 s7, s8;
	v6 =	vadd.f32 v6, v7;
	v7 =	vld [tilespmem:s15+$0x80];
	[tilespmem:s5+$0x0] =	vst v0  }
0x35e: {  	v0 =	vld [tilespmem:s8+$0x0]  }
0x35f: {  	s31 =	rddreg [dreg:$0x11];
	s19 =	sadd.s32 s0, s9;
	v2 =	vadd.f32 v2, v3;
	[tilespmem:s2+$0x80] =	vst v6;
	v3 =	vld [tilespmem:s18+$0x80]  }
0x360: {  	v6 =	vld [tilespmem:s19+$0x0];
	s19 =	sadd.s32 s1, s31;
	s31 =	sld [smem:$0x7CD]  }
0x361: {  	v1 =	vadd.f32 v1, v5  }
0x362: {  	[tilespmem:s3+$0x200] =	vst v2;
	v2 =	vld [tilespmem:s12+$0x100]  }
0x363: {  	s29 =	sadd.s32 s17, s19;
	v4 =	vadd.f32 v7, v4;
	[tilespmem:s28+$0x100] =	vst v1;
	v1 =	vld [tilespmem:s31+$0x0]  }
0x364: {  	v5 =	vld [tilespmem:s29+$0x0]  }
0x365: {  	s14 =	sadd.s32 s20, s9;
	[tilespmem:s11+$0x80] =	vst v4;
	v0 =	vadd.f32 v3, v0;
	v3 =	vld [tilespmem:s4+$0x180]  }
0x366: {  	v4 =	vld [tilespmem:s14+$0x0]  }
0x367: {  	s9 =	sadd.s32 s7, s9;
	v2 =	vadd.f32 v2, v6;
	v6 =	vld [tilespmem:s15+$0x100];
	[tilespmem:s5+$0x80] =	vst v0  }
0x368: {  	v0 =	vld [tilespmem:s9+$0x0]  }
0x369: {  	s13 =	sadd.s32 s0, s19;
	[tilespmem:s2+$0x100] =	vst v2;
	v2 =	vld [tilespmem:s18+$0x100]  }
0x36a: {  	s29 =	rddreg [dreg:$0x12];
	v7 =	vld [tilespmem:s13+$0x0];
	v3 =	vadd.f32 v3, v5  }
0x36b: {  	s21 =	smov.u32 s3;
	s8 =	sadd.s32 s1, s29;
	v5 =	vld [tilespmem:s12+$0x180]  }
0x36c: {  	s16 =	sadd.s32 s20, s19;
	s3 =	sadd.s32 s7, s19;
	s19 =	sadd.s32 s17, s8;
	v4 =	vadd.f32 v6, v4;
	[tilespmem:s28+$0x180] =	vst v3;
	v3 =	vld [tilespmem:s26+$0x280]  }
0x36d: {  	v6 =	vld [tilespmem:s19+$0x0]  }
0x36e: {  	[tilespmem:s11+$0x100] =	vst v4;
	v0 =	vadd.f32 v2, v0;
	v2 =	vld [tilespmem:s4+$0x200]  }
0x36f: {  	v4 =	vld [tilespmem:s16+$0x0]  }
0x370: {  	v5 =	vadd.f32 v5, v7;
	v7 =	vld [tilespmem:s15+$0x180];
	[tilespmem:s5+$0x100] =	vst v0  }
0x371: {  	s29 =	rddreg [dreg:$0x13];
	v0 =	vld [tilespmem:s3+$0x0];
	v1 =	vadd.f32 v3, v1  }
0x372: {  	s31 =	sadd.s32 s0, s8;
	s16 =	sadd.s32 s1, s29;
	s29 =	sld [smem:$0x7CE];
	[tilespmem:s2+$0x180] =	vst v5;
	v3 =	vld [tilespmem:s18+$0x180]  }
0x373: {  	v5 =	vld [tilespmem:s31+$0x0];
	v2 =	vadd.f32 v2, v6;
	[tilespmem:s6+$0x280] =	vst v1  }
0x374: {  	v1 =	vld [tilespmem:s12+$0x200]  }
0x375: {  	s19 =	sadd.s32 s17, s16;
	v4 =	vadd.f32 v7, v4;
	[tilespmem:s28+$0x200] =	vst v2;
	v2 =	vld [tilespmem:s29+$0x0]  }
0x376: {  	v6 =	vld [tilespmem:s19+$0x0]  }
0x377: {  	s13 =	sadd.s32 s20, s8;
	[tilespmem:s11+$0x180] =	vst v4;
	v0 =	vadd.f32 v3, v0;
	v3 =	vld [tilespmem:s4+$0x280]  }
0x378: {  	v4 =	vld [tilespmem:s13+$0x0]  }
0x379: {  	s8 =	sadd.s32 s7, s8;
	[tilespmem:s5+$0x180] =	vst v0;
	v1 =	vadd.f32 v1, v5;
	v5 =	vld [tilespmem:s15+$0x200]  }
0x37a: {  	v0 =	vld [tilespmem:s8+$0x0]  }
0x37b: {  	s9 =	sadd.s32 s0, s16;
	[tilespmem:s2+$0x200] =	vst v1;
	v1 =	vld [tilespmem:s18+$0x200]  }
0x37c: {  	s13 =	rddreg [dreg:$0x14];
	v3 =	vadd.f32 v3, v6;
	v7 =	vld [tilespmem:s9+$0x0]  }
0x37d: {  	s31 =	smov.u32 s6;
	s6 =	sadd.s32 s1, s13;
	v6 =	vld [tilespmem:s12+$0x280]  }
0x37e: {  	s19 =	sadd.s32 s17, s6;
	[tilespmem:s28+$0x280] =	vst v3;
	v3 =	vld [tilespmem:s24+$0x280];
	v4 =	vadd.f32 v5, v4  }
0x37f: {  	v5 =	vld [tilespmem:s19+$0x0]  }
0x380: {  	s14 =	sadd.s32 s20, s16;
	[tilespmem:s11+$0x200] =	vst v4;
	v0 =	vadd.f32 v1, v0;
	v1 =	vld [tilespmem:s4+$0x300]  }
0x381: {  	v4 =	vld [tilespmem:s14+$0x0]  }
0x382: {  	s3 =	sadd.s32 s7, s16;
	v6 =	vadd.f32 v6, v7;
	v7 =	vld [tilespmem:s15+$0x280];
	[tilespmem:s5+$0x200] =	vst v0  }
0x383: {  	s29 =	rddreg [dreg:$0x15];
	v0 =	vld [tilespmem:s3+$0x0]  }
0x384: {  	s16 =	sadd.s32 s0, s6;
	s8 =	sadd.s32 s1, s29;
	s29 =	sld [smem:$0x7CF];
	v2 =	vadd.f32 v3, v2;
	[tilespmem:s2+$0x280] =	vst v6;
	v3 =	vld [tilespmem:s18+$0x280]  }
0x385: {  	v6 =	vld [tilespmem:s16+$0x0];
	v1 =	vadd.f32 v1, v5  }
0x386: {  	[tilespmem:s25+$0x280] =	vst v2;
	v2 =	vld [tilespmem:s12+$0x300]  }
0x387: {  	s13 =	sadd.s32 s17, s8;
	v4 =	vadd.f32 v7, v4;
	[tilespmem:s28+$0x300] =	vst v1;
	v1 =	vld [tilespmem:s29+$0x0]  }
0x388: {  	v5 =	vld [tilespmem:s13+$0x0]  }
0x389: {  	s9 =	sadd.s32 s20, s6;
	[tilespmem:s11+$0x280] =	vst v4;
	v0 =	vadd.f32 v3, v0;
	v3 =	vld [tilespmem:s4+$0x380]  }
0x38a: {  	v4 =	vld [tilespmem:s9+$0x0]  }
0x38b: {  	s6 =	sadd.s32 s7, s6;
	v2 =	vadd.f32 v2, v6;
	v6 =	vld [tilespmem:s15+$0x300];
	[tilespmem:s5+$0x280] =	vst v0  }
0x38c: {  	v0 =	vld [tilespmem:s6+$0x0]  }
0x38d: {  	s19 =	sadd.s32 s0, s8;
	[tilespmem:s2+$0x300] =	vst v2;
	v2 =	vld [tilespmem:s18+$0x300]  }
0x38e: {  	v7 =	vld [tilespmem:s19+$0x0];
	v3 =	vadd.f32 v3, v5  }
0x38f: {  	s13 =	rddreg [dreg:$0x16];
	v5 =	vld [tilespmem:s12+$0x380]  }
0x390: {  	s16 =	sadd.s32 s1, s13;
	[tilespmem:s28+$0x380] =	vst v3;
	v3 =	vld [tilespmem:s22+$0x280]  }
0x391: {  	s29 =	sadd.s32 $0x1000, s30;
	s4 =	sadd.s32 s17, s16;
	v4 =	vadd.f32 v6, v4  }
0x392: {  	v6 =	vld [tilespmem:s4+$0x0];
	s4 =	sadd.s32 s17, s29  }
0x393: {  	s14 =	sadd.s32 s20, s8;
	[tilespmem:s11+$0x300] =	vst v4;
	v0 =	vadd.f32 v2, v0;
	v2 =	vld [tilespmem:s4+$0x0]  }
0x394: {  	v4 =	vld [tilespmem:s14+$0x0];
	v5 =	vadd.f32 v5, v7  }
0x395: {  	s3 =	sadd.s32 s7, s8;
	v7 =	vld [tilespmem:s15+$0x380];
	[tilespmem:s5+$0x300] =	vst v0;
	v1 =	vadd.f32 v3, v1  }
0x396: {  	s9 =	sadd.s32 s0, s16;
	v0 =	vld [tilespmem:s3+$0x0];
	[tilespmem:s2+$0x380] =	vst v5  }
0x397: {  	s28 =	smov.u32 s22;
	s22 =	smov.u32 s21;
	v3 =	vld [tilespmem:s18+$0x380];
	[tilespmem:s21+$0x280] =	vst v1;
	s21 =	sld [smem:$0x7D0]  }
0x398: {  	s6 =	sadd.s32 s0, s29;
	s14 =	rddreg [dreg:$0x17];
	s15 =	sadd.s32 $0x1000, s10;
	v5 =	vld [tilespmem:s9+$0x0];
	v2 =	vadd.f32 v2, v6  }
0x399: {  	s14 =	sadd.s32 s1, s14;
	s12 =	sadd.s32 s17, s15;
	v1 =	vld [tilespmem:s6+$0x0]  }
0x39a: {  	s3 =	sadd.s32 s17, s14;
	v4 =	vadd.f32 v7, v4;
	[tilespmem:s12+$0x0] =	vst v2;
	v2 =	vld [tilespmem:s21+$0x0]  }
0x39b: {  	v6 =	vld [tilespmem:s3+$0x0]  }
0x39c: {  	s19 =	sadd.s32 s20, s16;
	[tilespmem:s11+$0x380] =	vst v4;
	v0 =	vadd.f32 v3, v0;
	v3 =	vld [tilespmem:s4+$0x80]  }
0x39d: {  	s13 =	sadd.s32 s20, s29;
	v4 =	vld [tilespmem:s19+$0x0]  }
0x39e: {  	s8 =	sadd.s32 s7, s16;
	v1 =	vadd.f32 v1, v5;
	v5 =	vld [tilespmem:s13+$0x0];
	[tilespmem:s5+$0x380] =	vst v0  }
0x39f: {  	s16 =	sadd.s32 s7, s29;
	s2 =	sadd.s32 s0, s15;
	v0 =	vld [tilespmem:s8+$0x0]  }
0x3a0: {  	s29 =	sadd.s32 s0, s14;
	[tilespmem:s2+$0x0] =	vst v1;
	v1 =	vld [tilespmem:s16+$0x0]  }
0x3a1: {  	s19 =	rddreg [dreg:$0x18];
	v7 =	vld [tilespmem:s29+$0x0];
	v3 =	vadd.f32 v3, v6  }
0x3a2: {  	s3 =	sadd.s32 s1, s19;
	v6 =	vld [tilespmem:s6+$0x80]  }
0x3a3: {  	s18 =	sadd.s32 s20, s15;
	s9 =	sadd.s32 s7, s15;
	s15 =	sadd.s32 s17, s3;
	v4 =	vadd.f32 v5, v4;
	[tilespmem:s12+$0x80] =	vst v3;
	v3 =	vld [tilespmem:s26+$0x300]  }
0x3a4: {  	v5 =	vld [tilespmem:s15+$0x0]  }
0x3a5: {  	s21 =	sadd.s32 s20, s14;
	[tilespmem:s18+$0x0] =	vst v4;
	v0 =	vadd.f32 v1, v0;
	v1 =	vld [tilespmem:s4+$0x100]  }
0x3a6: {  	v4 =	vld [tilespmem:s21+$0x0]  }
0x3a7: {  	s14 =	sadd.s32 s7, s14;
	v6 =	vadd.f32 v6, v7;
	v7 =	vld [tilespmem:s13+$0x80];
	[tilespmem:s9+$0x0] =	vst v0  }
0x3a8: {  	v0 =	vld [tilespmem:s14+$0x0]  }
0x3a9: {  	s29 =	sadd.s32 s0, s3;
	v2 =	vadd.f32 v3, v2;
	[tilespmem:s2+$0x80] =	vst v6;
	v3 =	vld [tilespmem:s16+$0x80]  }
0x3aa: {  	v6 =	vld [tilespmem:s29+$0x0];
	s29 =	sld [smem:$0x7D1]  }
0x3ab: {  	s19 =	rddreg [dreg:$0x19];
	v1 =	vadd.f32 v1, v5;
	[tilespmem:s31+$0x300] =	vst v2  }
0x3ac: {  	s5 =	sadd.s32 s1, s19;
	v2 =	vld [tilespmem:s6+$0x100]  }
0x3ad: {  	s15 =	sadd.s32 s17, s5;
	v4 =	vadd.f32 v7, v4;
	[tilespmem:s12+$0x100] =	vst v1;
	v1 =	vld [tilespmem:s29+$0x0]  }
0x3ae: {  	v5 =	vld [tilespmem:s15+$0x0]  }
0x3af: {  	s8 =	sadd.s32 s20, s3;
	[tilespmem:s18+$0x80] =	vst v4;
	v0 =	vadd.f32 v3, v0;
	v3 =	vld [tilespmem:s4+$0x180]  }
0x3b0: {  	v4 =	vld [tilespmem:s8+$0x0]  }
0x3b1: {  	s3 =	sadd.s32 s7, s3;
	[tilespmem:s9+$0x80] =	vst v0;
	v2 =	vadd.f32 v2, v6;
	v6 =	vld [tilespmem:s13+$0x100]  }
0x3b2: {  	v0 =	vld [tilespmem:s3+$0x0]  }
0x3b3: {  	s11 =	sadd.s32 s0, s5;
	[tilespmem:s2+$0x100] =	vst v2;
	v2 =	vld [tilespmem:s16+$0x100]  }
0x3b4: {  	s15 =	rddreg [dreg:$0x1a];
	v3 =	vadd.f32 v3, v5;
	v7 =	vld [tilespmem:s11+$0x0]  }
0x3b5: {  	s19 =	sadd.s32 s1, s15;
	v5 =	vld [tilespmem:s6+$0x180]  }
0x3b6: {  	s29 =	sadd.s32 s17, s19;
	[tilespmem:s12+$0x180] =	vst v3;
	v3 =	vld [tilespmem:s24+$0x300];
	v4 =	vadd.f32 v6, v4  }
0x3b7: {  	v6 =	vld [tilespmem:s29+$0x0]  }
0x3b8: {  	s14 =	sadd.s32 s20, s5;
	[tilespmem:s18+$0x100] =	vst v4;
	v0 =	vadd.f32 v2, v0;
	v2 =	vld [tilespmem:s4+$0x200]  }
0x3b9: {  	v4 =	vld [tilespmem:s14+$0x0]  }
0x3ba: {  	s5 =	sadd.s32 s7, s5;
	v5 =	vadd.f32 v5, v7;
	v7 =	vld [tilespmem:s13+$0x180];
	[tilespmem:s9+$0x100] =	vst v0  }
0x3bb: {  	v0 =	vld [tilespmem:s5+$0x0]  }
0x3bc: {  	s8 =	sadd.s32 s0, s19;
	s29 =	sld [smem:$0x7D2];
	v1 =	vadd.f32 v3, v1;
	[tilespmem:s2+$0x180] =	vst v5;
	v3 =	vld [tilespmem:s16+$0x180]  }
0x3bd: {  	s3 =	sadd.s32 s7, s19;
	s11 =	sadd.s32 s20, s19;
	s19 =	rddreg [dreg:$0x1b];
	v5 =	vld [tilespmem:s8+$0x0];
	v2 =	vadd.f32 v2, v6  }
0x3be: {  	s5 =	sadd.s32 s1, s19;
	[tilespmem:s25+$0x300] =	vst v1;
	v1 =	vld [tilespmem:s6+$0x200]  }
0x3bf: {  	s15 =	sadd.s32 s17, s5;
	v4 =	vadd.f32 v7, v4;
	[tilespmem:s12+$0x200] =	vst v2;
	v2 =	vld [tilespmem:s29+$0x0]  }
0x3c0: {  	v6 =	vld [tilespmem:s15+$0x0]  }
0x3c1: {  	[tilespmem:s18+$0x180] =	vst v4;
	v0 =	vadd.f32 v3, v0;
	v3 =	vld [tilespmem:s4+$0x280]  }
0x3c2: {  	v4 =	vld [tilespmem:s11+$0x0]  }
0x3c3: {  	v1 =	vadd.f32 v1, v5;
	v5 =	vld [tilespmem:s13+$0x200];
	[tilespmem:s9+$0x180] =	vst v0  }
0x3c4: {  	v0 =	vld [tilespmem:s3+$0x0]  }
0x3c5: {  	s8 =	sadd.s32 s0, s5;
	[tilespmem:s2+$0x200] =	vst v1;
	v1 =	vld [tilespmem:s16+$0x200]  }
0x3c6: {  	s15 =	rddreg [dreg:$0x1c];
	v7 =	vld [tilespmem:s8+$0x0];
	v3 =	vadd.f32 v3, v6  }
0x3c7: {  	s19 =	sadd.s32 s1, s15;
	v6 =	vld [tilespmem:s6+$0x280]  }
0x3c8: {  	s29 =	sadd.s32 s17, s19;
	v4 =	vadd.f32 v5, v4;
	[tilespmem:s12+$0x280] =	vst v3;
	v3 =	vld [tilespmem:s28+$0x300]  }
0x3c9: {  	v5 =	vld [tilespmem:s29+$0x0]  }
0x3ca: {  	s14 =	sadd.s32 s20, s5;
	[tilespmem:s18+$0x200] =	vst v4;
	v0 =	vadd.f32 v1, v0;
	v1 =	vld [tilespmem:s4+$0x300]  }
0x3cb: {  	v4 =	vld [tilespmem:s14+$0x0]  }
0x3cc: {  	s5 =	sadd.s32 s7, s5;
	v6 =	vadd.f32 v6, v7;
	v7 =	vld [tilespmem:s13+$0x280];
	[tilespmem:s9+$0x200] =	vst v0  }
0x3cd: {  	v0 =	vld [tilespmem:s5+$0x0]  }
0x3ce: {  	s8 =	sadd.s32 s0, s19;
	s29 =	sld [smem:$0x7D3];
	v2 =	vadd.f32 v3, v2;
	[tilespmem:s2+$0x280] =	vst v6;
	v3 =	vld [tilespmem:s16+$0x280]  }
0x3cf: {  	s11 =	sadd.s32 s20, s19;
	s3 =	sadd.s32 s7, s19;
	s19 =	rddreg [dreg:$0x1d];
	v6 =	vld [tilespmem:s8+$0x0];
	v1 =	vadd.f32 v1, v5  }
0x3d0: {  	s5 =	sadd.s32 s1, s19;
	[tilespmem:s22+$0x300] =	vst v2;
	v2 =	vld [tilespmem:s6+$0x300]  }
0x3d1: {  	s15 =	sadd.s32 s17, s5;
	v4 =	vadd.f32 v7, v4;
	[tilespmem:s12+$0x300] =	vst v1;
	v1 =	vld [tilespmem:s29+$0x0]  }
0x3d2: {  	v5 =	vld [tilespmem:s15+$0x0]  }
0x3d3: {  	[tilespmem:s18+$0x280] =	vst v4;
	v0 =	vadd.f32 v3, v0;
	v3 =	vld [tilespmem:s4+$0x380]  }
0x3d4: {  	v4 =	vld [tilespmem:s11+$0x0]  }
0x3d5: {  	v2 =	vadd.f32 v2, v6;
	v6 =	vld [tilespmem:s13+$0x300];
	[tilespmem:s9+$0x280] =	vst v0  }
0x3d6: {  	v0 =	vld [tilespmem:s3+$0x0]  }
0x3d7: {  	s8 =	sadd.s32 s0, s5;
	[tilespmem:s2+$0x300] =	vst v2;
	v2 =	vld [tilespmem:s16+$0x300]  }
0x3d8: {  	s11 =	rddreg [dreg:$0x1e];
	v7 =	vld [tilespmem:s8+$0x0];
	v3 =	vadd.f32 v3, v5  }
0x3d9: {  	s15 =	sadd.s32 s1, s11;
	v5 =	vld [tilespmem:s6+$0x380]  }
0x3da: {  	s30 =	sadd.s32 $0x1800, s30;
	v4 =	vadd.f32 v6, v4;
	[tilespmem:s12+$0x380] =	vst v3;
	s12 =	sadd.s32 s17, s15;
	v3 =	vld [tilespmem:s26+$0x380]  }
0x3db: {  	s14 =	sadd.s32 s20, s5;
	s19 =	sadd.s32 s7, s5;
	s5 =	sadd.s32 s17, s30;
	v6 =	vld [tilespmem:s12+$0x0]  }
0x3dc: {  	[tilespmem:s18+$0x300] =	vst v4;
	v0 =	vadd.f32 v2, v0;
	v2 =	vld [tilespmem:s5+$0x0]  }
0x3dd: {  	v4 =	vld [tilespmem:s14+$0x0]  }
0x3de: {  	v5 =	vadd.f32 v5, v7;
	v7 =	vld [tilespmem:s13+$0x380];
	[tilespmem:s9+$0x300] =	vst v0  }
0x3df: {  	v0 =	vld [tilespmem:s19+$0x0]  }
0x3e0: {  	s29 =	sadd.s32 s0, s15;
	v1 =	vadd.f32 v3, v1;
	[tilespmem:s2+$0x380] =	vst v5;
	v3 =	vld [tilespmem:s16+$0x380]  }
0x3e1: {  	s21 =	smov.u32 s28;
	s28 =	sadd.s32 s0, s30;
	v5 =	vld [tilespmem:s29+$0x0];
	s29 =	sld [smem:$0x7D4]  }
0x3e2: {  	s11 =	sadd.s32 s20, s15;
	s13 =	rddreg [dreg:$0x1f];
	s14 =	sadd.s32 $0x1800, s10;
	v2 =	vadd.f32 v2, v6;
	[tilespmem:s31+$0x380] =	vst v1  }
0x3e3: {  	s12 =	sadd.s32 s7, s15;
	s15 =	sadd.s32 s17, s14;
	s19 =	sadd.s32 s1, s13;
	v1 =	vld [tilespmem:s28+$0x0]  }
0x3e4: {  	s26 =	sadd.s32 s17, s19;
	v4 =	vadd.f32 v7, v4;
	[tilespmem:s15+$0x0] =	vst v2;
	v2 =	vld [tilespmem:s29+$0x0]  }
0x3e5: {  	v6 =	vld [tilespmem:s26+$0x0]  }
0x3e6: {  	[tilespmem:s18+$0x380] =	vst v4;
	v0 =	vadd.f32 v3, v0;
	v3 =	vld [tilespmem:s5+$0x80]  }
0x3e7: {  	s4 =	sadd.s32 s20, s30;
	v4 =	vld [tilespmem:s11+$0x0]  }
0x3e8: {  	[tilespmem:s9+$0x380] =	vst v0;
	v1 =	vadd.f32 v1, v5;
	v5 =	vld [tilespmem:s4+$0x0]  }
0x3e9: {  	s6 =	sadd.s32 s7, s30;
	s16 =	sadd.s32 s0, s14;
	s9 =	sld [smem:$0x7EA];
	v0 =	vld [tilespmem:s12+$0x0]  }
0x3ea: {  	s30 =	sadd.s32 s0, s19;
	[tilespmem:s16+$0x0] =	vst v1;
	v1 =	vld [tilespmem:s6+$0x0]  }
0x3eb: {  	v3 =	vadd.f32 v3, v6;
	v7 =	vld [tilespmem:s30+$0x0]  }
0x3ec: {  	s8 =	sadd.s32 s1, s9;
	v6 =	vld [tilespmem:s28+$0x80]  }
0x3ed: {  	s18 =	sadd.s32 s17, s8;
	[tilespmem:s15+$0x80] =	vst v3;
	v3 =	vld [tilespmem:s24+$0x380];
	v4 =	vadd.f32 v5, v4  }
0x3ee: {  	s2 =	sadd.s32 s20, s14;
	v5 =	vld [tilespmem:s18+$0x0]  }
0x3ef: {  	s31 =	sadd.s32 s20, s19;
	[tilespmem:s2+$0x0] =	vst v4;
	v0 =	vadd.f32 v1, v0;
	v1 =	vld [tilespmem:s5+$0x100]  }
0x3f0: {  	s3 =	sadd.s32 s7, s14;
	s18 =	smov.u32 s4;
	v4 =	vld [tilespmem:s31+$0x0]  }
0x3f1: {  	s10 =	sadd.s32 s7, s19;
	v6 =	vadd.f32 v6, v7;
	v7 =	vld [tilespmem:s18+$0x80];
	[tilespmem:s3+$0x0] =	vst v0  }
0x3f2: {  	s24 =	sld [smem:$0x7EB];
	v0 =	vld [tilespmem:s10+$0x0]  }
0x3f3: {  	s11 =	sadd.s32 s0, s8;
	s30 =	sld [smem:$0x7D5];
	v2 =	vadd.f32 v3, v2;
	[tilespmem:s16+$0x80] =	vst v6;
	v3 =	vld [tilespmem:s6+$0x80]  }
0x3f4: {  	v6 =	vld [tilespmem:s11+$0x0];
	v1 =	vadd.f32 v1, v5  }
0x3f5: {  	s26 =	sadd.s32 s1, s24;
	[tilespmem:s25+$0x380] =	vst v2;
	v5 =	vld [tilespmem:s28+$0x100]  }
0x3f6: {  	s29 =	sadd.s32 s17, s26;
	v2 =	vld [tilespmem:s30+$0x0];
	v4 =	vadd.f32 v7, v4;
	[tilespmem:s15+$0x100] =	vst v1  }
0x3f7: {  	s14 =	smov.u32 s2;
	v1 =	vld [tilespmem:s29+$0x0]  }
0x3f8: {  	s13 =	sadd.s32 s20, s8;
	[tilespmem:s14+$0x80] =	vst v4;
	v0 =	vadd.f32 v3, v0;
	v7 =	vld [tilespmem:s5+$0x180]  }
0x3f9: {  	p0 =	slt.u32 s23, $0xC;
	v4 =	vld [tilespmem:s13+$0x0]  }
.Ltmp0:
0x3fa: {  	s19 =	sadd.s32 s7, s8;
	v5 =	vadd.f32 v5, v6;
	v6 =	vld [tilespmem:s18+$0x100];
	[tilespmem:s3+$0x80] =	vst v0;
	(pc) =	sbr.rel @p0 .LBB2_3-.Ltmp0, $4  }
0x3fb: {  	s31 =	sld [smem:$0x7EC];
	v3 =	vld [tilespmem:s19+$0x0]  }
0x3fc: {  	s4 =	sadd.s32 s0, s26;
	[tilespmem:s16+$0x100] =	vst v5;
	v5 =	vld [tilespmem:s6+$0x100]  }
0x3fd: {  	v0 =	vld [tilespmem:s4+$0x0]  }
0x3fe: {  	s8 =	sadd.s32 s20, s26;
	s25 =	sadd.s32 s7, s26;
	v7 =	vadd.f32 v7, v1;
	v1 =	vld [tilespmem:s28+$0x180];
	s4 =	sadd.s32 s1, s31  }
0x3ff: {  	_ = 	snop  }
0x400: {  	s9 =	sadd.s32 s17, s4;
	[tilespmem:s15+$0x180] =	vst v7  }
0x401: {  	v4 =	vadd.f32 v6, v4;
	v30 =	vld [tilespmem:s9+$0x0]  }
0x402: {  	v3 =	vadd.f32 v5, v3;
	v31 =	vld [tilespmem:s5+$0x200]  }
0x403: {  	[tilespmem:s14+$0x100] =	vst v4  }
0x404: {  	[tilespmem:s3+$0x100] =	vst v3  }
0x405: {  	s19 =	sld [smem:$0x7DF];
	_ =	sdelay $0x1  }
0x406: {  	v4 =	vld [tilespmem:s8+$0x0];
	v32 =	vadd.f32 v31, v30  }
0x407: {  	v33 =	vld [tilespmem:s18+$0x180];
	s23 =	sadd.s32 s1, s19  }
0x408: {  	v35 =	vld [tilespmem:s25+$0x0];
	[tilespmem:s15+$0x200] =	vst v32;
	s9 =	sadd.s32 s17, s23  }
0x409: {  	v3 =	vld [tilespmem:s9+$0x0]  }
0x40a: {  	v34 =	vld [tilespmem:s5+$0x280]  }
0x40b: {  	v36 =	vld [tilespmem:s6+$0x180]  }
0x40c: {  	v0 =	vadd.f32 v1, v0;
	_ =	sdelay $0x1  }
0x40d: {  	s2 =	sadd.s32 s0, s4;
	[tilespmem:s16+$0x180] =	vst v0;
	v4 =	vadd.f32 v33, v4  }
0x40e: {  	v38 =	vld [tilespmem:s2+$0x0];
	v37 =	vadd.f32 v34, v3  }
0x40f: {  	s25 =	sadd.s32 s20, s4;
	v40 =	vld [tilespmem:s28+$0x200];
	[tilespmem:s14+$0x180] =	vst v4;
	v39 =	vadd.f32 v36, v35  }
0x410: {  	s24 =	sld [smem:$0x7E0];
	v4 =	vld [tilespmem:s25+$0x0];
	[tilespmem:s15+$0x280] =	vst v37  }
0x411: {  	s29 =	sadd.s32 s7, s4;
	v41 =	vld [tilespmem:s18+$0x200];
	s26 =	sld [smem:$0x7E2];
	[tilespmem:s3+$0x180] =	vst v39  }
0x412: {  	v42 =	vld [tilespmem:s29+$0x0]  }
0x413: {  	v43 =	vld [tilespmem:s6+$0x200]  }
0x414: {  	v1 =	vadd.f32 v40, v38;
	_ =	sdelay $0x1  }
0x415: {  	s30 =	sadd.s32 s0, s23;
	v0 =	vadd.f32 v41, v4;
	[tilespmem:s16+$0x200] =	vst v1  }
0x416: {  	v1 =	vld [tilespmem:s30+$0x0]  }
0x417: {  	s31 =	sadd.s32 s20, s23;
	[tilespmem:s14+$0x200] =	vst v0;
	v45 =	vld [tilespmem:s28+$0x280];
	v44 =	vadd.f32 v43, v42  }
0x418: {  	v46 =	vld [tilespmem:s31+$0x0]  }
0x419: {  	s8 =	sadd.s32 s7, s23;
	v47 =	vld [tilespmem:s18+$0x280];
	[tilespmem:s3+$0x200] =	vst v44  }
0x41a: {  	v48 =	vld [tilespmem:s8+$0x0]  }
0x41b: {  	s9 =	sadd.s32 s1, s24;
	v49 =	vld [tilespmem:s6+$0x280]  }
0x41c: {  	s10 =	sadd.s32 s17, s9;
	v1 =	vadd.f32 v45, v1  }
0x41d: {  	v50 =	vld [tilespmem:s10+$0x0]  }
0x41e: {  	s11 =	sadd.s32 s0, s9;
	v51 =	vld [tilespmem:s5+$0x300];
	v0 =	vadd.f32 v47, v46;
	[tilespmem:s16+$0x280] =	vst v1  }
0x41f: {  	v1 =	vld [tilespmem:s11+$0x0]  }
0x420: {  	s12 =	sadd.s32 s20, s9;
	[tilespmem:s14+$0x280] =	vst v0;
	v53 =	vld [tilespmem:s28+$0x300];
	v52 =	vadd.f32 v49, v48  }
0x421: {  	v54 =	vld [tilespmem:s12+$0x0]  }
0x422: {  	s4 =	sadd.s32 s7, s9;
	v55 =	vld [tilespmem:s18+$0x300];
	[tilespmem:s3+$0x280] =	vst v52  }
0x423: {  	v3 =	vadd.f32 v51, v50;
	v56 =	vld [tilespmem:s4+$0x0]  }
0x424: {  	s13 =	sadd.s32 s1, s26;
	v57 =	vld [tilespmem:s6+$0x300]  }
0x425: {  	v8 =	vld [tilespmem:s21+$0x380];
	s2 =	sadd.s32 s17, s13;
	[tilespmem:s15+$0x300] =	vst v3;
	v1 =	vadd.f32 v53, v1  }
0x426: {  	v3 =	vld [tilespmem:s2+$0x0]  }
0x427: {  	s19 =	sadd.s32 s0, s13;
	v58 =	vld [tilespmem:s5+$0x380];
	v0 =	vadd.f32 v55, v54;
	[tilespmem:s16+$0x300] =	vst v1  }
0x428: {  	v1 =	vld [tilespmem:s19+$0x0]  }
0x429: {  	s21 =	sadd.s32 s20, s13;
	[tilespmem:s14+$0x300] =	vst v0;
	v59 =	vld [tilespmem:s28+$0x380];
	v60 =	vadd.f32 v57, v56  }
0x42a: {  	v61 =	vld [tilespmem:s21+$0x0]  }
0x42b: {  	s23 =	sadd.s32 s7, s13;
	v62 =	vld [tilespmem:s18+$0x380];
	[tilespmem:s3+$0x300] =	vst v60  }
0x42c: {  	v0 =	vld [tilespmem:s23+$0x0]  }
0x42d: {  	v2 =	vadd.f32 v8, v2;
	v9 =	vld [tilespmem:s6+$0x380]  }
0x42e: {  	v3 =	vadd.f32 v58, v3;
	s24 =	sld [smem:$0x7D7]  }
0x42f: {  	v1 =	vadd.f32 v59, v1;
	s25 =	sld [smem:$0x7EF];
	[tilespmem:s22+$0x380] =	vst v2  }
0x430: {  	s26 =	sld [smem:$0x7D6];
	[tilespmem:s15+$0x380] =	vst v3  }
0x431: {  	v63 =	vadd.f32 v62, v61;
	[tilespmem:s16+$0x380] =	vst v1;
	s0 =	sshll.u32 s24, $0xD  }
0x432: {  	s28 =	sld [smem:$0x7F1];
	s0 =	sor.u32 s25, s0;
	v0 =	vadd.f32 v9, v0  }
0x433: {  	[tilespmem:s14+$0x380] =	vst v63;
	s0 =	sadd.s32 s26, s0  }
0x434: {  	s29 =	rddreg [dreg:$0x3];
	s0 =	sshll.u32 s0, $0xA;
	[tilespmem:s3+$0x380] =	vst v0  }
0x435: {  	s0 =	sor.u32 s28, s0;
	s3 =	sld [smem:$0x7DB]  }
0x436: {  	s0 =	sshrl.u32 s0, $0x3;
	s1 =	sld [smem:$0x7D8]  }
0x437: {  	s30 =	simm.s32 $0x800;
	s31 =	simm.s32 $0x2000;
	s0 =	sadd.s32 s29, s0  }
0x438: {  	[hbm4b:s0+s30] =	stream.strided.scatter [tilespmem:s3], [sflag:$0x2], $0x2000, s31, s30, $0x38;
	[tilespmem:$0x19000] =	vst v63  }
0x439: {  	p0 =	seq.s32 s1, $0x0  }
0x43a: {  	s19 =	sadd.s32 $0x1, s1;
	p1 =	seq.s32 @!p0 s1, $0x7F  }
0x43b: {  	p0 =	por p1, p0;
	p1 =	sne.s32 s19, $0x80  }
.Ltmp1:
0x43c: {  	_ = 	snop;
	(pc) =	sbr.rel @p1 .LBB2_2-.Ltmp1, $4  }
0x43d: {  	s0 =	simm.s32 @!p0 $0x2  }
0x43e: {  	_ =	swait.ge @!p0 [sflag:s0], $0x2000  }
0x43f: {  	[sflag:s0] =	ssyncset.done @!p0 $0x0  }
0x440: {  	[sflag:s0] =	ssyncadd.s32 @!p0 $0xFFFFE000  }
0x441: {  	s1 =	simm.s32 $0x2  }
0x442: {  	_ =	swait.ge [sflag:s1], $0x2000  }
0x443: {  	[sflag:s1] =	ssyncset.done $0x0  }
0x444: {  	[sflag:s1] =	ssyncadd.s32 $0xFFFFE000  }
0x445: {  	_ =	swait.ge [sflag:s1], $0x2000  }
0x446: {  	s2 =	sld [smem:$0x7EE]  }
0x447: {  	s0 =	sld [smem:$0x7F7];
	_ =	sdelay $0x1  }
0x448: {  	s2 =	sadd.s32 $0x1, s2  }
0x449: {  	p0 =	sne.s32 s2, s0  }
.Ltmp2:
0x44a: {  	_ = 	snop;
	(pc) =	sbr.rel @p0 .LBB2_1-.Ltmp2, $3  }
0x44b: {  	_ =	sdelay $0x1  }
0x44c: {  	[sflag:s1] =	ssyncset.done $0x0  }
0x44d: {  	[sflag:s1] =	ssyncadd.s32 $0xFFFFE000  }
0x44e: {  	_ =	sfence.sel $0x180000  }
0x44f: {  	[bflag:$0x0] =	sbarrier.arrive $0xFFFF  }
0x450: {  	_ =	strace $0x90000047  }
0x451: {  	s0 =	stileid.u32;
	[bflag:$0x2] =	sbarrier.arrive $0xFFFF  }
0x452: {  	p0 =	sne.s32 s0, $0x0;
	s0 =	rddreg [dreg:$0x4]  }
0x453: {  	s0 =	sadd.s32 @!p0 $0x100000, s0  }
0x454: {  	[sflag:s0] =	ssyncadd.tile.s32 @!p0 $0x1;
	_ =	shalt  }
.Lfunc_end2:
_tile_overlayer_lowered:
.L_overlay_start_2:
0x455: {  	(tag) =	ssettag $0x2  }
0x456: {  	s0 =	rddreg [dreg:$0x0];
	s2 =	stileid.u32  }
0x457: {  	s1 =	rddreg [dreg:$0x1];
	p0 =	sne.s32 s2, $0x0  }
0x458: {  	s3 =	rddreg [dreg:$0x2];
	[bflag:$0x3] =	sbarrier.arrive $0xFFFF;
	s2 =	simm.s32 @!p0 $0x1C03  }
0x459: {  	[timem:s3], [sflag:s2] =	dma.local @!p0 [hbm:s0], s1  }
0x45a: {  	s0 =	simm.s32 @!p0 $0x3  }
0x45b: {  	_ =	swait.ge @!p0 [sflag:s0], s1  }
0x45c: {  	s1 =	ssub.s32 @!p0 $0x0, s1;
	[sflag:s0] =	ssyncset.done @!p0 $0x0  }
0x45d: {  	[sflag:s0] =	ssyncadd.s32 @!p0 s1  }
0x45e: {  	[bflag:$0x3] =	sbarrier.arrive $0xFFFF  }
0x45f: {  	_ =	shalt  }

</sc_bundles>
